<compile_context>
chip_gen: v7x
topology: tpu7x:2x2x1
jax: 0.10.2.dev20260603
libtpu: 0.0.44.dev20260713+nightly
codegen_flags: <defaults>
</compile_context>

<pallas_src>
import functools

import jax
import jax.numpy as jnp
from jax import lax
from jax.experimental import pallas as pl
from jax.experimental.pallas import tpu as pltpu
from jax.experimental.pallas import tpu_sc as plsc

VOCAB = 30522
DIM = 768
SEQ = 512
BATCH = 64
EPS = 1e-12

ROWS = BATCH * SEQ
NLANE = 16
NVREG = DIM // NLANE
CHUNK = 64

_info = plsc.get_sparse_core_info()
NC = _info.num_cores
NS = _info.num_subcores
NW = NC * NS
ROWS_W = ROWS // NW
NCHUNK = ROWS_W // CHUNK

_mesh = plsc.VectorSubcoreMesh(core_axis_name="c", subcore_axis_name="s")

_GDN = lax.GatherDimensionNumbers(
    offset_dims=(), collapsed_slice_dims=(0,), start_index_map=(0,))


def _lane_allreduce(x):
    lanes = jnp.arange(NLANE, dtype=jnp.int32)
    for k in (1, 2, 4, 8):
        perm = (lanes ^ k).reshape(NLANE, 1)
        x = x + lax.gather(x, perm, _GDN, (1,),
                           mode=lax.GatherScatterMode.PROMISE_IN_BOUNDS)
    return x


@functools.partial(
    pl.kernel,
    mesh=_mesh,
    out_type=jax.ShapeDtypeStruct((ROWS, DIM), jnp.float32),
    scratch_types=[
        pltpu.VMEM((CHUNK,), jnp.int32),
        pltpu.VMEM((CHUNK, DIM), jnp.float32),
        pltpu.VMEM((CHUNK, DIM), jnp.float32),
        pltpu.VMEM((DIM,), jnp.float32),
        pltpu.VMEM((DIM,), jnp.float32),
        pltpu.SemaphoreType.DMA,
    ],
)
def _ln_embed(word_hbm, idx_hbm, pos_hbm, gamma_hbm, beta_hbm, out_hbm,
              idx_v, rows_v, pos_v, gamma_v, beta_v, sem):
    wid = lax.axis_index("s") * NC + lax.axis_index("c")
    slab = wid * ROWS_W

    pltpu.sync_copy(gamma_hbm, gamma_v)
    pltpu.sync_copy(beta_hbm, beta_v)

    def chunk_body(c, carry):
        base = slab + c * CHUNK
        s0 = (c % (SEQ // CHUNK)) * CHUNK
        pltpu.sync_copy(idx_hbm.at[pl.ds(base, CHUNK)], idx_v)
        pltpu.async_copy(word_hbm.at[idx_v], rows_v, sem).wait()
        pltpu.sync_copy(pos_hbm.at[pl.ds(s0, CHUNK)], pos_v)

        def row_body(i, rcarry):
            ssum = jnp.zeros((NLANE,), jnp.float32)
            ssq = jnp.zeros((NLANE,), jnp.float32)
            for j in range(NVREG):
                sl = pl.ds(j * NLANE, NLANE)
                x = rows_v[i, sl] + pos_v[i, sl]
                rows_v[i, sl] = x
                ssum = ssum + x
                ssq = ssq + x * x
            mean_v = _lane_allreduce(ssum) * (1.0 / DIM)
            var_v = _lane_allreduce(ssq) * (1.0 / DIM) - mean_v * mean_v
            v = var_v + EPS
            bits = lax.bitcast_convert_type(v, jnp.int32)
            y = lax.bitcast_convert_type(
                jnp.int32(0x5F3759DF) - (bits >> 1), jnp.float32)
            for _ in range(3):
                y = y * (1.5 - 0.5 * v * y * y)
            rstd = y
            for j in range(NVREG):
                sl = pl.ds(j * NLANE, NLANE)
                a = gamma_v[sl] * rstd
                rows_v[i, sl] = (rows_v[i, sl] - mean_v) * a + beta_v[sl]
            return rcarry

        lax.fori_loop(0, CHUNK, row_body, 0)
        pltpu.sync_copy(rows_v, out_hbm.at[pl.ds(base, CHUNK)])
        return carry

    lax.fori_loop(0, NCHUNK, chunk_body, 0)


def kernel(news_batch, word_table, pos_table, gamma, beta):
    idx = news_batch.reshape(ROWS).astype(jnp.int32)
    out = _ln_embed(word_table, idx, pos_table, gamma, beta)
    return out.reshape(BATCH, SEQ, DIM)

# --- scband reference (transcript-rebuilt; emitter-appended) ---
"""Pipeline reference for scband-bert-embedding-84232898609516 (READ-ONLY COPY).

The authoritative reference and input builder live on the scoring server;
editing this copy changes nothing except your own understanding.
"""

import jax, jax.numpy as jnp
import numpy as np

VOCAB = 30522
DIM = 768
SEQ = 512
BATCH = 64
EPS = 1e-12


def setup_inputs(seed: int = 0) -> dict:
    key = jax.random.key(seed)
    k1, k2, k3 = jax.random.split(key, 3)
    news_batch = jax.random.randint(k1, (BATCH, SEQ), 0, VOCAB, dtype=jnp.int64 if jax.config.jax_enable_x64 else jnp.int32)
    word_table = jax.random.normal(k2, (VOCAB, DIM), dtype=jnp.float32) * 0.02
    pos_table = jax.random.normal(k3, (SEQ, DIM), dtype=jnp.float32) * 0.02
    gamma = jnp.ones((DIM,), dtype=jnp.float32)
    beta = jnp.zeros((DIM,), dtype=jnp.float32)
    return {
        "news_batch": news_batch,
        "word_table": word_table,
        "pos_table": pos_table,
        "gamma": gamma,
        "beta": beta,
    }


def reference(news_batch, word_table, pos_table, gamma, beta):
    # word embedding lookup (gather)
    word_embeds = jnp.take(word_table, news_batch, axis=0)  # [B, S, D]
    # broadcast position embeddings: pos_embedding.unsqueeze(0)
    x = pos_table[None, :, :] + word_embeds
    # BERT embeddings LayerNorm (eps=1e-12); dropout is identity in eval
    mean = jnp.mean(x, axis=-1, keepdims=True)
    var = jnp.var(x, axis=-1, keepdims=True)
    xn = (x - mean) / jnp.sqrt(var + EPS)
    return xn * gamma + beta

if __name__ == "__main__":
    import jax
    _d = setup_inputs()
    print(jax.jit(kernel)(*tuple(_d.values())))

</pallas_src>

<mosaic_0001>
#map = affine_map<(d0, d1) -> (0, 0)>
#map1 = affine_map<(d0, d1) -> (0)>
module attributes {stable_mosaic.version = 14 : i64} {
  func.func @_ln_embed(%arg0: i32, %arg1: i32, %arg2: memref<30522x768xf32, #tpu.memory_space<hbm>>, %arg3: memref<32768xi32, #tpu.memory_space<hbm>>, %arg4: memref<512x768xf32, #tpu.memory_space<hbm>>, %arg5: memref<768xf32, #tpu.memory_space<hbm>>, %arg6: memref<768xf32, #tpu.memory_space<hbm>>, %arg7: memref<32768x768xf32, #tpu.memory_space<hbm>>, %arg8: memref<64xi32, #tpu.memory_space<vmem>>, %arg9: memref<64x768xf32, #tpu.memory_space<vmem>>, %arg10: memref<64x768xf32, #tpu.memory_space<vmem>>, %arg11: memref<768xf32, #tpu.memory_space<vmem>>, %arg12: memref<768xf32, #tpu.memory_space<vmem>>, %arg13: memref<!tpu.dma_semaphore, #tpu.memory_space<semaphore_mem>>) attributes {dimension_semantics = [#tpu.dimension_semantics<core_parallel>, #tpu.dimension_semantics<subcore_parallel>], iteration_bounds = array<i64: 2, 16>, scalar_prefetch = 0 : i64, scratch_operands = 6 : i64, tpu.core_type = #tpu.core_type<sc_vector_subcore>, window_params = [{transform_indices = #map}, {transform_indices = #map1}, {transform_indices = #map}, {transform_indices = #map1}, {transform_indices = #map1}, {transform_indices = #map}]} {
    %mul3A = arith.constant 2 : i32
    %mul3A_0 = arith.muli %arg1, %mul3A : i32
    %add3A = arith.addi %mul3A_0, %arg0 : i32
    %mul3A_1 = arith.constant 1024 : i32
    %mul3A_2 = arith.muli %add3A, %mul3A_1 : i32
    "tpu.region"() ({
      %run_scoped3A = tpu.sem_alloc : memref<!tpu.dma_semaphore, #tpu.memory_space<semaphore_mem>>
      tpu.enqueue_dma source(%arg5 : memref<768xf32, #tpu.memory_space<hbm>>) target(%arg11 : memref<768xf32, #tpu.memory_space<vmem>>) target_semaphore(%run_scoped3A : memref<!tpu.dma_semaphore, #tpu.memory_space<semaphore_mem>>)
      tpu.wait_dma2 semaphore(%run_scoped3A : memref<!tpu.dma_semaphore, #tpu.memory_space<semaphore_mem>>) src(%arg5 : memref<768xf32, #tpu.memory_space<hbm>>) dst(%arg11 : memref<768xf32, #tpu.memory_space<vmem>>)
      tpu.yield
    }) : () -> ()
    "tpu.region"() ({
      %run_scoped3A = tpu.sem_alloc : memref<!tpu.dma_semaphore, #tpu.memory_space<semaphore_mem>>
      tpu.enqueue_dma source(%arg6 : memref<768xf32, #tpu.memory_space<hbm>>) target(%arg12 : memref<768xf32, #tpu.memory_space<vmem>>) target_semaphore(%run_scoped3A : memref<!tpu.dma_semaphore, #tpu.memory_space<semaphore_mem>>)
      tpu.wait_dma2 semaphore(%run_scoped3A : memref<!tpu.dma_semaphore, #tpu.memory_space<semaphore_mem>>) src(%arg6 : memref<768xf32, #tpu.memory_space<hbm>>) dst(%arg12 : memref<768xf32, #tpu.memory_space<vmem>>)
      tpu.yield
    }) : () -> ()
    %scan3A = arith.constant 0 : i32
    %scan3A_3 = arith.constant 0 : i32
    %scan3A_4 = arith.constant 16 : i32
    %scan3A_5 = arith.addi %scan3A_3, %scan3A_4 : i32
    %scan3A_6 = arith.constant 1 : i32
    scf.for %scan3A_8 = %scan3A_3 to %scan3A_5 step %scan3A_6  : i32 {
      %mul3A_9 = arith.constant 64 : i32
      %mul3A_10 = arith.muli %scan3A_8, %mul3A_9 : i32
      %add3A_11 = arith.addi %mul3A_2, %mul3A_10 : i32
      %jit3A = arith.constant 8 : i32
      %eq3A = arith.constant 0 : i32
      %eq3A_12 = arith.cmpi eq, %jit3A, %eq3A : i32
      %jit3A_13 = arith.constant 1 : i32
      %select_n3A = arith.select %eq3A_12, %jit3A_13, %jit3A : i32
      %rem3A = arith.remsi %scan3A_8, %select_n3A : i32
      %ne3A = arith.constant 0 : i32
      %ne3A_14 = arith.cmpi ne, %rem3A, %ne3A : i32
      %lt3A = arith.constant 0 : i32
      %lt3A_15 = arith.cmpi slt, %rem3A, %lt3A : i32
      %lt3A_16 = arith.constant 0 : i32
      %lt3A_17 = arith.cmpi slt, %select_n3A, %lt3A_16 : i32
      %ne3A_18 = arith.xori %lt3A_15, %lt3A_17 : i1
      %and3A = arith.andi %ne3A_18, %ne3A_14 : i1
      %add3A_19 = arith.addi %rem3A, %select_n3A : i32
      %select_n3A_20 = arith.select %and3A, %add3A_19, %rem3A : i32
      %mul3A_21 = arith.constant 64 : i32
      %mul3A_22 = arith.muli %select_n3A_20, %mul3A_21 : i32
      "tpu.region"() ({
        %run_scoped3A = tpu.sem_alloc : memref<!tpu.dma_semaphore, #tpu.memory_space<semaphore_mem>>
        %dma_start3A_33 = tpu.memref_slice %arg3[%add3A_11] : memref<32768xi32, #tpu.memory_space<hbm>> -> memref<64xi32, #tpu.memory_space<hbm>>
        %dma_start3A_34 = tpu.memref_slice %arg3[%add3A_11] : memref<32768xi32, #tpu.memory_space<hbm>> -> memref<64xi32, #tpu.memory_space<hbm>>
        tpu.enqueue_dma source(%dma_start3A_34 : memref<64xi32, #tpu.memory_space<hbm>>) target(%arg8 : memref<64xi32, #tpu.memory_space<vmem>>) target_semaphore(%run_scoped3A : memref<!tpu.dma_semaphore, #tpu.memory_space<semaphore_mem>>)
        %dma_wait3A_35 = tpu.memref_slice %arg3[%add3A_11] : memref<32768xi32, #tpu.memory_space<hbm>> -> memref<64xi32, #tpu.memory_space<hbm>>
        %dma_wait3A_36 = tpu.memref_slice %arg3[%add3A_11] : memref<32768xi32, #tpu.memory_space<hbm>> -> memref<64xi32, #tpu.memory_space<hbm>>
        tpu.wait_dma2 semaphore(%run_scoped3A : memref<!tpu.dma_semaphore, #tpu.memory_space<semaphore_mem>>) src(%dma_wait3A_36 : memref<64xi32, #tpu.memory_space<hbm>>) dst(%arg8 : memref<64xi32, #tpu.memory_space<vmem>>)
        tpu.yield
      }) : () -> ()
      %dma_start3A = arith.constant 0 : i32
      %dma_start3A_23 = arith.constant 0 : i32
      %dma_start3A_24 = tpu.memref_slice %arg2[%dma_start3A, %dma_start3A_23] : memref<30522x768xf32, #tpu.memory_space<hbm>> -> memref<30522x768xf32, #tpu.memory_space<hbm>>
      tpu.enqueue_indirect_dma source(%dma_start3A_24 : memref<30522x768xf32, #tpu.memory_space<hbm>>) target(%arg9 : memref<64x768xf32, #tpu.memory_space<vmem>>) offsets(%arg8 : memref<64xi32, #tpu.memory_space<vmem>>) semaphore(%arg13 : memref<!tpu.dma_semaphore, #tpu.memory_space<semaphore_mem>>)
      %dma_wait3A = arith.constant 0 : i32
      %dma_wait3A_25 = arith.constant 0 : i32
      %dma_wait3A_26 = tpu.memref_slice %arg2[%dma_wait3A, %dma_wait3A_25] : memref<30522x768xf32, #tpu.memory_space<hbm>> -> memref<30522x768xf32, #tpu.memory_space<hbm>>
      tpu.wait_indirect_dma semaphore(%arg13 : memref<!tpu.dma_semaphore, #tpu.memory_space<semaphore_mem>>) src(%dma_wait3A_26 : memref<30522x768xf32, #tpu.memory_space<hbm>>) dst(%arg9 : memref<64x768xf32, #tpu.memory_space<vmem>>)
      "tpu.region"() ({
        %run_scoped3A = tpu.sem_alloc : memref<!tpu.dma_semaphore, #tpu.memory_space<semaphore_mem>>
        %dma_start3A_33 = arith.constant 0 : i32
        %dma_start3A_34 = tpu.memref_slice %arg4[%mul3A_22, %dma_start3A_33] : memref<512x768xf32, #tpu.memory_space<hbm>> -> memref<64x768xf32, #tpu.memory_space<hbm>>
        %dma_start3A_35 = arith.constant 0 : i32
        %dma_start3A_36 = tpu.memref_slice %arg4[%mul3A_22, %dma_start3A_35] : memref<512x768xf32, #tpu.memory_space<hbm>> -> memref<64x768xf32, #tpu.memory_space<hbm>>
        tpu.enqueue_dma source(%dma_start3A_36 : memref<64x768xf32, #tpu.memory_space<hbm>>) target(%arg10 : memref<64x768xf32, #tpu.memory_space<vmem>>) target_semaphore(%run_scoped3A : memref<!tpu.dma_semaphore, #tpu.memory_space<semaphore_mem>>)
        %dma_wait3A_37 = arith.constant 0 : i32
        %dma_wait3A_38 = tpu.memref_slice %arg4[%mul3A_22, %dma_wait3A_37] : memref<512x768xf32, #tpu.memory_space<hbm>> -> memref<64x768xf32, #tpu.memory_space<hbm>>
        %dma_wait3A_39 = arith.constant 0 : i32
        %dma_wait3A_40 = tpu.memref_slice %arg4[%mul3A_22, %dma_wait3A_39] : memref<512x768xf32, #tpu.memory_space<hbm>> -> memref<64x768xf32, #tpu.memory_space<hbm>>
        tpu.wait_dma2 semaphore(%run_scoped3A : memref<!tpu.dma_semaphore, #tpu.memory_space<semaphore_mem>>) src(%dma_wait3A_40 : memref<64x768xf32, #tpu.memory_space<hbm>>) dst(%arg10 : memref<64x768xf32, #tpu.memory_space<vmem>>)
        tpu.yield
      }) : () -> ()
      %scan3A_27 = arith.constant 0 : i32
      %scan3A_28 = arith.constant 0 : i32
      %scan3A_29 = arith.constant 64 : i32
      %scan3A_30 = arith.addi %scan3A_28, %scan3A_29 : i32
      %scan3A_31 = arith.constant 1 : i32
      scf.for %scan3A_33 = %scan3A_28 to %scan3A_30 step %scan3A_31  : i32 {
        %broadcast_in_dim3A = arith.constant 0.000000e+00 : f32
        %broadcast_in_dim3A_34 = vector.broadcast %broadcast_in_dim3A : f32 to vector<16xf32>
        %broadcast_in_dim3A_35 = arith.constant 0.000000e+00 : f32
        %broadcast_in_dim3A_36 = vector.broadcast %broadcast_in_dim3A_35 : f32 to vector<16xf32>
        %get3A = arith.index_cast %scan3A_33 : i32 to index
        %get3A_37 = arith.constant 0 : index
        %get3A_38 = tpu.vector_load %arg9[%get3A, %get3A_37] {strides = array<i32>} : memref<64x768xf32, #tpu.memory_space<vmem>>, vector<1x16xf32>,
        %get3A_39 = vector.shape_cast %get3A_38 : vector<1x16xf32> to vector<16xf32>
        %get3A_40 = arith.index_cast %scan3A_33 : i32 to index
        %get3A_41 = arith.constant 0 : index
        %get3A_42 = tpu.vector_load %arg10[%get3A_40, %get3A_41] {strides = array<i32>} : memref<64x768xf32, #tpu.memory_space<vmem>>, vector<1x16xf32>,
        %get3A_43 = vector.shape_cast %get3A_42 : vector<1x16xf32> to vector<16xf32>
        %add3A_44 = arith.addf %get3A_39, %get3A_43 : vector<16xf32>
        %swap3A = arith.index_cast %scan3A_33 : i32 to index
        %swap3A_45 = arith.constant 0 : index
        %swap3A_46 = tpu.vector_load %arg9[%swap3A, %swap3A_45] {strides = array<i32>} : memref<64x768xf32, #tpu.memory_space<vmem>>, vector<1x16xf32>,
        %swap3A_47 = vector.shape_cast %swap3A_46 : vector<1x16xf32> to vector<16xf32>
        %swap3A_48 = vector.shape_cast %add3A_44 : vector<16xf32> to vector<1x16xf32>
        tpu.vector_store %arg9[%swap3A, %swap3A_45], %swap3A_48 {strides = array<i32>} : memref<64x768xf32, #tpu.memory_space<vmem>>, vector<1x16xf32>,
        %add3A_49 = arith.addf %broadcast_in_dim3A_34, %add3A_44 : vector<16xf32>
        %mul3A_50 = arith.mulf %add3A_44, %add3A_44 : vector<16xf32>
        %add3A_51 = arith.addf %broadcast_in_dim3A_36, %mul3A_50 : vector<16xf32>
        %get3A_52 = arith.index_cast %scan3A_33 : i32 to index
        %get3A_53 = arith.constant 16 : index
        %get3A_54 = tpu.vector_load %arg9[%get3A_52, %get3A_53] {strides = array<i32>} : memref<64x768xf32, #tpu.memory_space<vmem>>, vector<1x16xf32>,
        %get3A_55 = vector.shape_cast %get3A_54 : vector<1x16xf32> to vector<16xf32>
        %get3A_56 = arith.index_cast %scan3A_33 : i32 to index
        %get3A_57 = arith.constant 16 : index
        %get3A_58 = tpu.vector_load %arg10[%get3A_56, %get3A_57] {strides = array<i32>} : memref<64x768xf32, #tpu.memory_space<vmem>>, vector<1x16xf32>,
        %get3A_59 = vector.shape_cast %get3A_58 : vector<1x16xf32> to vector<16xf32>
        %add3A_60 = arith.addf %get3A_55, %get3A_59 : vector<16xf32>
        %swap3A_61 = arith.index_cast %scan3A_33 : i32 to index
        %swap3A_62 = arith.constant 16 : index
        %swap3A_63 = tpu.vector_load %arg9[%swap3A_61, %swap3A_62] {strides = array<i32>} : memref<64x768xf32, #tpu.memory_space<vmem>>, vector<1x16xf32>,
        %swap3A_64 = vector.shape_cast %swap3A_63 : vector<1x16xf32> to vector<16xf32>
        %swap3A_65 = vector.shape_cast %add3A_60 : vector<16xf32> to vector<1x16xf32>
        tpu.vector_store %arg9[%swap3A_61, %swap3A_62], %swap3A_65 {strides = array<i32>} : memref<64x768xf32, #tpu.memory_space<vmem>>, vector<1x16xf32>,
        %add3A_66 = arith.addf %add3A_49, %add3A_60 : vector<16xf32>
        %mul3A_67 = arith.mulf %add3A_60, %add3A_60 : vector<16xf32>
        %add3A_68 = arith.addf %add3A_51, %mul3A_67 : vector<16xf32>
        %get3A_69 = arith.index_cast %scan3A_33 : i32 to index
        %get3A_70 = arith.constant 32 : index
        %get3A_71 = tpu.vector_load %arg9[%get3A_69, %get3A_70] {strides = array<i32>} : memref<64x768xf32, #tpu.memory_space<vmem>>, vector<1x16xf32>,
        %get3A_72 = vector.shape_cast %get3A_71 : vector<1x16xf32> to vector<16xf32>
        %get3A_73 = arith.index_cast %scan3A_33 : i32 to index
        %get3A_74 = arith.constant 32 : index
        %get3A_75 = tpu.vector_load %arg10[%get3A_73, %get3A_74] {strides = array<i32>} : memref<64x768xf32, #tpu.memory_space<vmem>>, vector<1x16xf32>,
        %get3A_76 = vector.shape_cast %get3A_75 : vector<1x16xf32> to vector<16xf32>
        %add3A_77 = arith.addf %get3A_72, %get3A_76 : vector<16xf32>
        %swap3A_78 = arith.index_cast %scan3A_33 : i32 to index
        %swap3A_79 = arith.constant 32 : index
        %swap3A_80 = tpu.vector_load %arg9[%swap3A_78, %swap3A_79] {strides = array<i32>} : memref<64x768xf32, #tpu.memory_space<vmem>>, vector<1x16xf32>,
        %swap3A_81 = vector.shape_cast %swap3A_80 : vector<1x16xf32> to vector<16xf32>
        %swap3A_82 = vector.shape_cast %add3A_77 : vector<16xf32> to vector<1x16xf32>
        tpu.vector_store %arg9[%swap3A_78, %swap3A_79], %swap3A_82 {strides = array<i32>} : memref<64x768xf32, #tpu.memory_space<vmem>>, vector<1x16xf32>,
        %add3A_83 = arith.addf %add3A_66, %add3A_77 : vector<16xf32>
        %mul3A_84 = arith.mulf %add3A_77, %add3A_77 : vector<16xf32>
        %add3A_85 = arith.addf %add3A_68, %mul3A_84 : vector<16xf32>
        %get3A_86 = arith.index_cast %scan3A_33 : i32 to index
        %get3A_87 = arith.constant 48 : index
        %get3A_88 = tpu.vector_load %arg9[%get3A_86, %get3A_87] {strides = array<i32>} : memref<64x768xf32, #tpu.memory_space<vmem>>, vector<1x16xf32>,
        %get3A_89 = vector.shape_cast %get3A_88 : vector<1x16xf32> to vector<16xf32>
        %get3A_90 = arith.index_cast %scan3A_33 : i32 to index
        %get3A_91 = arith.constant 48 : index
        %get3A_92 = tpu.vector_load %arg10[%get3A_90, %get3A_91] {strides = array<i32>} : memref<64x768xf32, #tpu.memory_space<vmem>>, vector<1x16xf32>,
        %get3A_93 = vector.shape_cast %get3A_92 : vector<1x16xf32> to vector<16xf32>
        %add3A_94 = arith.addf %get3A_89, %get3A_93 : vector<16xf32>
        %swap3A_95 = arith.index_cast %scan3A_33 : i32 to index
        %swap3A_96 = arith.constant 48 : index
        %swap3A_97 = tpu.vector_load %arg9[%swap3A_95, %swap3A_96] {strides = array<i32>} : memref<64x768xf32, #tpu.memory_space<vmem>>, vector<1x16xf32>,
        %swap3A_98 = vector.shape_cast %swap3A_97 : vector<1x16xf32> to vector<16xf32>
        %swap3A_99 = vector.shape_cast %add3A_94 : vector<16xf32> to vector<1x16xf32>
        tpu.vector_store %arg9[%swap3A_95, %swap3A_96], %swap3A_99 {strides = array<i32>} : memref<64x768xf32, #tpu.memory_space<vmem>>, vector<1x16xf32>,
        %add3A_100 = arith.addf %add3A_83, %add3A_94 : vector<16xf32>
        %mul3A_101 = arith.mulf %add3A_94, %add3A_94 : vector<16xf32>
        %add3A_102 = arith.addf %add3A_85, %mul3A_101 : vector<16xf32>
        %get3A_103 = arith.index_cast %scan3A_33 : i32 to index
        %get3A_104 = arith.constant 64 : index
        %get3A_105 = tpu.vector_load %arg9[%get3A_103, %get3A_104] {strides = array<i32>} : memref<64x768xf32, #tpu.memory_space<vmem>>, vector<1x16xf32>,
        %get3A_106 = vector.shape_cast %get3A_105 : vector<1x16xf32> to vector<16xf32>
        %get3A_107 = arith.index_cast %scan3A_33 : i32 to index
        %get3A_108 = arith.constant 64 : index
        %get3A_109 = tpu.vector_load %arg10[%get3A_107, %get3A_108] {strides = array<i32>} : memref<64x768xf32, #tpu.memory_space<vmem>>, vector<1x16xf32>,
        %get3A_110 = vector.shape_cast %get3A_109 : vector<1x16xf32> to vector<16xf32>
        %add3A_111 = arith.addf %get3A_106, %get3A_110 : vector<16xf32>
        %swap3A_112 = arith.index_cast %scan3A_33 : i32 to index
        %swap3A_113 = arith.constant 64 : index
        %swap3A_114 = tpu.vector_load %arg9[%swap3A_112, %swap3A_113] {strides = array<i32>} : memref<64x768xf32, #tpu.memory_space<vmem>>, vector<1x16xf32>,
        %swap3A_115 = vector.shape_cast %swap3A_114 : vector<1x16xf32> to vector<16xf32>
        %swap3A_116 = vector.shape_cast %add3A_111 : vector<16xf32> to vector<1x16xf32>
        tpu.vector_store %arg9[%swap3A_112, %swap3A_113], %swap3A_116 {strides = array<i32>} : memref<64x768xf32, #tpu.memory_space<vmem>>, vector<1x16xf32>,
        %add3A_117 = arith.addf %add3A_100, %add3A_111 : vector<16xf32>
        %mul3A_118 = arith.mulf %add3A_111, %add3A_111 : vector<16xf32>
        %add3A_119 = arith.addf %add3A_102, %mul3A_118 : vector<16xf32>
        %get3A_120 = arith.index_cast %scan3A_33 : i32 to index
        %get3A_121 = arith.constant 80 : index
        %get3A_122 = tpu.vector_load %arg9[%get3A_120, %get3A_121] {strides = array<i32>} : memref<64x768xf32, #tpu.memory_space<vmem>>, vector<1x16xf32>,
        %get3A_123 = vector.shape_cast %get3A_122 : vector<1x16xf32> to vector<16xf32>
        %get3A_124 = arith.index_cast %scan3A_33 : i32 to index
        %get3A_125 = arith.constant 80 : index
        %get3A_126 = tpu.vector_load %arg10[%get3A_124, %get3A_125] {strides = array<i32>} : memref<64x768xf32, #tpu.memory_space<vmem>>, vector<1x16xf32>,
        %get3A_127 = vector.shape_cast %get3A_126 : vector<1x16xf32> to vector<16xf32>
        %add3A_128 = arith.addf %get3A_123, %get3A_127 : vector<16xf32>
        %swap3A_129 = arith.index_cast %scan3A_33 : i32 to index
        %swap3A_130 = arith.constant 80 : index
        %swap3A_131 = tpu.vector_load %arg9[%swap3A_129, %swap3A_130] {strides = array<i32>} : memref<64x768xf32, #tpu.memory_space<vmem>>, vector<1x16xf32>,
        %swap3A_132 = vector.shape_cast %swap3A_131 : vector<1x16xf32> to vector<16xf32>
        %swap3A_133 = vector.shape_cast %add3A_128 : vector<16xf32> to vector<1x16xf32>
        tpu.vector_store %arg9[%swap3A_129, %swap3A_130], %swap3A_133 {strides = array<i32>} : memref<64x768xf32, #tpu.memory_space<vmem>>, vector<1x16xf32>,
        %add3A_134 = arith.addf %add3A_117, %add3A_128 : vector<16xf32>
        %mul3A_135 = arith.mulf %add3A_128, %add3A_128 : vector<16xf32>
        %add3A_136 = arith.addf %add3A_119, %mul3A_135 : vector<16xf32>
        %get3A_137 = arith.index_cast %scan3A_33 : i32 to index
        %get3A_138 = arith.constant 96 : index
        %get3A_139 = tpu.vector_load %arg9[%get3A_137, %get3A_138] {strides = array<i32>} : memref<64x768xf32, #tpu.memory_space<vmem>>, vector<1x16xf32>,
        %get3A_140 = vector.shape_cast %get3A_139 : vector<1x16xf32> to vector<16xf32>
        %get3A_141 = arith.index_cast %scan3A_33 : i32 to index
        %get3A_142 = arith.constant 96 : index
        %get3A_143 = tpu.vector_load %arg10[%get3A_141, %get3A_142] {strides = array<i32>} : memref<64x768xf32, #tpu.memory_space<vmem>>, vector<1x16xf32>,
        %get3A_144 = vector.shape_cast %get3A_143 : vector<1x16xf32> to vector<16xf32>
        %add3A_145 = arith.addf %get3A_140, %get3A_144 : vector<16xf32>
        %swap3A_146 = arith.index_cast %scan3A_33 : i32 to index
        %swap3A_147 = arith.constant 96 : index
        %swap3A_148 = tpu.vector_load %arg9[%swap3A_146, %swap3A_147] {strides = array<i32>} : memref<64x768xf32, #tpu.memory_space<vmem>>, vector<1x16xf32>,
        %swap3A_149 = vector.shape_cast %swap3A_148 : vector<1x16xf32> to vector<16xf32>
        %swap3A_150 = vector.shape_cast %add3A_145 : vector<16xf32> to vector<1x16xf32>
        tpu.vector_store %arg9[%swap3A_146, %swap3A_147], %swap3A_150 {strides = array<i32>} : memref<64x768xf32, #tpu.memory_space<vmem>>, vector<1x16xf32>,
        %add3A_151 = arith.addf %add3A_134, %add3A_145 : vector<16xf32>
        %mul3A_152 = arith.mulf %add3A_145, %add3A_145 : vector<16xf32>
        %add3A_153 = arith.addf %add3A_136, %mul3A_152 : vector<16xf32>
        %get3A_154 = arith.index_cast %scan3A_33 : i32 to index
        %get3A_155 = arith.constant 112 : index
        %get3A_156 = tpu.vector_load %arg9[%get3A_154, %get3A_155] {strides = array<i32>} : memref<64x768xf32, #tpu.memory_space<vmem>>, vector<1x16xf32>,
        %get3A_157 = vector.shape_cast %get3A_156 : vector<1x16xf32> to vector<16xf32>
        %get3A_158 = arith.index_cast %scan3A_33 : i32 to index
        %get3A_159 = arith.constant 112 : index
        %get3A_160 = tpu.vector_load %arg10[%get3A_158, %get3A_159] {strides = array<i32>} : memref<64x768xf32, #tpu.memory_space<vmem>>, vector<1x16xf32>,
        %get3A_161 = vector.shape_cast %get3A_160 : vector<1x16xf32> to vector<16xf32>
        %add3A_162 = arith.addf %get3A_157, %get3A_161 : vector<16xf32>
        %swap3A_163 = arith.index_cast %scan3A_33 : i32 to index
        %swap3A_164 = arith.constant 112 : index
        %swap3A_165 = tpu.vector_load %arg9[%swap3A_163, %swap3A_164] {strides = array<i32>} : memref<64x768xf32, #tpu.memory_space<vmem>>, vector<1x16xf32>,
        %swap3A_166 = vector.shape_cast %swap3A_165 : vector<1x16xf32> to vector<16xf32>
        %swap3A_167 = vector.shape_cast %add3A_162 : vector<16xf32> to vector<1x16xf32>
        tpu.vector_store %arg9[%swap3A_163, %swap3A_164], %swap3A_167 {strides = array<i32>} : memref<64x768xf32, #tpu.memory_space<vmem>>, vector<1x16xf32>,
        %add3A_168 = arith.addf %add3A_151, %add3A_162 : vector<16xf32>
        %mul3A_169 = arith.mulf %add3A_162, %add3A_162 : vector<16xf32>
        %add3A_170 = arith.addf %add3A_153, %mul3A_169 : vector<16xf32>
        %get3A_171 = arith.index_cast %scan3A_33 : i32 to index
        %get3A_172 = arith.constant 128 : index
        %get3A_173 = tpu.vector_load %arg9[%get3A_171, %get3A_172] {strides = array<i32>} : memref<64x768xf32, #tpu.memory_space<vmem>>, vector<1x16xf32>,
        %get3A_174 = vector.shape_cast %get3A_173 : vector<1x16xf32> to vector<16xf32>
        %get3A_175 = arith.index_cast %scan3A_33 : i32 to index
        %get3A_176 = arith.constant 128 : index
        %get3A_177 = tpu.vector_load %arg10[%get3A_175, %get3A_176] {strides = array<i32>} : memref<64x768xf32, #tpu.memory_space<vmem>>, vector<1x16xf32>,
        %get3A_178 = vector.shape_cast %get3A_177 : vector<1x16xf32> to vector<16xf32>
        %add3A_179 = arith.addf %get3A_174, %get3A_178 : vector<16xf32>
        %swap3A_180 = arith.index_cast %scan3A_33 : i32 to index
        %swap3A_181 = arith.constant 128 : index
        %swap3A_182 = tpu.vector_load %arg9[%swap3A_180, %swap3A_181] {strides = array<i32>} : memref<64x768xf32, #tpu.memory_space<vmem>>, vector<1x16xf32>,
        %swap3A_183 = vector.shape_cast %swap3A_182 : vector<1x16xf32> to vector<16xf32>
        %swap3A_184 = vector.shape_cast %add3A_179 : vector<16xf32> to vector<1x16xf32>
        tpu.vector_store %arg9[%swap3A_180, %swap3A_181], %swap3A_184 {strides = array<i32>} : memref<64x768xf32, #tpu.memory_space<vmem>>, vector<1x16xf32>,
        %add3A_185 = arith.addf %add3A_168, %add3A_179 : vector<16xf32>
        %mul3A_186 = arith.mulf %add3A_179, %add3A_179 : vector<16xf32>
        %add3A_187 = arith.addf %add3A_170, %mul3A_186 : vector<16xf32>
        %get3A_188 = arith.index_cast %scan3A_33 : i32 to index
        %get3A_189 = arith.constant 144 : index
        %get3A_190 = tpu.vector_load %arg9[%get3A_188, %get3A_189] {strides = array<i32>} : memref<64x768xf32, #tpu.memory_space<vmem>>, vector<1x16xf32>,
        %get3A_191 = vector.shape_cast %get3A_190 : vector<1x16xf32> to vector<16xf32>
        %get3A_192 = arith.index_cast %scan3A_33 : i32 to index
        %get3A_193 = arith.constant 144 : index
        %get3A_194 = tpu.vector_load %arg10[%get3A_192, %get3A_193] {strides = array<i32>} : memref<64x768xf32, #tpu.memory_space<vmem>>, vector<1x16xf32>,
        %get3A_195 = vector.shape_cast %get3A_194 : vector<1x16xf32> to vector<16xf32>
        %add3A_196 = arith.addf %get3A_191, %get3A_195 : vector<16xf32>
        %swap3A_197 = arith.index_cast %scan3A_33 : i32 to index
        %swap3A_198 = arith.constant 144 : index
        %swap3A_199 = tpu.vector_load %arg9[%swap3A_197, %swap3A_198] {strides = array<i32>} : memref<64x768xf32, #tpu.memory_space<vmem>>, vector<1x16xf32>,
        %swap3A_200 = vector.shape_cast %swap3A_199 : vector<1x16xf32> to vector<16xf32>
        %swap3A_201 = vector.shape_cast %add3A_196 : vector<16xf32> to vector<1x16xf32>
        tpu.vector_store %arg9[%swap3A_197, %swap3A_198], %swap3A_201 {strides = array<i32>} : memref<64x768xf32, #tpu.memory_space<vmem>>, vector<1x16xf32>,
        %add3A_202 = arith.addf %add3A_185, %add3A_196 : vector<16xf32>
        %mul3A_203 = arith.mulf %add3A_196, %add3A_196 : vector<16xf32>
        %add3A_204 = arith.addf %add3A_187, %mul3A_203 : vector<16xf32>
        %get3A_205 = arith.index_cast %scan3A_33 : i32 to index
        %get3A_206 = arith.constant 160 : index
        %get3A_207 = tpu.vector_load %arg9[%get3A_205, %get3A_206] {strides = array<i32>} : memref<64x768xf32, #tpu.memory_space<vmem>>, vector<1x16xf32>,
        %get3A_208 = vector.shape_cast %get3A_207 : vector<1x16xf32> to vector<16xf32>
        %get3A_209 = arith.index_cast %scan3A_33 : i32 to index
        %get3A_210 = arith.constant 160 : index
        %get3A_211 = tpu.vector_load %arg10[%get3A_209, %get3A_210] {strides = array<i32>} : memref<64x768xf32, #tpu.memory_space<vmem>>, vector<1x16xf32>,
        %get3A_212 = vector.shape_cast %get3A_211 : vector<1x16xf32> to vector<16xf32>
        %add3A_213 = arith.addf %get3A_208, %get3A_212 : vector<16xf32>
        %swap3A_214 = arith.index_cast %scan3A_33 : i32 to index
        %swap3A_215 = arith.constant 160 : index
        %swap3A_216 = tpu.vector_load %arg9[%swap3A_214, %swap3A_215] {strides = array<i32>} : memref<64x768xf32, #tpu.memory_space<vmem>>, vector<1x16xf32>,
        %swap3A_217 = vector.shape_cast %swap3A_216 : vector<1x16xf32> to vector<16xf32>
        %swap3A_218 = vector.shape_cast %add3A_213 : vector<16xf32> to vector<1x16xf32>
        tpu.vector_store %arg9[%swap3A_214, %swap3A_215], %swap3A_218 {strides = array<i32>} : memref<64x768xf32, #tpu.memory_space<vmem>>, vector<1x16xf32>,
        %add3A_219 = arith.addf %add3A_202, %add3A_213 : vector<16xf32>
        %mul3A_220 = arith.mulf %add3A_213, %add3A_213 : vector<16xf32>
        %add3A_221 = arith.addf %add3A_204, %mul3A_220 : vector<16xf32>
        %get3A_222 = arith.index_cast %scan3A_33 : i32 to index
        %get3A_223 = arith.constant 176 : index
        %get3A_224 = tpu.vector_load %arg9[%get3A_222, %get3A_223] {strides = array<i32>} : memref<64x768xf32, #tpu.memory_space<vmem>>, vector<1x16xf32>,
        %get3A_225 = vector.shape_cast %get3A_224 : vector<1x16xf32> to vector<16xf32>
        %get3A_226 = arith.index_cast %scan3A_33 : i32 to index
        %get3A_227 = arith.constant 176 : index
        %get3A_228 = tpu.vector_load %arg10[%get3A_226, %get3A_227] {strides = array<i32>} : memref<64x768xf32, #tpu.memory_space<vmem>>, vector<1x16xf32>,
        %get3A_229 = vector.shape_cast %get3A_228 : vector<1x16xf32> to vector<16xf32>
        %add3A_230 = arith.addf %get3A_225, %get3A_229 : vector<16xf32>
        %swap3A_231 = arith.index_cast %scan3A_33 : i32 to index
        %swap3A_232 = arith.constant 176 : index
        %swap3A_233 = tpu.vector_load %arg9[%swap3A_231, %swap3A_232] {strides = array<i32>} : memref<64x768xf32, #tpu.memory_space<vmem>>, vector<1x16xf32>,
        %swap3A_234 = vector.shape_cast %swap3A_233 : vector<1x16xf32> to vector<16xf32>
        %swap3A_235 = vector.shape_cast %add3A_230 : vector<16xf32> to vector<1x16xf32>
        tpu.vector_store %arg9[%swap3A_231, %swap3A_232], %swap3A_235 {strides = array<i32>} : memref<64x768xf32, #tpu.memory_space<vmem>>, vector<1x16xf32>,
        %add3A_236 = arith.addf %add3A_219, %add3A_230 : vector<16xf32>
        %mul3A_237 = arith.mulf %add3A_230, %add3A_230 : vector<16xf32>
        %add3A_238 = arith.addf %add3A_221, %mul3A_237 : vector<16xf32>
        %get3A_239 = arith.index_cast %scan3A_33 : i32 to index
        %get3A_240 = arith.constant 192 : index
        %get3A_241 = tpu.vector_load %arg9[%get3A_239, %get3A_240] {strides = array<i32>} : memref<64x768xf32, #tpu.memory_space<vmem>>, vector<1x16xf32>,
        %get3A_242 = vector.shape_cast %get3A_241 : vector<1x16xf32> to vector<16xf32>
        %get3A_243 = arith.index_cast %scan3A_33 : i32 to index
        %get3A_244 = arith.constant 192 : index
        %get3A_245 = tpu.vector_load %arg10[%get3A_243, %get3A_244] {strides = array<i32>} : memref<64x768xf32, #tpu.memory_space<vmem>>, vector<1x16xf32>,
        %get3A_246 = vector.shape_cast %get3A_245 : vector<1x16xf32> to vector<16xf32>
        %add3A_247 = arith.addf %get3A_242, %get3A_246 : vector<16xf32>
        %swap3A_248 = arith.index_cast %scan3A_33 : i32 to index
        %swap3A_249 = arith.constant 192 : index
        %swap3A_250 = tpu.vector_load %arg9[%swap3A_248, %swap3A_249] {strides = array<i32>} : memref<64x768xf32, #tpu.memory_space<vmem>>, vector<1x16xf32>,
        %swap3A_251 = vector.shape_cast %swap3A_250 : vector<1x16xf32> to vector<16xf32>
        %swap3A_252 = vector.shape_cast %add3A_247 : vector<16xf32> to vector<1x16xf32>
        tpu.vector_store %arg9[%swap3A_248, %swap3A_249], %swap3A_252 {strides = array<i32>} : memref<64x768xf32, #tpu.memory_space<vmem>>, vector<1x16xf32>,
        %add3A_253 = arith.addf %add3A_236, %add3A_247 : vector<16xf32>
        %mul3A_254 = arith.mulf %add3A_247, %add3A_247 : vector<16xf32>
        %add3A_255 = arith.addf %add3A_238, %mul3A_254 : vector<16xf32>
        %get3A_256 = arith.index_cast %scan3A_33 : i32 to index
        %get3A_257 = arith.constant 208 : index
        %get3A_258 = tpu.vector_load %arg9[%get3A_256, %get3A_257] {strides = array<i32>} : memref<64x768xf32, #tpu.memory_space<vmem>>, vector<1x16xf32>,
        %get3A_259 = vector.shape_cast %get3A_258 : vector<1x16xf32> to vector<16xf32>
        %get3A_260 = arith.index_cast %scan3A_33 : i32 to index
        %get3A_261 = arith.constant 208 : index
        %get3A_262 = tpu.vector_load %arg10[%get3A_260, %get3A_261] {strides = array<i32>} : memref<64x768xf32, #tpu.memory_space<vmem>>, vector<1x16xf32>,
        %get3A_263 = vector.shape_cast %get3A_262 : vector<1x16xf32> to vector<16xf32>
        %add3A_264 = arith.addf %get3A_259, %get3A_263 : vector<16xf32>
        %swap3A_265 = arith.index_cast %scan3A_33 : i32 to index
        %swap3A_266 = arith.constant 208 : index
        %swap3A_267 = tpu.vector_load %arg9[%swap3A_265, %swap3A_266] {strides = array<i32>} : memref<64x768xf32, #tpu.memory_space<vmem>>, vector<1x16xf32>,
        %swap3A_268 = vector.shape_cast %swap3A_267 : vector<1x16xf32> to vector<16xf32>
        %swap3A_269 = vector.shape_cast %add3A_264 : vector<16xf32> to vector<1x16xf32>
        tpu.vector_store %arg9[%swap3A_265, %swap3A_266], %swap3A_269 {strides = array<i32>} : memref<64x768xf32, #tpu.memory_space<vmem>>, vector<1x16xf32>,
        %add3A_270 = arith.addf %add3A_253, %add3A_264 : vector<16xf32>
        %mul3A_271 = arith.mulf %add3A_264, %add3A_264 : vector<16xf32>
        %add3A_272 = arith.addf %add3A_255, %mul3A_271 : vector<16xf32>
        %get3A_273 = arith.index_cast %scan3A_33 : i32 to index
        %get3A_274 = arith.constant 224 : index
        %get3A_275 = tpu.vector_load %arg9[%get3A_273, %get3A_274] {strides = array<i32>} : memref<64x768xf32, #tpu.memory_space<vmem>>, vector<1x16xf32>,
        %get3A_276 = vector.shape_cast %get3A_275 : vector<1x16xf32> to vector<16xf32>
        %get3A_277 = arith.index_cast %scan3A_33 : i32 to index
        %get3A_278 = arith.constant 224 : index
        %get3A_279 = tpu.vector_load %arg10[%get3A_277, %get3A_278] {strides = array<i32>} : memref<64x768xf32, #tpu.memory_space<vmem>>, vector<1x16xf32>,
        %get3A_280 = vector.shape_cast %get3A_279 : vector<1x16xf32> to vector<16xf32>
        %add3A_281 = arith.addf %get3A_276, %get3A_280 : vector<16xf32>
        %swap3A_282 = arith.index_cast %scan3A_33 : i32 to index
        %swap3A_283 = arith.constant 224 : index
        %swap3A_284 = tpu.vector_load %arg9[%swap3A_282, %swap3A_283] {strides = array<i32>} : memref<64x768xf32, #tpu.memory_space<vmem>>, vector<1x16xf32>,
        %swap3A_285 = vector.shape_cast %swap3A_284 : vector<1x16xf32> to vector<16xf32>
        %swap3A_286 = vector.shape_cast %add3A_281 : vector<16xf32> to vector<1x16xf32>
        tpu.vector_store %arg9[%swap3A_282, %swap3A_283], %swap3A_286 {strides = array<i32>} : memref<64x768xf32, #tpu.memory_space<vmem>>, vector<1x16xf32>,
        %add3A_287 = arith.addf %add3A_270, %add3A_281 : vector<16xf32>
        %mul3A_288 = arith.mulf %add3A_281, %add3A_281 : vector<16xf32>
        %add3A_289 = arith.addf %add3A_272, %mul3A_288 : vector<16xf32>
        %get3A_290 = arith.index_cast %scan3A_33 : i32 to index
        %get3A_291 = arith.constant 240 : index
        %get3A_292 = tpu.vector_load %arg9[%get3A_290, %get3A_291] {strides = array<i32>} : memref<64x768xf32, #tpu.memory_space<vmem>>, vector<1x16xf32>,
        %get3A_293 = vector.shape_cast %get3A_292 : vector<1x16xf32> to vector<16xf32>
        %get3A_294 = arith.index_cast %scan3A_33 : i32 to index
        %get3A_295 = arith.constant 240 : index
        %get3A_296 = tpu.vector_load %arg10[%get3A_294, %get3A_295] {strides = array<i32>} : memref<64x768xf32, #tpu.memory_space<vmem>>, vector<1x16xf32>,
        %get3A_297 = vector.shape_cast %get3A_296 : vector<1x16xf32> to vector<16xf32>
        %add3A_298 = arith.addf %get3A_293, %get3A_297 : vector<16xf32>
        %swap3A_299 = arith.index_cast %scan3A_33 : i32 to index
        %swap3A_300 = arith.constant 240 : index
        %swap3A_301 = tpu.vector_load %arg9[%swap3A_299, %swap3A_300] {strides = array<i32>} : memref<64x768xf32, #tpu.memory_space<vmem>>, vector<1x16xf32>,
        %swap3A_302 = vector.shape_cast %swap3A_301 : vector<1x16xf32> to vector<16xf32>
        %swap3A_303 = vector.shape_cast %add3A_298 : vector<16xf32> to vector<1x16xf32>
        tpu.vector_store %arg9[%swap3A_299, %swap3A_300], %swap3A_303 {strides = array<i32>} : memref<64x768xf32, #tpu.memory_space<vmem>>, vector<1x16xf32>,
        %add3A_304 = arith.addf %add3A_287, %add3A_298 : vector<16xf32>
        %mul3A_305 = arith.mulf %add3A_298, %add3A_298 : vector<16xf32>
        %add3A_306 = arith.addf %add3A_289, %mul3A_305 : vector<16xf32>
        %get3A_307 = arith.index_cast %scan3A_33 : i32 to index
        %get3A_308 = arith.constant 256 : index
        %get3A_309 = tpu.vector_load %arg9[%get3A_307, %get3A_308] {strides = array<i32>} : memref<64x768xf32, #tpu.memory_space<vmem>>, vector<1x16xf32>,
        %get3A_310 = vector.shape_cast %get3A_309 : vector<1x16xf32> to vector<16xf32>
        %get3A_311 = arith.index_cast %scan3A_33 : i32 to index
        %get3A_312 = arith.constant 256 : index
        %get3A_313 = tpu.vector_load %arg10[%get3A_311, %get3A_312] {strides = array<i32>} : memref<64x768xf32, #tpu.memory_space<vmem>>, vector<1x16xf32>,
        %get3A_314 = vector.shape_cast %get3A_313 : vector<1x16xf32> to vector<16xf32>
        %add3A_315 = arith.addf %get3A_310, %get3A_314 : vector<16xf32>
        %swap3A_316 = arith.index_cast %scan3A_33 : i32 to index
        %swap3A_317 = arith.constant 256 : index
        %swap3A_318 = tpu.vector_load %arg9[%swap3A_316, %swap3A_317] {strides = array<i32>} : memref<64x768xf32, #tpu.memory_space<vmem>>, vector<1x16xf32>,
        %swap3A_319 = vector.shape_cast %swap3A_318 : vector<1x16xf32> to vector<16xf32>
        %swap3A_320 = vector.shape_cast %add3A_315 : vector<16xf32> to vector<1x16xf32>
        tpu.vector_store %arg9[%swap3A_316, %swap3A_317], %swap3A_320 {strides = array<i32>} : memref<64x768xf32, #tpu.memory_space<vmem>>, vector<1x16xf32>,
        %add3A_321 = arith.addf %add3A_304, %add3A_315 : vector<16xf32>
        %mul3A_322 = arith.mulf %add3A_315, %add3A_315 : vector<16xf32>
        %add3A_323 = arith.addf %add3A_306, %mul3A_322 : vector<16xf32>
        %get3A_324 = arith.index_cast %scan3A_33 : i32 to index
        %get3A_325 = arith.constant 272 : index
        %get3A_326 = tpu.vector_load %arg9[%get3A_324, %get3A_325] {strides = array<i32>} : memref<64x768xf32, #tpu.memory_space<vmem>>, vector<1x16xf32>,
        %get3A_327 = vector.shape_cast %get3A_326 : vector<1x16xf32> to vector<16xf32>
        %get3A_328 = arith.index_cast %scan3A_33 : i32 to index
        %get3A_329 = arith.constant 272 : index
        %get3A_330 = tpu.vector_load %arg10[%get3A_328, %get3A_329] {strides = array<i32>} : memref<64x768xf32, #tpu.memory_space<vmem>>, vector<1x16xf32>,
        %get3A_331 = vector.shape_cast %get3A_330 : vector<1x16xf32> to vector<16xf32>
        %add3A_332 = arith.addf %get3A_327, %get3A_331 : vector<16xf32>
        %swap3A_333 = arith.index_cast %scan3A_33 : i32 to index
        %swap3A_334 = arith.constant 272 : index
        %swap3A_335 = tpu.vector_load %arg9[%swap3A_333, %swap3A_334] {strides = array<i32>} : memref<64x768xf32, #tpu.memory_space<vmem>>, vector<1x16xf32>,
        %swap3A_336 = vector.shape_cast %swap3A_335 : vector<1x16xf32> to vector<16xf32>
        %swap3A_337 = vector.shape_cast %add3A_332 : vector<16xf32> to vector<1x16xf32>
        tpu.vector_store %arg9[%swap3A_333, %swap3A_334], %swap3A_337 {strides = array<i32>} : memref<64x768xf32, #tpu.memory_space<vmem>>, vector<1x16xf32>,
        %add3A_338 = arith.addf %add3A_321, %add3A_332 : vector<16xf32>
        %mul3A_339 = arith.mulf %add3A_332, %add3A_332 : vector<16xf32>
        %add3A_340 = arith.addf %add3A_323, %mul3A_339 : vector<16xf32>
        %get3A_341 = arith.index_cast %scan3A_33 : i32 to index
        %get3A_342 = arith.constant 288 : index
        %get3A_343 = tpu.vector_load %arg9[%get3A_341, %get3A_342] {strides = array<i32>} : memref<64x768xf32, #tpu.memory_space<vmem>>, vector<1x16xf32>,
        %get3A_344 = vector.shape_cast %get3A_343 : vector<1x16xf32> to vector<16xf32>
        %get3A_345 = arith.index_cast %scan3A_33 : i32 to index
        %get3A_346 = arith.constant 288 : index
        %get3A_347 = tpu.vector_load %arg10[%get3A_345, %get3A_346] {strides = array<i32>} : memref<64x768xf32, #tpu.memory_space<vmem>>, vector<1x16xf32>,
        %get3A_348 = vector.shape_cast %get3A_347 : vector<1x16xf32> to vector<16xf32>
        %add3A_349 = arith.addf %get3A_344, %get3A_348 : vector<16xf32>
        %swap3A_350 = arith.index_cast %scan3A_33 : i32 to index
        %swap3A_351 = arith.constant 288 : index
        %swap3A_352 = tpu.vector_load %arg9[%swap3A_350, %swap3A_351] {strides = array<i32>} : memref<64x768xf32, #tpu.memory_space<vmem>>, vector<1x16xf32>,
        %swap3A_353 = vector.shape_cast %swap3A_352 : vector<1x16xf32> to vector<16xf32>
        %swap3A_354 = vector.shape_cast %add3A_349 : vector<16xf32> to vector<1x16xf32>
        tpu.vector_store %arg9[%swap3A_350, %swap3A_351], %swap3A_354 {strides = array<i32>} : memref<64x768xf32, #tpu.memory_space<vmem>>, vector<1x16xf32>,
        %add3A_355 = arith.addf %add3A_338, %add3A_349 : vector<16xf32>
        %mul3A_356 = arith.mulf %add3A_349, %add3A_349 : vector<16xf32>
        %add3A_357 = arith.addf %add3A_340, %mul3A_356 : vector<16xf32>
        %get3A_358 = arith.index_cast %scan3A_33 : i32 to index
        %get3A_359 = arith.constant 304 : index
        %get3A_360 = tpu.vector_load %arg9[%get3A_358, %get3A_359] {strides = array<i32>} : memref<64x768xf32, #tpu.memory_space<vmem>>, vector<1x16xf32>,
        %get3A_361 = vector.shape_cast %get3A_360 : vector<1x16xf32> to vector<16xf32>
        %get3A_362 = arith.index_cast %scan3A_33 : i32 to index
        %get3A_363 = arith.constant 304 : index
        %get3A_364 = tpu.vector_load %arg10[%get3A_362, %get3A_363] {strides = array<i32>} : memref<64x768xf32, #tpu.memory_space<vmem>>, vector<1x16xf32>,
        %get3A_365 = vector.shape_cast %get3A_364 : vector<1x16xf32> to vector<16xf32>
        %add3A_366 = arith.addf %get3A_361, %get3A_365 : vector<16xf32>
        %swap3A_367 = arith.index_cast %scan3A_33 : i32 to index
        %swap3A_368 = arith.constant 304 : index
        %swap3A_369 = tpu.vector_load %arg9[%swap3A_367, %swap3A_368] {strides = array<i32>} : memref<64x768xf32, #tpu.memory_space<vmem>>, vector<1x16xf32>,
        %swap3A_370 = vector.shape_cast %swap3A_369 : vector<1x16xf32> to vector<16xf32>
        %swap3A_371 = vector.shape_cast %add3A_366 : vector<16xf32> to vector<1x16xf32>
        tpu.vector_store %arg9[%swap3A_367, %swap3A_368], %swap3A_371 {strides = array<i32>} : memref<64x768xf32, #tpu.memory_space<vmem>>, vector<1x16xf32>,
        %add3A_372 = arith.addf %add3A_355, %add3A_366 : vector<16xf32>
        %mul3A_373 = arith.mulf %add3A_366, %add3A_366 : vector<16xf32>
        %add3A_374 = arith.addf %add3A_357, %mul3A_373 : vector<16xf32>
        %get3A_375 = arith.index_cast %scan3A_33 : i32 to index
        %get3A_376 = arith.constant 320 : index
        %get3A_377 = tpu.vector_load %arg9[%get3A_375, %get3A_376] {strides = array<i32>} : memref<64x768xf32, #tpu.memory_space<vmem>>, vector<1x16xf32>,
        %get3A_378 = vector.shape_cast %get3A_377 : vector<1x16xf32> to vector<16xf32>
        %get3A_379 = arith.index_cast %scan3A_33 : i32 to index
        %get3A_380 = arith.constant 320 : index
        %get3A_381 = tpu.vector_load %arg10[%get3A_379, %get3A_380] {strides = array<i32>} : memref<64x768xf32, #tpu.memory_space<vmem>>, vector<1x16xf32>,
        %get3A_382 = vector.shape_cast %get3A_381 : vector<1x16xf32> to vector<16xf32>
        %add3A_383 = arith.addf %get3A_378, %get3A_382 : vector<16xf32>
        %swap3A_384 = arith.index_cast %scan3A_33 : i32 to index
        %swap3A_385 = arith.constant 320 : index
        %swap3A_386 = tpu.vector_load %arg9[%swap3A_384, %swap3A_385] {strides = array<i32>} : memref<64x768xf32, #tpu.memory_space<vmem>>, vector<1x16xf32>,
        %swap3A_387 = vector.shape_cast %swap3A_386 : vector<1x16xf32> to vector<16xf32>
        %swap3A_388 = vector.shape_cast %add3A_383 : vector<16xf32> to vector<1x16xf32>
        tpu.vector_store %arg9[%swap3A_384, %swap3A_385], %swap3A_388 {strides = array<i32>} : memref<64x768xf32, #tpu.memory_space<vmem>>, vector<1x16xf32>,
        %add3A_389 = arith.addf %add3A_372, %add3A_383 : vector<16xf32>
        %mul3A_390 = arith.mulf %add3A_383, %add3A_383 : vector<16xf32>
        %add3A_391 = arith.addf %add3A_374, %mul3A_390 : vector<16xf32>
        %get3A_392 = arith.index_cast %scan3A_33 : i32 to index
        %get3A_393 = arith.constant 336 : index
        %get3A_394 = tpu.vector_load %arg9[%get3A_392, %get3A_393] {strides = array<i32>} : memref<64x768xf32, #tpu.memory_space<vmem>>, vector<1x16xf32>,
        %get3A_395 = vector.shape_cast %get3A_394 : vector<1x16xf32> to vector<16xf32>
        %get3A_396 = arith.index_cast %scan3A_33 : i32 to index
        %get3A_397 = arith.constant 336 : index
        %get3A_398 = tpu.vector_load %arg10[%get3A_396, %get3A_397] {strides = array<i32>} : memref<64x768xf32, #tpu.memory_space<vmem>>, vector<1x16xf32>,
        %get3A_399 = vector.shape_cast %get3A_398 : vector<1x16xf32> to vector<16xf32>
        %add3A_400 = arith.addf %get3A_395, %get3A_399 : vector<16xf32>
        %swap3A_401 = arith.index_cast %scan3A_33 : i32 to index
        %swap3A_402 = arith.constant 336 : index
        %swap3A_403 = tpu.vector_load %arg9[%swap3A_401, %swap3A_402] {strides = array<i32>} : memref<64x768xf32, #tpu.memory_space<vmem>>, vector<1x16xf32>,
        %swap3A_404 = vector.shape_cast %swap3A_403 : vector<1x16xf32> to vector<16xf32>
        %swap3A_405 = vector.shape_cast %add3A_400 : vector<16xf32> to vector<1x16xf32>
        tpu.vector_store %arg9[%swap3A_401, %swap3A_402], %swap3A_405 {strides = array<i32>} : memref<64x768xf32, #tpu.memory_space<vmem>>, vector<1x16xf32>,
        %add3A_406 = arith.addf %add3A_389, %add3A_400 : vector<16xf32>
        %mul3A_407 = arith.mulf %add3A_400, %add3A_400 : vector<16xf32>
        %add3A_408 = arith.addf %add3A_391, %mul3A_407 : vector<16xf32>
        %get3A_409 = arith.index_cast %scan3A_33 : i32 to index
        %get3A_410 = arith.constant 352 : index
        %get3A_411 = tpu.vector_load %arg9[%get3A_409, %get3A_410] {strides = array<i32>} : memref<64x768xf32, #tpu.memory_space<vmem>>, vector<1x16xf32>,
        %get3A_412 = vector.shape_cast %get3A_411 : vector<1x16xf32> to vector<16xf32>
        %get3A_413 = arith.index_cast %scan3A_33 : i32 to index
        %get3A_414 = arith.constant 352 : index
        %get3A_415 = tpu.vector_load %arg10[%get3A_413, %get3A_414] {strides = array<i32>} : memref<64x768xf32, #tpu.memory_space<vmem>>, vector<1x16xf32>,
        %get3A_416 = vector.shape_cast %get3A_415 : vector<1x16xf32> to vector<16xf32>
        %add3A_417 = arith.addf %get3A_412, %get3A_416 : vector<16xf32>
        %swap3A_418 = arith.index_cast %scan3A_33 : i32 to index
        %swap3A_419 = arith.constant 352 : index
        %swap3A_420 = tpu.vector_load %arg9[%swap3A_418, %swap3A_419] {strides = array<i32>} : memref<64x768xf32, #tpu.memory_space<vmem>>, vector<1x16xf32>,
        %swap3A_421 = vector.shape_cast %swap3A_420 : vector<1x16xf32> to vector<16xf32>
        %swap3A_422 = vector.shape_cast %add3A_417 : vector<16xf32> to vector<1x16xf32>
        tpu.vector_store %arg9[%swap3A_418, %swap3A_419], %swap3A_422 {strides = array<i32>} : memref<64x768xf32, #tpu.memory_space<vmem>>, vector<1x16xf32>,
        %add3A_423 = arith.addf %add3A_406, %add3A_417 : vector<16xf32>
        %mul3A_424 = arith.mulf %add3A_417, %add3A_417 : vector<16xf32>
        %add3A_425 = arith.addf %add3A_408, %mul3A_424 : vector<16xf32>
        %get3A_426 = arith.index_cast %scan3A_33 : i32 to index
        %get3A_427 = arith.constant 368 : index
        %get3A_428 = tpu.vector_load %arg9[%get3A_426, %get3A_427] {strides = array<i32>} : memref<64x768xf32, #tpu.memory_space<vmem>>, vector<1x16xf32>,
        %get3A_429 = vector.shape_cast %get3A_428 : vector<1x16xf32> to vector<16xf32>
        %get3A_430 = arith.index_cast %scan3A_33 : i32 to index
        %get3A_431 = arith.constant 368 : index
        %get3A_432 = tpu.vector_load %arg10[%get3A_430, %get3A_431] {strides = array<i32>} : memref<64x768xf32, #tpu.memory_space<vmem>>, vector<1x16xf32>,
        %get3A_433 = vector.shape_cast %get3A_432 : vector<1x16xf32> to vector<16xf32>
        %add3A_434 = arith.addf %get3A_429, %get3A_433 : vector<16xf32>
        %swap3A_435 = arith.index_cast %scan3A_33 : i32 to index
        %swap3A_436 = arith.constant 368 : index
        %swap3A_437 = tpu.vector_load %arg9[%swap3A_435, %swap3A_436] {strides = array<i32>} : memref<64x768xf32, #tpu.memory_space<vmem>>, vector<1x16xf32>,
        %swap3A_438 = vector.shape_cast %swap3A_437 : vector<1x16xf32> to vector<16xf32>
        %swap3A_439 = vector.shape_cast %add3A_434 : vector<16xf32> to vector<1x16xf32>
        tpu.vector_store %arg9[%swap3A_435, %swap3A_436], %swap3A_439 {strides = array<i32>} : memref<64x768xf32, #tpu.memory_space<vmem>>, vector<1x16xf32>,
        %add3A_440 = arith.addf %add3A_423, %add3A_434 : vector<16xf32>
        %mul3A_441 = arith.mulf %add3A_434, %add3A_434 : vector<16xf32>
        %add3A_442 = arith.addf %add3A_425, %mul3A_441 : vector<16xf32>
        %get3A_443 = arith.index_cast %scan3A_33 : i32 to index
        %get3A_444 = arith.constant 384 : index
        %get3A_445 = tpu.vector_load %arg9[%get3A_443, %get3A_444] {strides = array<i32>} : memref<64x768xf32, #tpu.memory_space<vmem>>, vector<1x16xf32>,
        %get3A_446 = vector.shape_cast %get3A_445 : vector<1x16xf32> to vector<16xf32>
        %get3A_447 = arith.index_cast %scan3A_33 : i32 to index
        %get3A_448 = arith.constant 384 : index
        %get3A_449 = tpu.vector_load %arg10[%get3A_447, %get3A_448] {strides = array<i32>} : memref<64x768xf32, #tpu.memory_space<vmem>>, vector<1x16xf32>,
        %get3A_450 = vector.shape_cast %get3A_449 : vector<1x16xf32> to vector<16xf32>
        %add3A_451 = arith.addf %get3A_446, %get3A_450 : vector<16xf32>
        %swap3A_452 = arith.index_cast %scan3A_33 : i32 to index
        %swap3A_453 = arith.constant 384 : index
        %swap3A_454 = tpu.vector_load %arg9[%swap3A_452, %swap3A_453] {strides = array<i32>} : memref<64x768xf32, #tpu.memory_space<vmem>>, vector<1x16xf32>,
        %swap3A_455 = vector.shape_cast %swap3A_454 : vector<1x16xf32> to vector<16xf32>
        %swap3A_456 = vector.shape_cast %add3A_451 : vector<16xf32> to vector<1x16xf32>
        tpu.vector_store %arg9[%swap3A_452, %swap3A_453], %swap3A_456 {strides = array<i32>} : memref<64x768xf32, #tpu.memory_space<vmem>>, vector<1x16xf32>,
        %add3A_457 = arith.addf %add3A_440, %add3A_451 : vector<16xf32>
        %mul3A_458 = arith.mulf %add3A_451, %add3A_451 : vector<16xf32>
        %add3A_459 = arith.addf %add3A_442, %mul3A_458 : vector<16xf32>
        %get3A_460 = arith.index_cast %scan3A_33 : i32 to index
        %get3A_461 = arith.constant 400 : index
        %get3A_462 = tpu.vector_load %arg9[%get3A_460, %get3A_461] {strides = array<i32>} : memref<64x768xf32, #tpu.memory_space<vmem>>, vector<1x16xf32>,
        %get3A_463 = vector.shape_cast %get3A_462 : vector<1x16xf32> to vector<16xf32>
        %get3A_464 = arith.index_cast %scan3A_33 : i32 to index
        %get3A_465 = arith.constant 400 : index
        %get3A_466 = tpu.vector_load %arg10[%get3A_464, %get3A_465] {strides = array<i32>} : memref<64x768xf32, #tpu.memory_space<vmem>>, vector<1x16xf32>,
        %get3A_467 = vector.shape_cast %get3A_466 : vector<1x16xf32> to vector<16xf32>
        %add3A_468 = arith.addf %get3A_463, %get3A_467 : vector<16xf32>
        %swap3A_469 = arith.index_cast %scan3A_33 : i32 to index
        %swap3A_470 = arith.constant 400 : index
        %swap3A_471 = tpu.vector_load %arg9[%swap3A_469, %swap3A_470] {strides = array<i32>} : memref<64x768xf32, #tpu.memory_space<vmem>>, vector<1x16xf32>,
        %swap3A_472 = vector.shape_cast %swap3A_471 : vector<1x16xf32> to vector<16xf32>
        %swap3A_473 = vector.shape_cast %add3A_468 : vector<16xf32> to vector<1x16xf32>
        tpu.vector_store %arg9[%swap3A_469, %swap3A_470], %swap3A_473 {strides = array<i32>} : memref<64x768xf32, #tpu.memory_space<vmem>>, vector<1x16xf32>,
        %add3A_474 = arith.addf %add3A_457, %add3A_468 : vector<16xf32>
        %mul3A_475 = arith.mulf %add3A_468, %add3A_468 : vector<16xf32>
        %add3A_476 = arith.addf %add3A_459, %mul3A_475 : vector<16xf32>
        %get3A_477 = arith.index_cast %scan3A_33 : i32 to index
        %get3A_478 = arith.constant 416 : index
        %get3A_479 = tpu.vector_load %arg9[%get3A_477, %get3A_478] {strides = array<i32>} : memref<64x768xf32, #tpu.memory_space<vmem>>, vector<1x16xf32>,
        %get3A_480 = vector.shape_cast %get3A_479 : vector<1x16xf32> to vector<16xf32>
        %get3A_481 = arith.index_cast %scan3A_33 : i32 to index
        %get3A_482 = arith.constant 416 : index
        %get3A_483 = tpu.vector_load %arg10[%get3A_481, %get3A_482] {strides = array<i32>} : memref<64x768xf32, #tpu.memory_space<vmem>>, vector<1x16xf32>,
        %get3A_484 = vector.shape_cast %get3A_483 : vector<1x16xf32> to vector<16xf32>
        %add3A_485 = arith.addf %get3A_480, %get3A_484 : vector<16xf32>
        %swap3A_486 = arith.index_cast %scan3A_33 : i32 to index
        %swap3A_487 = arith.constant 416 : index
        %swap3A_488 = tpu.vector_load %arg9[%swap3A_486, %swap3A_487] {strides = array<i32>} : memref<64x768xf32, #tpu.memory_space<vmem>>, vector<1x16xf32>,
        %swap3A_489 = vector.shape_cast %swap3A_488 : vector<1x16xf32> to vector<16xf32>
        %swap3A_490 = vector.shape_cast %add3A_485 : vector<16xf32> to vector<1x16xf32>
        tpu.vector_store %arg9[%swap3A_486, %swap3A_487], %swap3A_490 {strides = array<i32>} : memref<64x768xf32, #tpu.memory_space<vmem>>, vector<1x16xf32>,
        %add3A_491 = arith.addf %add3A_474, %add3A_485 : vector<16xf32>
        %mul3A_492 = arith.mulf %add3A_485, %add3A_485 : vector<16xf32>
        %add3A_493 = arith.addf %add3A_476, %mul3A_492 : vector<16xf32>
        %get3A_494 = arith.index_cast %scan3A_33 : i32 to index
        %get3A_495 = arith.constant 432 : index
        %get3A_496 = tpu.vector_load %arg9[%get3A_494, %get3A_495] {strides = array<i32>} : memref<64x768xf32, #tpu.memory_space<vmem>>, vector<1x16xf32>,
        %get3A_497 = vector.shape_cast %get3A_496 : vector<1x16xf32> to vector<16xf32>
        %get3A_498 = arith.index_cast %scan3A_33 : i32 to index
        %get3A_499 = arith.constant 432 : index
        %get3A_500 = tpu.vector_load %arg10[%get3A_498, %get3A_499] {strides = array<i32>} : memref<64x768xf32, #tpu.memory_space<vmem>>, vector<1x16xf32>,
        %get3A_501 = vector.shape_cast %get3A_500 : vector<1x16xf32> to vector<16xf32>
        %add3A_502 = arith.addf %get3A_497, %get3A_501 : vector<16xf32>
        %swap3A_503 = arith.index_cast %scan3A_33 : i32 to index
        %swap3A_504 = arith.constant 432 : index
        %swap3A_505 = tpu.vector_load %arg9[%swap3A_503, %swap3A_504] {strides = array<i32>} : memref<64x768xf32, #tpu.memory_space<vmem>>, vector<1x16xf32>,
        %swap3A_506 = vector.shape_cast %swap3A_505 : vector<1x16xf32> to vector<16xf32>
        %swap3A_507 = vector.shape_cast %add3A_502 : vector<16xf32> to vector<1x16xf32>
        tpu.vector_store %arg9[%swap3A_503, %swap3A_504], %swap3A_507 {strides = array<i32>} : memref<64x768xf32, #tpu.memory_space<vmem>>, vector<1x16xf32>,
        %add3A_508 = arith.addf %add3A_491, %add3A_502 : vector<16xf32>
        %mul3A_509 = arith.mulf %add3A_502, %add3A_502 : vector<16xf32>
        %add3A_510 = arith.addf %add3A_493, %mul3A_509 : vector<16xf32>
        %get3A_511 = arith.index_cast %scan3A_33 : i32 to index
        %get3A_512 = arith.constant 448 : index
        %get3A_513 = tpu.vector_load %arg9[%get3A_511, %get3A_512] {strides = array<i32>} : memref<64x768xf32, #tpu.memory_space<vmem>>, vector<1x16xf32>,
        %get3A_514 = vector.shape_cast %get3A_513 : vector<1x16xf32> to vector<16xf32>
        %get3A_515 = arith.index_cast %scan3A_33 : i32 to index
        %get3A_516 = arith.constant 448 : index
        %get3A_517 = tpu.vector_load %arg10[%get3A_515, %get3A_516] {strides = array<i32>} : memref<64x768xf32, #tpu.memory_space<vmem>>, vector<1x16xf32>,
        %get3A_518 = vector.shape_cast %get3A_517 : vector<1x16xf32> to vector<16xf32>
        %add3A_519 = arith.addf %get3A_514, %get3A_518 : vector<16xf32>
        %swap3A_520 = arith.index_cast %scan3A_33 : i32 to index
        %swap3A_521 = arith.constant 448 : index
        %swap3A_522 = tpu.vector_load %arg9[%swap3A_520, %swap3A_521] {strides = array<i32>} : memref<64x768xf32, #tpu.memory_space<vmem>>, vector<1x16xf32>,
        %swap3A_523 = vector.shape_cast %swap3A_522 : vector<1x16xf32> to vector<16xf32>
        %swap3A_524 = vector.shape_cast %add3A_519 : vector<16xf32> to vector<1x16xf32>
        tpu.vector_store %arg9[%swap3A_520, %swap3A_521], %swap3A_524 {strides = array<i32>} : memref<64x768xf32, #tpu.memory_space<vmem>>, vector<1x16xf32>,
        %add3A_525 = arith.addf %add3A_508, %add3A_519 : vector<16xf32>
        %mul3A_526 = arith.mulf %add3A_519, %add3A_519 : vector<16xf32>
        %add3A_527 = arith.addf %add3A_510, %mul3A_526 : vector<16xf32>
        %get3A_528 = arith.index_cast %scan3A_33 : i32 to index
        %get3A_529 = arith.constant 464 : index
        %get3A_530 = tpu.vector_load %arg9[%get3A_528, %get3A_529] {strides = array<i32>} : memref<64x768xf32, #tpu.memory_space<vmem>>, vector<1x16xf32>,
        %get3A_531 = vector.shape_cast %get3A_530 : vector<1x16xf32> to vector<16xf32>
        %get3A_532 = arith.index_cast %scan3A_33 : i32 to index
        %get3A_533 = arith.constant 464 : index
        %get3A_534 = tpu.vector_load %arg10[%get3A_532, %get3A_533] {strides = array<i32>} : memref<64x768xf32, #tpu.memory_space<vmem>>, vector<1x16xf32>,
        %get3A_535 = vector.shape_cast %get3A_534 : vector<1x16xf32> to vector<16xf32>
        %add3A_536 = arith.addf %get3A_531, %get3A_535 : vector<16xf32>
        %swap3A_537 = arith.index_cast %scan3A_33 : i32 to index
        %swap3A_538 = arith.constant 464 : index
        %swap3A_539 = tpu.vector_load %arg9[%swap3A_537, %swap3A_538] {strides = array<i32>} : memref<64x768xf32, #tpu.memory_space<vmem>>, vector<1x16xf32>,
        %swap3A_540 = vector.shape_cast %swap3A_539 : vector<1x16xf32> to vector<16xf32>
        %swap3A_541 = vector.shape_cast %add3A_536 : vector<16xf32> to vector<1x16xf32>
        tpu.vector_store %arg9[%swap3A_537, %swap3A_538], %swap3A_541 {strides = array<i32>} : memref<64x768xf32, #tpu.memory_space<vmem>>, vector<1x16xf32>,
        %add3A_542 = arith.addf %add3A_525, %add3A_536 : vector<16xf32>
        %mul3A_543 = arith.mulf %add3A_536, %add3A_536 : vector<16xf32>
        %add3A_544 = arith.addf %add3A_527, %mul3A_543 : vector<16xf32>
        %get3A_545 = arith.index_cast %scan3A_33 : i32 to index
        %get3A_546 = arith.constant 480 : index
        %get3A_547 = tpu.vector_load %arg9[%get3A_545, %get3A_546] {strides = array<i32>} : memref<64x768xf32, #tpu.memory_space<vmem>>, vector<1x16xf32>,
        %get3A_548 = vector.shape_cast %get3A_547 : vector<1x16xf32> to vector<16xf32>
        %get3A_549 = arith.index_cast %scan3A_33 : i32 to index
        %get3A_550 = arith.constant 480 : index
        %get3A_551 = tpu.vector_load %arg10[%get3A_549, %get3A_550] {strides = array<i32>} : memref<64x768xf32, #tpu.memory_space<vmem>>, vector<1x16xf32>,
        %get3A_552 = vector.shape_cast %get3A_551 : vector<1x16xf32> to vector<16xf32>
        %add3A_553 = arith.addf %get3A_548, %get3A_552 : vector<16xf32>
        %swap3A_554 = arith.index_cast %scan3A_33 : i32 to index
        %swap3A_555 = arith.constant 480 : index
        %swap3A_556 = tpu.vector_load %arg9[%swap3A_554, %swap3A_555] {strides = array<i32>} : memref<64x768xf32, #tpu.memory_space<vmem>>, vector<1x16xf32>,
        %swap3A_557 = vector.shape_cast %swap3A_556 : vector<1x16xf32> to vector<16xf32>
        %swap3A_558 = vector.shape_cast %add3A_553 : vector<16xf32> to vector<1x16xf32>
        tpu.vector_store %arg9[%swap3A_554, %swap3A_555], %swap3A_558 {strides = array<i32>} : memref<64x768xf32, #tpu.memory_space<vmem>>, vector<1x16xf32>,
        %add3A_559 = arith.addf %add3A_542, %add3A_553 : vector<16xf32>
        %mul3A_560 = arith.mulf %add3A_553, %add3A_553 : vector<16xf32>
        %add3A_561 = arith.addf %add3A_544, %mul3A_560 : vector<16xf32>
        %get3A_562 = arith.index_cast %scan3A_33 : i32 to index
        %get3A_563 = arith.constant 496 : index
        %get3A_564 = tpu.vector_load %arg9[%get3A_562, %get3A_563] {strides = array<i32>} : memref<64x768xf32, #tpu.memory_space<vmem>>, vector<1x16xf32>,
        %get3A_565 = vector.shape_cast %get3A_564 : vector<1x16xf32> to vector<16xf32>
        %get3A_566 = arith.index_cast %scan3A_33 : i32 to index
        %get3A_567 = arith.constant 496 : index
        %get3A_568 = tpu.vector_load %arg10[%get3A_566, %get3A_567] {strides = array<i32>} : memref<64x768xf32, #tpu.memory_space<vmem>>, vector<1x16xf32>,
        %get3A_569 = vector.shape_cast %get3A_568 : vector<1x16xf32> to vector<16xf32>
        %add3A_570 = arith.addf %get3A_565, %get3A_569 : vector<16xf32>
        %swap3A_571 = arith.index_cast %scan3A_33 : i32 to index
        %swap3A_572 = arith.constant 496 : index
        %swap3A_573 = tpu.vector_load %arg9[%swap3A_571, %swap3A_572] {strides = array<i32>} : memref<64x768xf32, #tpu.memory_space<vmem>>, vector<1x16xf32>,
        %swap3A_574 = vector.shape_cast %swap3A_573 : vector<1x16xf32> to vector<16xf32>
        %swap3A_575 = vector.shape_cast %add3A_570 : vector<16xf32> to vector<1x16xf32>
        tpu.vector_store %arg9[%swap3A_571, %swap3A_572], %swap3A_575 {strides = array<i32>} : memref<64x768xf32, #tpu.memory_space<vmem>>, vector<1x16xf32>,
        %add3A_576 = arith.addf %add3A_559, %add3A_570 : vector<16xf32>
        %mul3A_577 = arith.mulf %add3A_570, %add3A_570 : vector<16xf32>
        %add3A_578 = arith.addf %add3A_561, %mul3A_577 : vector<16xf32>
        %get3A_579 = arith.index_cast %scan3A_33 : i32 to index
        %get3A_580 = arith.constant 512 : index
        %get3A_581 = tpu.vector_load %arg9[%get3A_579, %get3A_580] {strides = array<i32>} : memref<64x768xf32, #tpu.memory_space<vmem>>, vector<1x16xf32>,
        %get3A_582 = vector.shape_cast %get3A_581 : vector<1x16xf32> to vector<16xf32>
        %get3A_583 = arith.index_cast %scan3A_33 : i32 to index
        %get3A_584 = arith.constant 512 : index
        %get3A_585 = tpu.vector_load %arg10[%get3A_583, %get3A_584] {strides = array<i32>} : memref<64x768xf32, #tpu.memory_space<vmem>>, vector<1x16xf32>,
        %get3A_586 = vector.shape_cast %get3A_585 : vector<1x16xf32> to vector<16xf32>
        %add3A_587 = arith.addf %get3A_582, %get3A_586 : vector<16xf32>
        %swap3A_588 = arith.index_cast %scan3A_33 : i32 to index
        %swap3A_589 = arith.constant 512 : index
        %swap3A_590 = tpu.vector_load %arg9[%swap3A_588, %swap3A_589] {strides = array<i32>} : memref<64x768xf32, #tpu.memory_space<vmem>>, vector<1x16xf32>,
        %swap3A_591 = vector.shape_cast %swap3A_590 : vector<1x16xf32> to vector<16xf32>
        %swap3A_592 = vector.shape_cast %add3A_587 : vector<16xf32> to vector<1x16xf32>
        tpu.vector_store %arg9[%swap3A_588, %swap3A_589], %swap3A_592 {strides = array<i32>} : memref<64x768xf32, #tpu.memory_space<vmem>>, vector<1x16xf32>,
        %add3A_593 = arith.addf %add3A_576, %add3A_587 : vector<16xf32>
        %mul3A_594 = arith.mulf %add3A_587, %add3A_587 : vector<16xf32>
        %add3A_595 = arith.addf %add3A_578, %mul3A_594 : vector<16xf32>
        %get3A_596 = arith.index_cast %scan3A_33 : i32 to index
        %get3A_597 = arith.constant 528 : index
        %get3A_598 = tpu.vector_load %arg9[%get3A_596, %get3A_597] {strides = array<i32>} : memref<64x768xf32, #tpu.memory_space<vmem>>, vector<1x16xf32>,
        %get3A_599 = vector.shape_cast %get3A_598 : vector<1x16xf32> to vector<16xf32>
        %get3A_600 = arith.index_cast %scan3A_33 : i32 to index
        %get3A_601 = arith.constant 528 : index
        %get3A_602 = tpu.vector_load %arg10[%get3A_600, %get3A_601] {strides = array<i32>} : memref<64x768xf32, #tpu.memory_space<vmem>>, vector<1x16xf32>,
        %get3A_603 = vector.shape_cast %get3A_602 : vector<1x16xf32> to vector<16xf32>
        %add3A_604 = arith.addf %get3A_599, %get3A_603 : vector<16xf32>
        %swap3A_605 = arith.index_cast %scan3A_33 : i32 to index
        %swap3A_606 = arith.constant 528 : index
        %swap3A_607 = tpu.vector_load %arg9[%swap3A_605, %swap3A_606] {strides = array<i32>} : memref<64x768xf32, #tpu.memory_space<vmem>>, vector<1x16xf32>,
        %swap3A_608 = vector.shape_cast %swap3A_607 : vector<1x16xf32> to vector<16xf32>
        %swap3A_609 = vector.shape_cast %add3A_604 : vector<16xf32> to vector<1x16xf32>
        tpu.vector_store %arg9[%swap3A_605, %swap3A_606], %swap3A_609 {strides = array<i32>} : memref<64x768xf32, #tpu.memory_space<vmem>>, vector<1x16xf32>,
        %add3A_610 = arith.addf %add3A_593, %add3A_604 : vector<16xf32>
        %mul3A_611 = arith.mulf %add3A_604, %add3A_604 : vector<16xf32>
        %add3A_612 = arith.addf %add3A_595, %mul3A_611 : vector<16xf32>
        %get3A_613 = arith.index_cast %scan3A_33 : i32 to index
        %get3A_614 = arith.constant 544 : index
        %get3A_615 = tpu.vector_load %arg9[%get3A_613, %get3A_614] {strides = array<i32>} : memref<64x768xf32, #tpu.memory_space<vmem>>, vector<1x16xf32>,
        %get3A_616 = vector.shape_cast %get3A_615 : vector<1x16xf32> to vector<16xf32>
        %get3A_617 = arith.index_cast %scan3A_33 : i32 to index
        %get3A_618 = arith.constant 544 : index
        %get3A_619 = tpu.vector_load %arg10[%get3A_617, %get3A_618] {strides = array<i32>} : memref<64x768xf32, #tpu.memory_space<vmem>>, vector<1x16xf32>,
        %get3A_620 = vector.shape_cast %get3A_619 : vector<1x16xf32> to vector<16xf32>
        %add3A_621 = arith.addf %get3A_616, %get3A_620 : vector<16xf32>
        %swap3A_622 = arith.index_cast %scan3A_33 : i32 to index
        %swap3A_623 = arith.constant 544 : index
        %swap3A_624 = tpu.vector_load %arg9[%swap3A_622, %swap3A_623] {strides = array<i32>} : memref<64x768xf32, #tpu.memory_space<vmem>>, vector<1x16xf32>,
        %swap3A_625 = vector.shape_cast %swap3A_624 : vector<1x16xf32> to vector<16xf32>
        %swap3A_626 = vector.shape_cast %add3A_621 : vector<16xf32> to vector<1x16xf32>
        tpu.vector_store %arg9[%swap3A_622, %swap3A_623], %swap3A_626 {strides = array<i32>} : memref<64x768xf32, #tpu.memory_space<vmem>>, vector<1x16xf32>,
        %add3A_627 = arith.addf %add3A_610, %add3A_621 : vector<16xf32>
        %mul3A_628 = arith.mulf %add3A_621, %add3A_621 : vector<16xf32>
        %add3A_629 = arith.addf %add3A_612, %mul3A_628 : vector<16xf32>
        %get3A_630 = arith.index_cast %scan3A_33 : i32 to index
        %get3A_631 = arith.constant 560 : index
        %get3A_632 = tpu.vector_load %arg9[%get3A_630, %get3A_631] {strides = array<i32>} : memref<64x768xf32, #tpu.memory_space<vmem>>, vector<1x16xf32>,
        %get3A_633 = vector.shape_cast %get3A_632 : vector<1x16xf32> to vector<16xf32>
        %get3A_634 = arith.index_cast %scan3A_33 : i32 to index
        %get3A_635 = arith.constant 560 : index
        %get3A_636 = tpu.vector_load %arg10[%get3A_634, %get3A_635] {strides = array<i32>} : memref<64x768xf32, #tpu.memory_space<vmem>>, vector<1x16xf32>,
        %get3A_637 = vector.shape_cast %get3A_636 : vector<1x16xf32> to vector<16xf32>
        %add3A_638 = arith.addf %get3A_633, %get3A_637 : vector<16xf32>
        %swap3A_639 = arith.index_cast %scan3A_33 : i32 to index
        %swap3A_640 = arith.constant 560 : index
        %swap3A_641 = tpu.vector_load %arg9[%swap3A_639, %swap3A_640] {strides = array<i32>} : memref<64x768xf32, #tpu.memory_space<vmem>>, vector<1x16xf32>,
        %swap3A_642 = vector.shape_cast %swap3A_641 : vector<1x16xf32> to vector<16xf32>
        %swap3A_643 = vector.shape_cast %add3A_638 : vector<16xf32> to vector<1x16xf32>
        tpu.vector_store %arg9[%swap3A_639, %swap3A_640], %swap3A_643 {strides = array<i32>} : memref<64x768xf32, #tpu.memory_space<vmem>>, vector<1x16xf32>,
        %add3A_644 = arith.addf %add3A_627, %add3A_638 : vector<16xf32>
        %mul3A_645 = arith.mulf %add3A_638, %add3A_638 : vector<16xf32>
        %add3A_646 = arith.addf %add3A_629, %mul3A_645 : vector<16xf32>
        %get3A_647 = arith.index_cast %scan3A_33 : i32 to index
        %get3A_648 = arith.constant 576 : index
        %get3A_649 = tpu.vector_load %arg9[%get3A_647, %get3A_648] {strides = array<i32>} : memref<64x768xf32, #tpu.memory_space<vmem>>, vector<1x16xf32>,
        %get3A_650 = vector.shape_cast %get3A_649 : vector<1x16xf32> to vector<16xf32>
        %get3A_651 = arith.index_cast %scan3A_33 : i32 to index
        %get3A_652 = arith.constant 576 : index
        %get3A_653 = tpu.vector_load %arg10[%get3A_651, %get3A_652] {strides = array<i32>} : memref<64x768xf32, #tpu.memory_space<vmem>>, vector<1x16xf32>,
        %get3A_654 = vector.shape_cast %get3A_653 : vector<1x16xf32> to vector<16xf32>
        %add3A_655 = arith.addf %get3A_650, %get3A_654 : vector<16xf32>
        %swap3A_656 = arith.index_cast %scan3A_33 : i32 to index
        %swap3A_657 = arith.constant 576 : index
        %swap3A_658 = tpu.vector_load %arg9[%swap3A_656, %swap3A_657] {strides = array<i32>} : memref<64x768xf32, #tpu.memory_space<vmem>>, vector<1x16xf32>,
        %swap3A_659 = vector.shape_cast %swap3A_658 : vector<1x16xf32> to vector<16xf32>
        %swap3A_660 = vector.shape_cast %add3A_655 : vector<16xf32> to vector<1x16xf32>
        tpu.vector_store %arg9[%swap3A_656, %swap3A_657], %swap3A_660 {strides = array<i32>} : memref<64x768xf32, #tpu.memory_space<vmem>>, vector<1x16xf32>,
        %add3A_661 = arith.addf %add3A_644, %add3A_655 : vector<16xf32>
        %mul3A_662 = arith.mulf %add3A_655, %add3A_655 : vector<16xf32>
        %add3A_663 = arith.addf %add3A_646, %mul3A_662 : vector<16xf32>
        %get3A_664 = arith.index_cast %scan3A_33 : i32 to index
        %get3A_665 = arith.constant 592 : index
        %get3A_666 = tpu.vector_load %arg9[%get3A_664, %get3A_665] {strides = array<i32>} : memref<64x768xf32, #tpu.memory_space<vmem>>, vector<1x16xf32>,
        %get3A_667 = vector.shape_cast %get3A_666 : vector<1x16xf32> to vector<16xf32>
        %get3A_668 = arith.index_cast %scan3A_33 : i32 to index
        %get3A_669 = arith.constant 592 : index
        %get3A_670 = tpu.vector_load %arg10[%get3A_668, %get3A_669] {strides = array<i32>} : memref<64x768xf32, #tpu.memory_space<vmem>>, vector<1x16xf32>,
        %get3A_671 = vector.shape_cast %get3A_670 : vector<1x16xf32> to vector<16xf32>
        %add3A_672 = arith.addf %get3A_667, %get3A_671 : vector<16xf32>
        %swap3A_673 = arith.index_cast %scan3A_33 : i32 to index
        %swap3A_674 = arith.constant 592 : index
        %swap3A_675 = tpu.vector_load %arg9[%swap3A_673, %swap3A_674] {strides = array<i32>} : memref<64x768xf32, #tpu.memory_space<vmem>>, vector<1x16xf32>,
        %swap3A_676 = vector.shape_cast %swap3A_675 : vector<1x16xf32> to vector<16xf32>
        %swap3A_677 = vector.shape_cast %add3A_672 : vector<16xf32> to vector<1x16xf32>
        tpu.vector_store %arg9[%swap3A_673, %swap3A_674], %swap3A_677 {strides = array<i32>} : memref<64x768xf32, #tpu.memory_space<vmem>>, vector<1x16xf32>,
        %add3A_678 = arith.addf %add3A_661, %add3A_672 : vector<16xf32>
        %mul3A_679 = arith.mulf %add3A_672, %add3A_672 : vector<16xf32>
        %add3A_680 = arith.addf %add3A_663, %mul3A_679 : vector<16xf32>
        %get3A_681 = arith.index_cast %scan3A_33 : i32 to index
        %get3A_682 = arith.constant 608 : index
        %get3A_683 = tpu.vector_load %arg9[%get3A_681, %get3A_682] {strides = array<i32>} : memref<64x768xf32, #tpu.memory_space<vmem>>, vector<1x16xf32>,
        %get3A_684 = vector.shape_cast %get3A_683 : vector<1x16xf32> to vector<16xf32>
        %get3A_685 = arith.index_cast %scan3A_33 : i32 to index
        %get3A_686 = arith.constant 608 : index
        %get3A_687 = tpu.vector_load %arg10[%get3A_685, %get3A_686] {strides = array<i32>} : memref<64x768xf32, #tpu.memory_space<vmem>>, vector<1x16xf32>,
        %get3A_688 = vector.shape_cast %get3A_687 : vector<1x16xf32> to vector<16xf32>
        %add3A_689 = arith.addf %get3A_684, %get3A_688 : vector<16xf32>
        %swap3A_690 = arith.index_cast %scan3A_33 : i32 to index
        %swap3A_691 = arith.constant 608 : index
        %swap3A_692 = tpu.vector_load %arg9[%swap3A_690, %swap3A_691] {strides = array<i32>} : memref<64x768xf32, #tpu.memory_space<vmem>>, vector<1x16xf32>,
        %swap3A_693 = vector.shape_cast %swap3A_692 : vector<1x16xf32> to vector<16xf32>
        %swap3A_694 = vector.shape_cast %add3A_689 : vector<16xf32> to vector<1x16xf32>
        tpu.vector_store %arg9[%swap3A_690, %swap3A_691], %swap3A_694 {strides = array<i32>} : memref<64x768xf32, #tpu.memory_space<vmem>>, vector<1x16xf32>,
        %add3A_695 = arith.addf %add3A_678, %add3A_689 : vector<16xf32>
        %mul3A_696 = arith.mulf %add3A_689, %add3A_689 : vector<16xf32>
        %add3A_697 = arith.addf %add3A_680, %mul3A_696 : vector<16xf32>
        %get3A_698 = arith.index_cast %scan3A_33 : i32 to index
        %get3A_699 = arith.constant 624 : index
        %get3A_700 = tpu.vector_load %arg9[%get3A_698, %get3A_699] {strides = array<i32>} : memref<64x768xf32, #tpu.memory_space<vmem>>, vector<1x16xf32>,
        %get3A_701 = vector.shape_cast %get3A_700 : vector<1x16xf32> to vector<16xf32>
        %get3A_702 = arith.index_cast %scan3A_33 : i32 to index
        %get3A_703 = arith.constant 624 : index
        %get3A_704 = tpu.vector_load %arg10[%get3A_702, %get3A_703] {strides = array<i32>} : memref<64x768xf32, #tpu.memory_space<vmem>>, vector<1x16xf32>,
        %get3A_705 = vector.shape_cast %get3A_704 : vector<1x16xf32> to vector<16xf32>
        %add3A_706 = arith.addf %get3A_701, %get3A_705 : vector<16xf32>
        %swap3A_707 = arith.index_cast %scan3A_33 : i32 to index
        %swap3A_708 = arith.constant 624 : index
        %swap3A_709 = tpu.vector_load %arg9[%swap3A_707, %swap3A_708] {strides = array<i32>} : memref<64x768xf32, #tpu.memory_space<vmem>>, vector<1x16xf32>,
        %swap3A_710 = vector.shape_cast %swap3A_709 : vector<1x16xf32> to vector<16xf32>
        %swap3A_711 = vector.shape_cast %add3A_706 : vector<16xf32> to vector<1x16xf32>
        tpu.vector_store %arg9[%swap3A_707, %swap3A_708], %swap3A_711 {strides = array<i32>} : memref<64x768xf32, #tpu.memory_space<vmem>>, vector<1x16xf32>,
        %add3A_712 = arith.addf %add3A_695, %add3A_706 : vector<16xf32>
        %mul3A_713 = arith.mulf %add3A_706, %add3A_706 : vector<16xf32>
        %add3A_714 = arith.addf %add3A_697, %mul3A_713 : vector<16xf32>
        %get3A_715 = arith.index_cast %scan3A_33 : i32 to index
        %get3A_716 = arith.constant 640 : index
        %get3A_717 = tpu.vector_load %arg9[%get3A_715, %get3A_716] {strides = array<i32>} : memref<64x768xf32, #tpu.memory_space<vmem>>, vector<1x16xf32>,
        %get3A_718 = vector.shape_cast %get3A_717 : vector<1x16xf32> to vector<16xf32>
        %get3A_719 = arith.index_cast %scan3A_33 : i32 to index
        %get3A_720 = arith.constant 640 : index
        %get3A_721 = tpu.vector_load %arg10[%get3A_719, %get3A_720] {strides = array<i32>} : memref<64x768xf32, #tpu.memory_space<vmem>>, vector<1x16xf32>,
        %get3A_722 = vector.shape_cast %get3A_721 : vector<1x16xf32> to vector<16xf32>
        %add3A_723 = arith.addf %get3A_718, %get3A_722 : vector<16xf32>
        %swap3A_724 = arith.index_cast %scan3A_33 : i32 to index
        %swap3A_725 = arith.constant 640 : index
        %swap3A_726 = tpu.vector_load %arg9[%swap3A_724, %swap3A_725] {strides = array<i32>} : memref<64x768xf32, #tpu.memory_space<vmem>>, vector<1x16xf32>,
        %swap3A_727 = vector.shape_cast %swap3A_726 : vector<1x16xf32> to vector<16xf32>
        %swap3A_728 = vector.shape_cast %add3A_723 : vector<16xf32> to vector<1x16xf32>
        tpu.vector_store %arg9[%swap3A_724, %swap3A_725], %swap3A_728 {strides = array<i32>} : memref<64x768xf32, #tpu.memory_space<vmem>>, vector<1x16xf32>,
        %add3A_729 = arith.addf %add3A_712, %add3A_723 : vector<16xf32>
        %mul3A_730 = arith.mulf %add3A_723, %add3A_723 : vector<16xf32>
        %add3A_731 = arith.addf %add3A_714, %mul3A_730 : vector<16xf32>
        %get3A_732 = arith.index_cast %scan3A_33 : i32 to index
        %get3A_733 = arith.constant 656 : index
        %get3A_734 = tpu.vector_load %arg9[%get3A_732, %get3A_733] {strides = array<i32>} : memref<64x768xf32, #tpu.memory_space<vmem>>, vector<1x16xf32>,
        %get3A_735 = vector.shape_cast %get3A_734 : vector<1x16xf32> to vector<16xf32>
        %get3A_736 = arith.index_cast %scan3A_33 : i32 to index
        %get3A_737 = arith.constant 656 : index
        %get3A_738 = tpu.vector_load %arg10[%get3A_736, %get3A_737] {strides = array<i32>} : memref<64x768xf32, #tpu.memory_space<vmem>>, vector<1x16xf32>,
        %get3A_739 = vector.shape_cast %get3A_738 : vector<1x16xf32> to vector<16xf32>
        %add3A_740 = arith.addf %get3A_735, %get3A_739 : vector<16xf32>
        %swap3A_741 = arith.index_cast %scan3A_33 : i32 to index
        %swap3A_742 = arith.constant 656 : index
        %swap3A_743 = tpu.vector_load %arg9[%swap3A_741, %swap3A_742] {strides = array<i32>} : memref<64x768xf32, #tpu.memory_space<vmem>>, vector<1x16xf32>,
        %swap3A_744 = vector.shape_cast %swap3A_743 : vector<1x16xf32> to vector<16xf32>
        %swap3A_745 = vector.shape_cast %add3A_740 : vector<16xf32> to vector<1x16xf32>
        tpu.vector_store %arg9[%swap3A_741, %swap3A_742], %swap3A_745 {strides = array<i32>} : memref<64x768xf32, #tpu.memory_space<vmem>>, vector<1x16xf32>,
        %add3A_746 = arith.addf %add3A_729, %add3A_740 : vector<16xf32>
        %mul3A_747 = arith.mulf %add3A_740, %add3A_740 : vector<16xf32>
        %add3A_748 = arith.addf %add3A_731, %mul3A_747 : vector<16xf32>
        %get3A_749 = arith.index_cast %scan3A_33 : i32 to index
        %get3A_750 = arith.constant 672 : index
        %get3A_751 = tpu.vector_load %arg9[%get3A_749, %get3A_750] {strides = array<i32>} : memref<64x768xf32, #tpu.memory_space<vmem>>, vector<1x16xf32>,
        %get3A_752 = vector.shape_cast %get3A_751 : vector<1x16xf32> to vector<16xf32>
        %get3A_753 = arith.index_cast %scan3A_33 : i32 to index
        %get3A_754 = arith.constant 672 : index
        %get3A_755 = tpu.vector_load %arg10[%get3A_753, %get3A_754] {strides = array<i32>} : memref<64x768xf32, #tpu.memory_space<vmem>>, vector<1x16xf32>,
        %get3A_756 = vector.shape_cast %get3A_755 : vector<1x16xf32> to vector<16xf32>
        %add3A_757 = arith.addf %get3A_752, %get3A_756 : vector<16xf32>
        %swap3A_758 = arith.index_cast %scan3A_33 : i32 to index
        %swap3A_759 = arith.constant 672 : index
        %swap3A_760 = tpu.vector_load %arg9[%swap3A_758, %swap3A_759] {strides = array<i32>} : memref<64x768xf32, #tpu.memory_space<vmem>>, vector<1x16xf32>,
        %swap3A_761 = vector.shape_cast %swap3A_760 : vector<1x16xf32> to vector<16xf32>
        %swap3A_762 = vector.shape_cast %add3A_757 : vector<16xf32> to vector<1x16xf32>
        tpu.vector_store %arg9[%swap3A_758, %swap3A_759], %swap3A_762 {strides = array<i32>} : memref<64x768xf32, #tpu.memory_space<vmem>>, vector<1x16xf32>,
        %add3A_763 = arith.addf %add3A_746, %add3A_757 : vector<16xf32>
        %mul3A_764 = arith.mulf %add3A_757, %add3A_757 : vector<16xf32>
        %add3A_765 = arith.addf %add3A_748, %mul3A_764 : vector<16xf32>
        %get3A_766 = arith.index_cast %scan3A_33 : i32 to index
        %get3A_767 = arith.constant 688 : index
        %get3A_768 = tpu.vector_load %arg9[%get3A_766, %get3A_767] {strides = array<i32>} : memref<64x768xf32, #tpu.memory_space<vmem>>, vector<1x16xf32>,
        %get3A_769 = vector.shape_cast %get3A_768 : vector<1x16xf32> to vector<16xf32>
        %get3A_770 = arith.index_cast %scan3A_33 : i32 to index
        %get3A_771 = arith.constant 688 : index
        %get3A_772 = tpu.vector_load %arg10[%get3A_770, %get3A_771] {strides = array<i32>} : memref<64x768xf32, #tpu.memory_space<vmem>>, vector<1x16xf32>,
        %get3A_773 = vector.shape_cast %get3A_772 : vector<1x16xf32> to vector<16xf32>
        %add3A_774 = arith.addf %get3A_769, %get3A_773 : vector<16xf32>
        %swap3A_775 = arith.index_cast %scan3A_33 : i32 to index
        %swap3A_776 = arith.constant 688 : index
        %swap3A_777 = tpu.vector_load %arg9[%swap3A_775, %swap3A_776] {strides = array<i32>} : memref<64x768xf32, #tpu.memory_space<vmem>>, vector<1x16xf32>,
        %swap3A_778 = vector.shape_cast %swap3A_777 : vector<1x16xf32> to vector<16xf32>
        %swap3A_779 = vector.shape_cast %add3A_774 : vector<16xf32> to vector<1x16xf32>
        tpu.vector_store %arg9[%swap3A_775, %swap3A_776], %swap3A_779 {strides = array<i32>} : memref<64x768xf32, #tpu.memory_space<vmem>>, vector<1x16xf32>,
        %add3A_780 = arith.addf %add3A_763, %add3A_774 : vector<16xf32>
        %mul3A_781 = arith.mulf %add3A_774, %add3A_774 : vector<16xf32>
        %add3A_782 = arith.addf %add3A_765, %mul3A_781 : vector<16xf32>
        %get3A_783 = arith.index_cast %scan3A_33 : i32 to index
        %get3A_784 = arith.constant 704 : index
        %get3A_785 = tpu.vector_load %arg9[%get3A_783, %get3A_784] {strides = array<i32>} : memref<64x768xf32, #tpu.memory_space<vmem>>, vector<1x16xf32>,
        %get3A_786 = vector.shape_cast %get3A_785 : vector<1x16xf32> to vector<16xf32>
        %get3A_787 = arith.index_cast %scan3A_33 : i32 to index
        %get3A_788 = arith.constant 704 : index
        %get3A_789 = tpu.vector_load %arg10[%get3A_787, %get3A_788] {strides = array<i32>} : memref<64x768xf32, #tpu.memory_space<vmem>>, vector<1x16xf32>,
        %get3A_790 = vector.shape_cast %get3A_789 : vector<1x16xf32> to vector<16xf32>
        %add3A_791 = arith.addf %get3A_786, %get3A_790 : vector<16xf32>
        %swap3A_792 = arith.index_cast %scan3A_33 : i32 to index
        %swap3A_793 = arith.constant 704 : index
        %swap3A_794 = tpu.vector_load %arg9[%swap3A_792, %swap3A_793] {strides = array<i32>} : memref<64x768xf32, #tpu.memory_space<vmem>>, vector<1x16xf32>,
        %swap3A_795 = vector.shape_cast %swap3A_794 : vector<1x16xf32> to vector<16xf32>
        %swap3A_796 = vector.shape_cast %add3A_791 : vector<16xf32> to vector<1x16xf32>
        tpu.vector_store %arg9[%swap3A_792, %swap3A_793], %swap3A_796 {strides = array<i32>} : memref<64x768xf32, #tpu.memory_space<vmem>>, vector<1x16xf32>,
        %add3A_797 = arith.addf %add3A_780, %add3A_791 : vector<16xf32>
        %mul3A_798 = arith.mulf %add3A_791, %add3A_791 : vector<16xf32>
        %add3A_799 = arith.addf %add3A_782, %mul3A_798 : vector<16xf32>
        %get3A_800 = arith.index_cast %scan3A_33 : i32 to index
        %get3A_801 = arith.constant 720 : index
        %get3A_802 = tpu.vector_load %arg9[%get3A_800, %get3A_801] {strides = array<i32>} : memref<64x768xf32, #tpu.memory_space<vmem>>, vector<1x16xf32>,
        %get3A_803 = vector.shape_cast %get3A_802 : vector<1x16xf32> to vector<16xf32>
        %get3A_804 = arith.index_cast %scan3A_33 : i32 to index
        %get3A_805 = arith.constant 720 : index
        %get3A_806 = tpu.vector_load %arg10[%get3A_804, %get3A_805] {strides = array<i32>} : memref<64x768xf32, #tpu.memory_space<vmem>>, vector<1x16xf32>,
        %get3A_807 = vector.shape_cast %get3A_806 : vector<1x16xf32> to vector<16xf32>
        %add3A_808 = arith.addf %get3A_803, %get3A_807 : vector<16xf32>
        %swap3A_809 = arith.index_cast %scan3A_33 : i32 to index
        %swap3A_810 = arith.constant 720 : index
        %swap3A_811 = tpu.vector_load %arg9[%swap3A_809, %swap3A_810] {strides = array<i32>} : memref<64x768xf32, #tpu.memory_space<vmem>>, vector<1x16xf32>,
        %swap3A_812 = vector.shape_cast %swap3A_811 : vector<1x16xf32> to vector<16xf32>
        %swap3A_813 = vector.shape_cast %add3A_808 : vector<16xf32> to vector<1x16xf32>
        tpu.vector_store %arg9[%swap3A_809, %swap3A_810], %swap3A_813 {strides = array<i32>} : memref<64x768xf32, #tpu.memory_space<vmem>>, vector<1x16xf32>,
        %add3A_814 = arith.addf %add3A_797, %add3A_808 : vector<16xf32>
        %mul3A_815 = arith.mulf %add3A_808, %add3A_808 : vector<16xf32>
        %add3A_816 = arith.addf %add3A_799, %mul3A_815 : vector<16xf32>
        %get3A_817 = arith.index_cast %scan3A_33 : i32 to index
        %get3A_818 = arith.constant 736 : index
        %get3A_819 = tpu.vector_load %arg9[%get3A_817, %get3A_818] {strides = array<i32>} : memref<64x768xf32, #tpu.memory_space<vmem>>, vector<1x16xf32>,
        %get3A_820 = vector.shape_cast %get3A_819 : vector<1x16xf32> to vector<16xf32>
        %get3A_821 = arith.index_cast %scan3A_33 : i32 to index
        %get3A_822 = arith.constant 736 : index
        %get3A_823 = tpu.vector_load %arg10[%get3A_821, %get3A_822] {strides = array<i32>} : memref<64x768xf32, #tpu.memory_space<vmem>>, vector<1x16xf32>,
        %get3A_824 = vector.shape_cast %get3A_823 : vector<1x16xf32> to vector<16xf32>
        %add3A_825 = arith.addf %get3A_820, %get3A_824 : vector<16xf32>
        %swap3A_826 = arith.index_cast %scan3A_33 : i32 to index
        %swap3A_827 = arith.constant 736 : index
        %swap3A_828 = tpu.vector_load %arg9[%swap3A_826, %swap3A_827] {strides = array<i32>} : memref<64x768xf32, #tpu.memory_space<vmem>>, vector<1x16xf32>,
        %swap3A_829 = vector.shape_cast %swap3A_828 : vector<1x16xf32> to vector<16xf32>
        %swap3A_830 = vector.shape_cast %add3A_825 : vector<16xf32> to vector<1x16xf32>
        tpu.vector_store %arg9[%swap3A_826, %swap3A_827], %swap3A_830 {strides = array<i32>} : memref<64x768xf32, #tpu.memory_space<vmem>>, vector<1x16xf32>,
        %add3A_831 = arith.addf %add3A_814, %add3A_825 : vector<16xf32>
        %mul3A_832 = arith.mulf %add3A_825, %add3A_825 : vector<16xf32>
        %add3A_833 = arith.addf %add3A_816, %mul3A_832 : vector<16xf32>
        %get3A_834 = arith.index_cast %scan3A_33 : i32 to index
        %get3A_835 = arith.constant 752 : index
        %get3A_836 = tpu.vector_load %arg9[%get3A_834, %get3A_835] {strides = array<i32>} : memref<64x768xf32, #tpu.memory_space<vmem>>, vector<1x16xf32>,
        %get3A_837 = vector.shape_cast %get3A_836 : vector<1x16xf32> to vector<16xf32>
        %get3A_838 = arith.index_cast %scan3A_33 : i32 to index
        %get3A_839 = arith.constant 752 : index
        %get3A_840 = tpu.vector_load %arg10[%get3A_838, %get3A_839] {strides = array<i32>} : memref<64x768xf32, #tpu.memory_space<vmem>>, vector<1x16xf32>,
        %get3A_841 = vector.shape_cast %get3A_840 : vector<1x16xf32> to vector<16xf32>
        %add3A_842 = arith.addf %get3A_837, %get3A_841 : vector<16xf32>
        %swap3A_843 = arith.index_cast %scan3A_33 : i32 to index
        %swap3A_844 = arith.constant 752 : index
        %swap3A_845 = tpu.vector_load %arg9[%swap3A_843, %swap3A_844] {strides = array<i32>} : memref<64x768xf32, #tpu.memory_space<vmem>>, vector<1x16xf32>,
        %swap3A_846 = vector.shape_cast %swap3A_845 : vector<1x16xf32> to vector<16xf32>
        %swap3A_847 = vector.shape_cast %add3A_842 : vector<16xf32> to vector<1x16xf32>
        tpu.vector_store %arg9[%swap3A_843, %swap3A_844], %swap3A_847 {strides = array<i32>} : memref<64x768xf32, #tpu.memory_space<vmem>>, vector<1x16xf32>,
        %add3A_848 = arith.addf %add3A_831, %add3A_842 : vector<16xf32>
        %mul3A_849 = arith.mulf %add3A_842, %add3A_842 : vector<16xf32>
        %add3A_850 = arith.addf %add3A_833, %mul3A_849 : vector<16xf32>
        %iota3A = tpu.iota {dimensions = array<i32: 0>} : vector<16xi32>
        %xor3A = arith.constant 1 : i32
        %xor3A_851 = vector.broadcast %xor3A : i32 to vector<16xi32>
        %xor3A_852 = arith.xori %iota3A, %xor3A_851 : vector<16xi32>
        %reshape3A = vector.shape_cast %xor3A_852 : vector<16xi32> to vector<16x1xi32>
        %gather3A = vector.shape_cast %reshape3A : vector<16x1xi32> to vector<16xi32>
        %gather3A_853 = tpu.dynamic_gather %add3A_848[%gather3A] in [0] : vector<16xf32>, vector<16xi32> -> vector<16xf32>
        %add3A_854 = arith.addf %add3A_848, %gather3A_853 : vector<16xf32>
        %xor3A_855 = arith.constant 2 : i32
        %xor3A_856 = vector.broadcast %xor3A_855 : i32 to vector<16xi32>
        %xor3A_857 = arith.xori %iota3A, %xor3A_856 : vector<16xi32>
        %reshape3A_858 = vector.shape_cast %xor3A_857 : vector<16xi32> to vector<16x1xi32>
        %gather3A_859 = vector.shape_cast %reshape3A_858 : vector<16x1xi32> to vector<16xi32>
        %gather3A_860 = tpu.dynamic_gather %add3A_854[%gather3A_859] in [0] : vector<16xf32>, vector<16xi32> -> vector<16xf32>
        %add3A_861 = arith.addf %add3A_854, %gather3A_860 : vector<16xf32>
        %xor3A_862 = arith.constant 4 : i32
        %xor3A_863 = vector.broadcast %xor3A_862 : i32 to vector<16xi32>
        %xor3A_864 = arith.xori %iota3A, %xor3A_863 : vector<16xi32>
        %reshape3A_865 = vector.shape_cast %xor3A_864 : vector<16xi32> to vector<16x1xi32>
        %gather3A_866 = vector.shape_cast %reshape3A_865 : vector<16x1xi32> to vector<16xi32>
        %gather3A_867 = tpu.dynamic_gather %add3A_861[%gather3A_866] in [0] : vector<16xf32>, vector<16xi32> -> vector<16xf32>
        %add3A_868 = arith.addf %add3A_861, %gather3A_867 : vector<16xf32>
        %xor3A_869 = arith.constant 8 : i32
        %xor3A_870 = vector.broadcast %xor3A_869 : i32 to vector<16xi32>
        %xor3A_871 = arith.xori %iota3A, %xor3A_870 : vector<16xi32>
        %reshape3A_872 = vector.shape_cast %xor3A_871 : vector<16xi32> to vector<16x1xi32>
        %gather3A_873 = vector.shape_cast %reshape3A_872 : vector<16x1xi32> to vector<16xi32>
        %gather3A_874 = tpu.dynamic_gather %add3A_868[%gather3A_873] in [0] : vector<16xf32>, vector<16xi32> -> vector<16xf32>
        %add3A_875 = arith.addf %add3A_868, %gather3A_874 : vector<16xf32>
        %mul3A_876 = arith.constant 0.00130208337 : f32
        %mul3A_877 = vector.broadcast %mul3A_876 : f32 to vector<16xf32>
        %mul3A_878 = arith.mulf %add3A_875, %mul3A_877 : vector<16xf32>
        %iota3A_879 = tpu.iota {dimensions = array<i32: 0>} : vector<16xi32>
        %xor3A_880 = arith.constant 1 : i32
        %xor3A_881 = vector.broadcast %xor3A_880 : i32 to vector<16xi32>
        %xor3A_882 = arith.xori %iota3A_879, %xor3A_881 : vector<16xi32>
        %reshape3A_883 = vector.shape_cast %xor3A_882 : vector<16xi32> to vector<16x1xi32>
        %gather3A_884 = vector.shape_cast %reshape3A_883 : vector<16x1xi32> to vector<16xi32>
        %gather3A_885 = tpu.dynamic_gather %add3A_850[%gather3A_884] in [0] : vector<16xf32>, vector<16xi32> -> vector<16xf32>
        %add3A_886 = arith.addf %add3A_850, %gather3A_885 : vector<16xf32>
        %xor3A_887 = arith.constant 2 : i32
        %xor3A_888 = vector.broadcast %xor3A_887 : i32 to vector<16xi32>
        %xor3A_889 = arith.xori %iota3A_879, %xor3A_888 : vector<16xi32>
        %reshape3A_890 = vector.shape_cast %xor3A_889 : vector<16xi32> to vector<16x1xi32>
        %gather3A_891 = vector.shape_cast %reshape3A_890 : vector<16x1xi32> to vector<16xi32>
        %gather3A_892 = tpu.dynamic_gather %add3A_886[%gather3A_891] in [0] : vector<16xf32>, vector<16xi32> -> vector<16xf32>
        %add3A_893 = arith.addf %add3A_886, %gather3A_892 : vector<16xf32>
        %xor3A_894 = arith.constant 4 : i32
        %xor3A_895 = vector.broadcast %xor3A_894 : i32 to vector<16xi32>
        %xor3A_896 = arith.xori %iota3A_879, %xor3A_895 : vector<16xi32>
        %reshape3A_897 = vector.shape_cast %xor3A_896 : vector<16xi32> to vector<16x1xi32>
        %gather3A_898 = vector.shape_cast %reshape3A_897 : vector<16x1xi32> to vector<16xi32>
        %gather3A_899 = tpu.dynamic_gather %add3A_893[%gather3A_898] in [0] : vector<16xf32>, vector<16xi32> -> vector<16xf32>
        %add3A_900 = arith.addf %add3A_893, %gather3A_899 : vector<16xf32>
        %xor3A_901 = arith.constant 8 : i32
        %xor3A_902 = vector.broadcast %xor3A_901 : i32 to vector<16xi32>
        %xor3A_903 = arith.xori %iota3A_879, %xor3A_902 : vector<16xi32>
        %reshape3A_904 = vector.shape_cast %xor3A_903 : vector<16xi32> to vector<16x1xi32>
        %gather3A_905 = vector.shape_cast %reshape3A_904 : vector<16x1xi32> to vector<16xi32>
        %gather3A_906 = tpu.dynamic_gather %add3A_900[%gather3A_905] in [0] : vector<16xf32>, vector<16xi32> -> vector<16xf32>
        %add3A_907 = arith.addf %add3A_900, %gather3A_906 : vector<16xf32>
        %mul3A_908 = arith.constant 0.00130208337 : f32
        %mul3A_909 = vector.broadcast %mul3A_908 : f32 to vector<16xf32>
        %mul3A_910 = arith.mulf %add3A_907, %mul3A_909 : vector<16xf32>
        %mul3A_911 = arith.mulf %mul3A_878, %mul3A_878 : vector<16xf32>
        %sub3A = arith.subf %mul3A_910, %mul3A_911 : vector<16xf32>
        %add3A_912 = arith.constant 9.99999996E-13 : f32
        %add3A_913 = vector.broadcast %add3A_912 : f32 to vector<16xf32>
        %add3A_914 = arith.addf %sub3A, %add3A_913 : vector<16xf32>
        %bitcast_convert_type3A = tpu.bitcast %add3A_914 : vector<16xf32> -> vector<16xi32>
        %shift_right_arithmetic3A = arith.constant 1 : i32
        %shift_right_arithmetic3A_915 = vector.broadcast %shift_right_arithmetic3A : i32 to vector<16xi32>
        %shift_right_arithmetic3A_916 = arith.shrsi %bitcast_convert_type3A, %shift_right_arithmetic3A_915 : vector<16xi32>
        %sub3A_917 = arith.constant 1597463007 : i32
        %sub3A_918 = vector.broadcast %sub3A_917 : i32 to vector<16xi32>
        %sub3A_919 = arith.subi %sub3A_918, %shift_right_arithmetic3A_916 : vector<16xi32>
        %bitcast_convert_type3A_920 = tpu.bitcast %sub3A_919 : vector<16xi32> -> vector<16xf32>
        %mul3A_921 = arith.constant 5.000000e-01 : f32
        %mul3A_922 = vector.broadcast %mul3A_921 : f32 to vector<16xf32>
        %mul3A_923 = arith.mulf %mul3A_922, %add3A_914 : vector<16xf32>
        %mul3A_924 = arith.mulf %mul3A_923, %bitcast_convert_type3A_920 : vector<16xf32>
        %mul3A_925 = arith.mulf %mul3A_924, %bitcast_convert_type3A_920 : vector<16xf32>
        %sub3A_926 = arith.constant 1.500000e+00 : f32
        %sub3A_927 = vector.broadcast %sub3A_926 : f32 to vector<16xf32>
        %sub3A_928 = arith.subf %sub3A_927, %mul3A_925 : vector<16xf32>
        %mul3A_929 = arith.mulf %bitcast_convert_type3A_920, %sub3A_928 : vector<16xf32>
        %mul3A_930 = arith.constant 5.000000e-01 : f32
        %mul3A_931 = vector.broadcast %mul3A_930 : f32 to vector<16xf32>
        %mul3A_932 = arith.mulf %mul3A_931, %add3A_914 : vector<16xf32>
        %mul3A_933 = arith.mulf %mul3A_932, %mul3A_929 : vector<16xf32>
        %mul3A_934 = arith.mulf %mul3A_933, %mul3A_929 : vector<16xf32>
        %sub3A_935 = arith.constant 1.500000e+00 : f32
        %sub3A_936 = vector.broadcast %sub3A_935 : f32 to vector<16xf32>
        %sub3A_937 = arith.subf %sub3A_936, %mul3A_934 : vector<16xf32>
        %mul3A_938 = arith.mulf %mul3A_929, %sub3A_937 : vector<16xf32>
        %mul3A_939 = arith.constant 5.000000e-01 : f32
        %mul3A_940 = vector.broadcast %mul3A_939 : f32 to vector<16xf32>
        %mul3A_941 = arith.mulf %mul3A_940, %add3A_914 : vector<16xf32>
        %mul3A_942 = arith.mulf %mul3A_941, %mul3A_938 : vector<16xf32>
        %mul3A_943 = arith.mulf %mul3A_942, %mul3A_938 : vector<16xf32>
        %sub3A_944 = arith.constant 1.500000e+00 : f32
        %sub3A_945 = vector.broadcast %sub3A_944 : f32 to vector<16xf32>
        %sub3A_946 = arith.subf %sub3A_945, %mul3A_943 : vector<16xf32>
        %mul3A_947 = arith.mulf %mul3A_938, %sub3A_946 : vector<16xf32>
        %get3A_948 = arith.constant 0 : index
        %get3A_949 = tpu.vector_load %arg11[%get3A_948] {strides = array<i32>} : memref<768xf32, #tpu.memory_space<vmem>>, vector<16xf32>,
        %get3A_950 = vector.shape_cast %get3A_949 : vector<16xf32> to vector<16xf32>
        %mul3A_951 = arith.mulf %get3A_950, %mul3A_947 : vector<16xf32>
        %get3A_952 = arith.index_cast %scan3A_33 : i32 to index
        %get3A_953 = arith.constant 0 : index
        %get3A_954 = tpu.vector_load %arg9[%get3A_952, %get3A_953] {strides = array<i32>} : memref<64x768xf32, #tpu.memory_space<vmem>>, vector<1x16xf32>,
        %get3A_955 = vector.shape_cast %get3A_954 : vector<1x16xf32> to vector<16xf32>
        %sub3A_956 = arith.subf %get3A_955, %mul3A_878 : vector<16xf32>
        %mul3A_957 = arith.mulf %sub3A_956, %mul3A_951 : vector<16xf32>
        %get3A_958 = arith.constant 0 : index
        %get3A_959 = tpu.vector_load %arg12[%get3A_958] {strides = array<i32>} : memref<768xf32, #tpu.memory_space<vmem>>, vector<16xf32>,
        %get3A_960 = vector.shape_cast %get3A_959 : vector<16xf32> to vector<16xf32>
        %add3A_961 = arith.addf %mul3A_957, %get3A_960 : vector<16xf32>
        %swap3A_962 = arith.index_cast %scan3A_33 : i32 to index
        %swap3A_963 = arith.constant 0 : index
        %swap3A_964 = tpu.vector_load %arg9[%swap3A_962, %swap3A_963] {strides = array<i32>} : memref<64x768xf32, #tpu.memory_space<vmem>>, vector<1x16xf32>,
        %swap3A_965 = vector.shape_cast %swap3A_964 : vector<1x16xf32> to vector<16xf32>
        %swap3A_966 = vector.shape_cast %add3A_961 : vector<16xf32> to vector<1x16xf32>
        tpu.vector_store %arg9[%swap3A_962, %swap3A_963], %swap3A_966 {strides = array<i32>} : memref<64x768xf32, #tpu.memory_space<vmem>>, vector<1x16xf32>,
        %get3A_967 = arith.constant 16 : index
        %get3A_968 = tpu.vector_load %arg11[%get3A_967] {strides = array<i32>} : memref<768xf32, #tpu.memory_space<vmem>>, vector<16xf32>,
        %get3A_969 = vector.shape_cast %get3A_968 : vector<16xf32> to vector<16xf32>
        %mul3A_970 = arith.mulf %get3A_969, %mul3A_947 : vector<16xf32>
        %get3A_971 = arith.index_cast %scan3A_33 : i32 to index
        %get3A_972 = arith.constant 16 : index
        %get3A_973 = tpu.vector_load %arg9[%get3A_971, %get3A_972] {strides = array<i32>} : memref<64x768xf32, #tpu.memory_space<vmem>>, vector<1x16xf32>,
        %get3A_974 = vector.shape_cast %get3A_973 : vector<1x16xf32> to vector<16xf32>
        %sub3A_975 = arith.subf %get3A_974, %mul3A_878 : vector<16xf32>
        %mul3A_976 = arith.mulf %sub3A_975, %mul3A_970 : vector<16xf32>
        %get3A_977 = arith.constant 16 : index
        %get3A_978 = tpu.vector_load %arg12[%get3A_977] {strides = array<i32>} : memref<768xf32, #tpu.memory_space<vmem>>, vector<16xf32>,
        %get3A_979 = vector.shape_cast %get3A_978 : vector<16xf32> to vector<16xf32>
        %add3A_980 = arith.addf %mul3A_976, %get3A_979 : vector<16xf32>
        %swap3A_981 = arith.index_cast %scan3A_33 : i32 to index
        %swap3A_982 = arith.constant 16 : index
        %swap3A_983 = tpu.vector_load %arg9[%swap3A_981, %swap3A_982] {strides = array<i32>} : memref<64x768xf32, #tpu.memory_space<vmem>>, vector<1x16xf32>,
        %swap3A_984 = vector.shape_cast %swap3A_983 : vector<1x16xf32> to vector<16xf32>
        %swap3A_985 = vector.shape_cast %add3A_980 : vector<16xf32> to vector<1x16xf32>
        tpu.vector_store %arg9[%swap3A_981, %swap3A_982], %swap3A_985 {strides = array<i32>} : memref<64x768xf32, #tpu.memory_space<vmem>>, vector<1x16xf32>,
        %get3A_986 = arith.constant 32 : index
        %get3A_987 = tpu.vector_load %arg11[%get3A_986] {strides = array<i32>} : memref<768xf32, #tpu.memory_space<vmem>>, vector<16xf32>,
        %get3A_988 = vector.shape_cast %get3A_987 : vector<16xf32> to vector<16xf32>
        %mul3A_989 = arith.mulf %get3A_988, %mul3A_947 : vector<16xf32>
        %get3A_990 = arith.index_cast %scan3A_33 : i32 to index
        %get3A_991 = arith.constant 32 : index
        %get3A_992 = tpu.vector_load %arg9[%get3A_990, %get3A_991] {strides = array<i32>} : memref<64x768xf32, #tpu.memory_space<vmem>>, vector<1x16xf32>,
        %get3A_993 = vector.shape_cast %get3A_992 : vector<1x16xf32> to vector<16xf32>
        %sub3A_994 = arith.subf %get3A_993, %mul3A_878 : vector<16xf32>
        %mul3A_995 = arith.mulf %sub3A_994, %mul3A_989 : vector<16xf32>
        %get3A_996 = arith.constant 32 : index
        %get3A_997 = tpu.vector_load %arg12[%get3A_996] {strides = array<i32>} : memref<768xf32, #tpu.memory_space<vmem>>, vector<16xf32>,
        %get3A_998 = vector.shape_cast %get3A_997 : vector<16xf32> to vector<16xf32>
        %add3A_999 = arith.addf %mul3A_995, %get3A_998 : vector<16xf32>
        %swap3A_1000 = arith.index_cast %scan3A_33 : i32 to index
        %swap3A_1001 = arith.constant 32 : index
        %swap3A_1002 = tpu.vector_load %arg9[%swap3A_1000, %swap3A_1001] {strides = array<i32>} : memref<64x768xf32, #tpu.memory_space<vmem>>, vector<1x16xf32>,
        %swap3A_1003 = vector.shape_cast %swap3A_1002 : vector<1x16xf32> to vector<16xf32>
        %swap3A_1004 = vector.shape_cast %add3A_999 : vector<16xf32> to vector<1x16xf32>
        tpu.vector_store %arg9[%swap3A_1000, %swap3A_1001], %swap3A_1004 {strides = array<i32>} : memref<64x768xf32, #tpu.memory_space<vmem>>, vector<1x16xf32>,
        %get3A_1005 = arith.constant 48 : index
        %get3A_1006 = tpu.vector_load %arg11[%get3A_1005] {strides = array<i32>} : memref<768xf32, #tpu.memory_space<vmem>>, vector<16xf32>,
        %get3A_1007 = vector.shape_cast %get3A_1006 : vector<16xf32> to vector<16xf32>
        %mul3A_1008 = arith.mulf %get3A_1007, %mul3A_947 : vector<16xf32>
        %get3A_1009 = arith.index_cast %scan3A_33 : i32 to index
        %get3A_1010 = arith.constant 48 : index
        %get3A_1011 = tpu.vector_load %arg9[%get3A_1009, %get3A_1010] {strides = array<i32>} : memref<64x768xf32, #tpu.memory_space<vmem>>, vector<1x16xf32>,
        %get3A_1012 = vector.shape_cast %get3A_1011 : vector<1x16xf32> to vector<16xf32>
        %sub3A_1013 = arith.subf %get3A_1012, %mul3A_878 : vector<16xf32>
        %mul3A_1014 = arith.mulf %sub3A_1013, %mul3A_1008 : vector<16xf32>
        %get3A_1015 = arith.constant 48 : index
        %get3A_1016 = tpu.vector_load %arg12[%get3A_1015] {strides = array<i32>} : memref<768xf32, #tpu.memory_space<vmem>>, vector<16xf32>,
        %get3A_1017 = vector.shape_cast %get3A_1016 : vector<16xf32> to vector<16xf32>
        %add3A_1018 = arith.addf %mul3A_1014, %get3A_1017 : vector<16xf32>
        %swap3A_1019 = arith.index_cast %scan3A_33 : i32 to index
        %swap3A_1020 = arith.constant 48 : index
        %swap3A_1021 = tpu.vector_load %arg9[%swap3A_1019, %swap3A_1020] {strides = array<i32>} : memref<64x768xf32, #tpu.memory_space<vmem>>, vector<1x16xf32>,
        %swap3A_1022 = vector.shape_cast %swap3A_1021 : vector<1x16xf32> to vector<16xf32>
        %swap3A_1023 = vector.shape_cast %add3A_1018 : vector<16xf32> to vector<1x16xf32>
        tpu.vector_store %arg9[%swap3A_1019, %swap3A_1020], %swap3A_1023 {strides = array<i32>} : memref<64x768xf32, #tpu.memory_space<vmem>>, vector<1x16xf32>,
        %get3A_1024 = arith.constant 64 : index
        %get3A_1025 = tpu.vector_load %arg11[%get3A_1024] {strides = array<i32>} : memref<768xf32, #tpu.memory_space<vmem>>, vector<16xf32>,
        %get3A_1026 = vector.shape_cast %get3A_1025 : vector<16xf32> to vector<16xf32>
        %mul3A_1027 = arith.mulf %get3A_1026, %mul3A_947 : vector<16xf32>
        %get3A_1028 = arith.index_cast %scan3A_33 : i32 to index
        %get3A_1029 = arith.constant 64 : index
        %get3A_1030 = tpu.vector_load %arg9[%get3A_1028, %get3A_1029] {strides = array<i32>} : memref<64x768xf32, #tpu.memory_space<vmem>>, vector<1x16xf32>,
        %get3A_1031 = vector.shape_cast %get3A_1030 : vector<1x16xf32> to vector<16xf32>
        %sub3A_1032 = arith.subf %get3A_1031, %mul3A_878 : vector<16xf32>
        %mul3A_1033 = arith.mulf %sub3A_1032, %mul3A_1027 : vector<16xf32>
        %get3A_1034 = arith.constant 64 : index
        %get3A_1035 = tpu.vector_load %arg12[%get3A_1034] {strides = array<i32>} : memref<768xf32, #tpu.memory_space<vmem>>, vector<16xf32>,
        %get3A_1036 = vector.shape_cast %get3A_1035 : vector<16xf32> to vector<16xf32>
        %add3A_1037 = arith.addf %mul3A_1033, %get3A_1036 : vector<16xf32>
        %swap3A_1038 = arith.index_cast %scan3A_33 : i32 to index
        %swap3A_1039 = arith.constant 64 : index
        %swap3A_1040 = tpu.vector_load %arg9[%swap3A_1038, %swap3A_1039] {strides = array<i32>} : memref<64x768xf32, #tpu.memory_space<vmem>>, vector<1x16xf32>,
        %swap3A_1041 = vector.shape_cast %swap3A_1040 : vector<1x16xf32> to vector<16xf32>
        %swap3A_1042 = vector.shape_cast %add3A_1037 : vector<16xf32> to vector<1x16xf32>
        tpu.vector_store %arg9[%swap3A_1038, %swap3A_1039], %swap3A_1042 {strides = array<i32>} : memref<64x768xf32, #tpu.memory_space<vmem>>, vector<1x16xf32>,
        %get3A_1043 = arith.constant 80 : index
        %get3A_1044 = tpu.vector_load %arg11[%get3A_1043] {strides = array<i32>} : memref<768xf32, #tpu.memory_space<vmem>>, vector<16xf32>,
        %get3A_1045 = vector.shape_cast %get3A_1044 : vector<16xf32> to vector<16xf32>
        %mul3A_1046 = arith.mulf %get3A_1045, %mul3A_947 : vector<16xf32>
        %get3A_1047 = arith.index_cast %scan3A_33 : i32 to index
        %get3A_1048 = arith.constant 80 : index
        %get3A_1049 = tpu.vector_load %arg9[%get3A_1047, %get3A_1048] {strides = array<i32>} : memref<64x768xf32, #tpu.memory_space<vmem>>, vector<1x16xf32>,
        %get3A_1050 = vector.shape_cast %get3A_1049 : vector<1x16xf32> to vector<16xf32>
        %sub3A_1051 = arith.subf %get3A_1050, %mul3A_878 : vector<16xf32>
        %mul3A_1052 = arith.mulf %sub3A_1051, %mul3A_1046 : vector<16xf32>
        %get3A_1053 = arith.constant 80 : index
        %get3A_1054 = tpu.vector_load %arg12[%get3A_1053] {strides = array<i32>} : memref<768xf32, #tpu.memory_space<vmem>>, vector<16xf32>,
        %get3A_1055 = vector.shape_cast %get3A_1054 : vector<16xf32> to vector<16xf32>
        %add3A_1056 = arith.addf %mul3A_1052, %get3A_1055 : vector<16xf32>
        %swap3A_1057 = arith.index_cast %scan3A_33 : i32 to index
        %swap3A_1058 = arith.constant 80 : index
        %swap3A_1059 = tpu.vector_load %arg9[%swap3A_1057, %swap3A_1058] {strides = array<i32>} : memref<64x768xf32, #tpu.memory_space<vmem>>, vector<1x16xf32>,
        %swap3A_1060 = vector.shape_cast %swap3A_1059 : vector<1x16xf32> to vector<16xf32>
        %swap3A_1061 = vector.shape_cast %add3A_1056 : vector<16xf32> to vector<1x16xf32>
        tpu.vector_store %arg9[%swap3A_1057, %swap3A_1058], %swap3A_1061 {strides = array<i32>} : memref<64x768xf32, #tpu.memory_space<vmem>>, vector<1x16xf32>,
        %get3A_1062 = arith.constant 96 : index
        %get3A_1063 = tpu.vector_load %arg11[%get3A_1062] {strides = array<i32>} : memref<768xf32, #tpu.memory_space<vmem>>, vector<16xf32>,
        %get3A_1064 = vector.shape_cast %get3A_1063 : vector<16xf32> to vector<16xf32>
        %mul3A_1065 = arith.mulf %get3A_1064, %mul3A_947 : vector<16xf32>
        %get3A_1066 = arith.index_cast %scan3A_33 : i32 to index
        %get3A_1067 = arith.constant 96 : index
        %get3A_1068 = tpu.vector_load %arg9[%get3A_1066, %get3A_1067] {strides = array<i32>} : memref<64x768xf32, #tpu.memory_space<vmem>>, vector<1x16xf32>,
        %get3A_1069 = vector.shape_cast %get3A_1068 : vector<1x16xf32> to vector<16xf32>
        %sub3A_1070 = arith.subf %get3A_1069, %mul3A_878 : vector<16xf32>
        %mul3A_1071 = arith.mulf %sub3A_1070, %mul3A_1065 : vector<16xf32>
        %get3A_1072 = arith.constant 96 : index
        %get3A_1073 = tpu.vector_load %arg12[%get3A_1072] {strides = array<i32>} : memref<768xf32, #tpu.memory_space<vmem>>, vector<16xf32>,
        %get3A_1074 = vector.shape_cast %get3A_1073 : vector<16xf32> to vector<16xf32>
        %add3A_1075 = arith.addf %mul3A_1071, %get3A_1074 : vector<16xf32>
        %swap3A_1076 = arith.index_cast %scan3A_33 : i32 to index
        %swap3A_1077 = arith.constant 96 : index
        %swap3A_1078 = tpu.vector_load %arg9[%swap3A_1076, %swap3A_1077] {strides = array<i32>} : memref<64x768xf32, #tpu.memory_space<vmem>>, vector<1x16xf32>,
        %swap3A_1079 = vector.shape_cast %swap3A_1078 : vector<1x16xf32> to vector<16xf32>
        %swap3A_1080 = vector.shape_cast %add3A_1075 : vector<16xf32> to vector<1x16xf32>
        tpu.vector_store %arg9[%swap3A_1076, %swap3A_1077], %swap3A_1080 {strides = array<i32>} : memref<64x768xf32, #tpu.memory_space<vmem>>, vector<1x16xf32>,
        %get3A_1081 = arith.constant 112 : index
        %get3A_1082 = tpu.vector_load %arg11[%get3A_1081] {strides = array<i32>} : memref<768xf32, #tpu.memory_space<vmem>>, vector<16xf32>,
        %get3A_1083 = vector.shape_cast %get3A_1082 : vector<16xf32> to vector<16xf32>
        %mul3A_1084 = arith.mulf %get3A_1083, %mul3A_947 : vector<16xf32>
        %get3A_1085 = arith.index_cast %scan3A_33 : i32 to index
        %get3A_1086 = arith.constant 112 : index
        %get3A_1087 = tpu.vector_load %arg9[%get3A_1085, %get3A_1086] {strides = array<i32>} : memref<64x768xf32, #tpu.memory_space<vmem>>, vector<1x16xf32>,
        %get3A_1088 = vector.shape_cast %get3A_1087 : vector<1x16xf32> to vector<16xf32>
        %sub3A_1089 = arith.subf %get3A_1088, %mul3A_878 : vector<16xf32>
        %mul3A_1090 = arith.mulf %sub3A_1089, %mul3A_1084 : vector<16xf32>
        %get3A_1091 = arith.constant 112 : index
        %get3A_1092 = tpu.vector_load %arg12[%get3A_1091] {strides = array<i32>} : memref<768xf32, #tpu.memory_space<vmem>>, vector<16xf32>,
        %get3A_1093 = vector.shape_cast %get3A_1092 : vector<16xf32> to vector<16xf32>
        %add3A_1094 = arith.addf %mul3A_1090, %get3A_1093 : vector<16xf32>
        %swap3A_1095 = arith.index_cast %scan3A_33 : i32 to index
        %swap3A_1096 = arith.constant 112 : index
        %swap3A_1097 = tpu.vector_load %arg9[%swap3A_1095, %swap3A_1096] {strides = array<i32>} : memref<64x768xf32, #tpu.memory_space<vmem>>, vector<1x16xf32>,
        %swap3A_1098 = vector.shape_cast %swap3A_1097 : vector<1x16xf32> to vector<16xf32>
        %swap3A_1099 = vector.shape_cast %add3A_1094 : vector<16xf32> to vector<1x16xf32>
        tpu.vector_store %arg9[%swap3A_1095, %swap3A_1096], %swap3A_1099 {strides = array<i32>} : memref<64x768xf32, #tpu.memory_space<vmem>>, vector<1x16xf32>,
        %get3A_1100 = arith.constant 128 : index
        %get3A_1101 = tpu.vector_load %arg11[%get3A_1100] {strides = array<i32>} : memref<768xf32, #tpu.memory_space<vmem>>, vector<16xf32>,
        %get3A_1102 = vector.shape_cast %get3A_1101 : vector<16xf32> to vector<16xf32>
        %mul3A_1103 = arith.mulf %get3A_1102, %mul3A_947 : vector<16xf32>
        %get3A_1104 = arith.index_cast %scan3A_33 : i32 to index
        %get3A_1105 = arith.constant 128 : index
        %get3A_1106 = tpu.vector_load %arg9[%get3A_1104, %get3A_1105] {strides = array<i32>} : memref<64x768xf32, #tpu.memory_space<vmem>>, vector<1x16xf32>,
        %get3A_1107 = vector.shape_cast %get3A_1106 : vector<1x16xf32> to vector<16xf32>
        %sub3A_1108 = arith.subf %get3A_1107, %mul3A_878 : vector<16xf32>
        %mul3A_1109 = arith.mulf %sub3A_1108, %mul3A_1103 : vector<16xf32>
        %get3A_1110 = arith.constant 128 : index
        %get3A_1111 = tpu.vector_load %arg12[%get3A_1110] {strides = array<i32>} : memref<768xf32, #tpu.memory_space<vmem>>, vector<16xf32>,
        %get3A_1112 = vector.shape_cast %get3A_1111 : vector<16xf32> to vector<16xf32>
        %add3A_1113 = arith.addf %mul3A_1109, %get3A_1112 : vector<16xf32>
        %swap3A_1114 = arith.index_cast %scan3A_33 : i32 to index
        %swap3A_1115 = arith.constant 128 : index
        %swap3A_1116 = tpu.vector_load %arg9[%swap3A_1114, %swap3A_1115] {strides = array<i32>} : memref<64x768xf32, #tpu.memory_space<vmem>>, vector<1x16xf32>,
        %swap3A_1117 = vector.shape_cast %swap3A_1116 : vector<1x16xf32> to vector<16xf32>
        %swap3A_1118 = vector.shape_cast %add3A_1113 : vector<16xf32> to vector<1x16xf32>
        tpu.vector_store %arg9[%swap3A_1114, %swap3A_1115], %swap3A_1118 {strides = array<i32>} : memref<64x768xf32, #tpu.memory_space<vmem>>, vector<1x16xf32>,
        %get3A_1119 = arith.constant 144 : index
        %get3A_1120 = tpu.vector_load %arg11[%get3A_1119] {strides = array<i32>} : memref<768xf32, #tpu.memory_space<vmem>>, vector<16xf32>,
        %get3A_1121 = vector.shape_cast %get3A_1120 : vector<16xf32> to vector<16xf32>
        %mul3A_1122 = arith.mulf %get3A_1121, %mul3A_947 : vector<16xf32>
        %get3A_1123 = arith.index_cast %scan3A_33 : i32 to index
        %get3A_1124 = arith.constant 144 : index
        %get3A_1125 = tpu.vector_load %arg9[%get3A_1123, %get3A_1124] {strides = array<i32>} : memref<64x768xf32, #tpu.memory_space<vmem>>, vector<1x16xf32>,
        %get3A_1126 = vector.shape_cast %get3A_1125 : vector<1x16xf32> to vector<16xf32>
        %sub3A_1127 = arith.subf %get3A_1126, %mul3A_878 : vector<16xf32>
        %mul3A_1128 = arith.mulf %sub3A_1127, %mul3A_1122 : vector<16xf32>
        %get3A_1129 = arith.constant 144 : index
        %get3A_1130 = tpu.vector_load %arg12[%get3A_1129] {strides = array<i32>} : memref<768xf32, #tpu.memory_space<vmem>>, vector<16xf32>,
        %get3A_1131 = vector.shape_cast %get3A_1130 : vector<16xf32> to vector<16xf32>
        %add3A_1132 = arith.addf %mul3A_1128, %get3A_1131 : vector<16xf32>
        %swap3A_1133 = arith.index_cast %scan3A_33 : i32 to index
        %swap3A_1134 = arith.constant 144 : index
        %swap3A_1135 = tpu.vector_load %arg9[%swap3A_1133, %swap3A_1134] {strides = array<i32>} : memref<64x768xf32, #tpu.memory_space<vmem>>, vector<1x16xf32>,
        %swap3A_1136 = vector.shape_cast %swap3A_1135 : vector<1x16xf32> to vector<16xf32>
        %swap3A_1137 = vector.shape_cast %add3A_1132 : vector<16xf32> to vector<1x16xf32>
        tpu.vector_store %arg9[%swap3A_1133, %swap3A_1134], %swap3A_1137 {strides = array<i32>} : memref<64x768xf32, #tpu.memory_space<vmem>>, vector<1x16xf32>,
        %get3A_1138 = arith.constant 160 : index
        %get3A_1139 = tpu.vector_load %arg11[%get3A_1138] {strides = array<i32>} : memref<768xf32, #tpu.memory_space<vmem>>, vector<16xf32>,
        %get3A_1140 = vector.shape_cast %get3A_1139 : vector<16xf32> to vector<16xf32>
        %mul3A_1141 = arith.mulf %get3A_1140, %mul3A_947 : vector<16xf32>
        %get3A_1142 = arith.index_cast %scan3A_33 : i32 to index
        %get3A_1143 = arith.constant 160 : index
        %get3A_1144 = tpu.vector_load %arg9[%get3A_1142, %get3A_1143] {strides = array<i32>} : memref<64x768xf32, #tpu.memory_space<vmem>>, vector<1x16xf32>,
        %get3A_1145 = vector.shape_cast %get3A_1144 : vector<1x16xf32> to vector<16xf32>
        %sub3A_1146 = arith.subf %get3A_1145, %mul3A_878 : vector<16xf32>
        %mul3A_1147 = arith.mulf %sub3A_1146, %mul3A_1141 : vector<16xf32>
        %get3A_1148 = arith.constant 160 : index
        %get3A_1149 = tpu.vector_load %arg12[%get3A_1148] {strides = array<i32>} : memref<768xf32, #tpu.memory_space<vmem>>, vector<16xf32>,
        %get3A_1150 = vector.shape_cast %get3A_1149 : vector<16xf32> to vector<16xf32>
        %add3A_1151 = arith.addf %mul3A_1147, %get3A_1150 : vector<16xf32>
        %swap3A_1152 = arith.index_cast %scan3A_33 : i32 to index
        %swap3A_1153 = arith.constant 160 : index
        %swap3A_1154 = tpu.vector_load %arg9[%swap3A_1152, %swap3A_1153] {strides = array<i32>} : memref<64x768xf32, #tpu.memory_space<vmem>>, vector<1x16xf32>,
        %swap3A_1155 = vector.shape_cast %swap3A_1154 : vector<1x16xf32> to vector<16xf32>
        %swap3A_1156 = vector.shape_cast %add3A_1151 : vector<16xf32> to vector<1x16xf32>
        tpu.vector_store %arg9[%swap3A_1152, %swap3A_1153], %swap3A_1156 {strides = array<i32>} : memref<64x768xf32, #tpu.memory_space<vmem>>, vector<1x16xf32>,
        %get3A_1157 = arith.constant 176 : index
        %get3A_1158 = tpu.vector_load %arg11[%get3A_1157] {strides = array<i32>} : memref<768xf32, #tpu.memory_space<vmem>>, vector<16xf32>,
        %get3A_1159 = vector.shape_cast %get3A_1158 : vector<16xf32> to vector<16xf32>
        %mul3A_1160 = arith.mulf %get3A_1159, %mul3A_947 : vector<16xf32>
        %get3A_1161 = arith.index_cast %scan3A_33 : i32 to index
        %get3A_1162 = arith.constant 176 : index
        %get3A_1163 = tpu.vector_load %arg9[%get3A_1161, %get3A_1162] {strides = array<i32>} : memref<64x768xf32, #tpu.memory_space<vmem>>, vector<1x16xf32>,
        %get3A_1164 = vector.shape_cast %get3A_1163 : vector<1x16xf32> to vector<16xf32>
        %sub3A_1165 = arith.subf %get3A_1164, %mul3A_878 : vector<16xf32>
        %mul3A_1166 = arith.mulf %sub3A_1165, %mul3A_1160 : vector<16xf32>
        %get3A_1167 = arith.constant 176 : index
        %get3A_1168 = tpu.vector_load %arg12[%get3A_1167] {strides = array<i32>} : memref<768xf32, #tpu.memory_space<vmem>>, vector<16xf32>,
        %get3A_1169 = vector.shape_cast %get3A_1168 : vector<16xf32> to vector<16xf32>
        %add3A_1170 = arith.addf %mul3A_1166, %get3A_1169 : vector<16xf32>
        %swap3A_1171 = arith.index_cast %scan3A_33 : i32 to index
        %swap3A_1172 = arith.constant 176 : index
        %swap3A_1173 = tpu.vector_load %arg9[%swap3A_1171, %swap3A_1172] {strides = array<i32>} : memref<64x768xf32, #tpu.memory_space<vmem>>, vector<1x16xf32>,
        %swap3A_1174 = vector.shape_cast %swap3A_1173 : vector<1x16xf32> to vector<16xf32>
        %swap3A_1175 = vector.shape_cast %add3A_1170 : vector<16xf32> to vector<1x16xf32>
        tpu.vector_store %arg9[%swap3A_1171, %swap3A_1172], %swap3A_1175 {strides = array<i32>} : memref<64x768xf32, #tpu.memory_space<vmem>>, vector<1x16xf32>,
        %get3A_1176 = arith.constant 192 : index
        %get3A_1177 = tpu.vector_load %arg11[%get3A_1176] {strides = array<i32>} : memref<768xf32, #tpu.memory_space<vmem>>, vector<16xf32>,
        %get3A_1178 = vector.shape_cast %get3A_1177 : vector<16xf32> to vector<16xf32>
        %mul3A_1179 = arith.mulf %get3A_1178, %mul3A_947 : vector<16xf32>
        %get3A_1180 = arith.index_cast %scan3A_33 : i32 to index
        %get3A_1181 = arith.constant 192 : index
        %get3A_1182 = tpu.vector_load %arg9[%get3A_1180, %get3A_1181] {strides = array<i32>} : memref<64x768xf32, #tpu.memory_space<vmem>>, vector<1x16xf32>,
        %get3A_1183 = vector.shape_cast %get3A_1182 : vector<1x16xf32> to vector<16xf32>
        %sub3A_1184 = arith.subf %get3A_1183, %mul3A_878 : vector<16xf32>
        %mul3A_1185 = arith.mulf %sub3A_1184, %mul3A_1179 : vector<16xf32>
        %get3A_1186 = arith.constant 192 : index
        %get3A_1187 = tpu.vector_load %arg12[%get3A_1186] {strides = array<i32>} : memref<768xf32, #tpu.memory_space<vmem>>, vector<16xf32>,
        %get3A_1188 = vector.shape_cast %get3A_1187 : vector<16xf32> to vector<16xf32>
        %add3A_1189 = arith.addf %mul3A_1185, %get3A_1188 : vector<16xf32>
        %swap3A_1190 = arith.index_cast %scan3A_33 : i32 to index
        %swap3A_1191 = arith.constant 192 : index
        %swap3A_1192 = tpu.vector_load %arg9[%swap3A_1190, %swap3A_1191] {strides = array<i32>} : memref<64x768xf32, #tpu.memory_space<vmem>>, vector<1x16xf32>,
        %swap3A_1193 = vector.shape_cast %swap3A_1192 : vector<1x16xf32> to vector<16xf32>
        %swap3A_1194 = vector.shape_cast %add3A_1189 : vector<16xf32> to vector<1x16xf32>
        tpu.vector_store %arg9[%swap3A_1190, %swap3A_1191], %swap3A_1194 {strides = array<i32>} : memref<64x768xf32, #tpu.memory_space<vmem>>, vector<1x16xf32>,
        %get3A_1195 = arith.constant 208 : index
        %get3A_1196 = tpu.vector_load %arg11[%get3A_1195] {strides = array<i32>} : memref<768xf32, #tpu.memory_space<vmem>>, vector<16xf32>,
        %get3A_1197 = vector.shape_cast %get3A_1196 : vector<16xf32> to vector<16xf32>
        %mul3A_1198 = arith.mulf %get3A_1197, %mul3A_947 : vector<16xf32>
        %get3A_1199 = arith.index_cast %scan3A_33 : i32 to index
        %get3A_1200 = arith.constant 208 : index
        %get3A_1201 = tpu.vector_load %arg9[%get3A_1199, %get3A_1200] {strides = array<i32>} : memref<64x768xf32, #tpu.memory_space<vmem>>, vector<1x16xf32>,
        %get3A_1202 = vector.shape_cast %get3A_1201 : vector<1x16xf32> to vector<16xf32>
        %sub3A_1203 = arith.subf %get3A_1202, %mul3A_878 : vector<16xf32>
        %mul3A_1204 = arith.mulf %sub3A_1203, %mul3A_1198 : vector<16xf32>
        %get3A_1205 = arith.constant 208 : index
        %get3A_1206 = tpu.vector_load %arg12[%get3A_1205] {strides = array<i32>} : memref<768xf32, #tpu.memory_space<vmem>>, vector<16xf32>,
        %get3A_1207 = vector.shape_cast %get3A_1206 : vector<16xf32> to vector<16xf32>
        %add3A_1208 = arith.addf %mul3A_1204, %get3A_1207 : vector<16xf32>
        %swap3A_1209 = arith.index_cast %scan3A_33 : i32 to index
        %swap3A_1210 = arith.constant 208 : index
        %swap3A_1211 = tpu.vector_load %arg9[%swap3A_1209, %swap3A_1210] {strides = array<i32>} : memref<64x768xf32, #tpu.memory_space<vmem>>, vector<1x16xf32>,
        %swap3A_1212 = vector.shape_cast %swap3A_1211 : vector<1x16xf32> to vector<16xf32>
        %swap3A_1213 = vector.shape_cast %add3A_1208 : vector<16xf32> to vector<1x16xf32>
        tpu.vector_store %arg9[%swap3A_1209, %swap3A_1210], %swap3A_1213 {strides = array<i32>} : memref<64x768xf32, #tpu.memory_space<vmem>>, vector<1x16xf32>,
        %get3A_1214 = arith.constant 224 : index
        %get3A_1215 = tpu.vector_load %arg11[%get3A_1214] {strides = array<i32>} : memref<768xf32, #tpu.memory_space<vmem>>, vector<16xf32>,
        %get3A_1216 = vector.shape_cast %get3A_1215 : vector<16xf32> to vector<16xf32>
        %mul3A_1217 = arith.mulf %get3A_1216, %mul3A_947 : vector<16xf32>
        %get3A_1218 = arith.index_cast %scan3A_33 : i32 to index
        %get3A_1219 = arith.constant 224 : index
        %get3A_1220 = tpu.vector_load %arg9[%get3A_1218, %get3A_1219] {strides = array<i32>} : memref<64x768xf32, #tpu.memory_space<vmem>>, vector<1x16xf32>,
        %get3A_1221 = vector.shape_cast %get3A_1220 : vector<1x16xf32> to vector<16xf32>
        %sub3A_1222 = arith.subf %get3A_1221, %mul3A_878 : vector<16xf32>
        %mul3A_1223 = arith.mulf %sub3A_1222, %mul3A_1217 : vector<16xf32>
        %get3A_1224 = arith.constant 224 : index
        %get3A_1225 = tpu.vector_load %arg12[%get3A_1224] {strides = array<i32>} : memref<768xf32, #tpu.memory_space<vmem>>, vector<16xf32>,
        %get3A_1226 = vector.shape_cast %get3A_1225 : vector<16xf32> to vector<16xf32>
        %add3A_1227 = arith.addf %mul3A_1223, %get3A_1226 : vector<16xf32>
        %swap3A_1228 = arith.index_cast %scan3A_33 : i32 to index
        %swap3A_1229 = arith.constant 224 : index
        %swap3A_1230 = tpu.vector_load %arg9[%swap3A_1228, %swap3A_1229] {strides = array<i32>} : memref<64x768xf32, #tpu.memory_space<vmem>>, vector<1x16xf32>,
        %swap3A_1231 = vector.shape_cast %swap3A_1230 : vector<1x16xf32> to vector<16xf32>
        %swap3A_1232 = vector.shape_cast %add3A_1227 : vector<16xf32> to vector<1x16xf32>
        tpu.vector_store %arg9[%swap3A_1228, %swap3A_1229], %swap3A_1232 {strides = array<i32>} : memref<64x768xf32, #tpu.memory_space<vmem>>, vector<1x16xf32>,
        %get3A_1233 = arith.constant 240 : index
        %get3A_1234 = tpu.vector_load %arg11[%get3A_1233] {strides = array<i32>} : memref<768xf32, #tpu.memory_space<vmem>>, vector<16xf32>,
        %get3A_1235 = vector.shape_cast %get3A_1234 : vector<16xf32> to vector<16xf32>
        %mul3A_1236 = arith.mulf %get3A_1235, %mul3A_947 : vector<16xf32>
        %get3A_1237 = arith.index_cast %scan3A_33 : i32 to index
        %get3A_1238 = arith.constant 240 : index
        %get3A_1239 = tpu.vector_load %arg9[%get3A_1237, %get3A_1238] {strides = array<i32>} : memref<64x768xf32, #tpu.memory_space<vmem>>, vector<1x16xf32>,
        %get3A_1240 = vector.shape_cast %get3A_1239 : vector<1x16xf32> to vector<16xf32>
        %sub3A_1241 = arith.subf %get3A_1240, %mul3A_878 : vector<16xf32>
        %mul3A_1242 = arith.mulf %sub3A_1241, %mul3A_1236 : vector<16xf32>
        %get3A_1243 = arith.constant 240 : index
        %get3A_1244 = tpu.vector_load %arg12[%get3A_1243] {strides = array<i32>} : memref<768xf32, #tpu.memory_space<vmem>>, vector<16xf32>,
        %get3A_1245 = vector.shape_cast %get3A_1244 : vector<16xf32> to vector<16xf32>
        %add3A_1246 = arith.addf %mul3A_1242, %get3A_1245 : vector<16xf32>
        %swap3A_1247 = arith.index_cast %scan3A_33 : i32 to index
        %swap3A_1248 = arith.constant 240 : index
        %swap3A_1249 = tpu.vector_load %arg9[%swap3A_1247, %swap3A_1248] {strides = array<i32>} : memref<64x768xf32, #tpu.memory_space<vmem>>, vector<1x16xf32>,
        %swap3A_1250 = vector.shape_cast %swap3A_1249 : vector<1x16xf32> to vector<16xf32>
        %swap3A_1251 = vector.shape_cast %add3A_1246 : vector<16xf32> to vector<1x16xf32>
        tpu.vector_store %arg9[%swap3A_1247, %swap3A_1248], %swap3A_1251 {strides = array<i32>} : memref<64x768xf32, #tpu.memory_space<vmem>>, vector<1x16xf32>,
        %get3A_1252 = arith.constant 256 : index
        %get3A_1253 = tpu.vector_load %arg11[%get3A_1252] {strides = array<i32>} : memref<768xf32, #tpu.memory_space<vmem>>, vector<16xf32>,
        %get3A_1254 = vector.shape_cast %get3A_1253 : vector<16xf32> to vector<16xf32>
        %mul3A_1255 = arith.mulf %get3A_1254, %mul3A_947 : vector<16xf32>
        %get3A_1256 = arith.index_cast %scan3A_33 : i32 to index
        %get3A_1257 = arith.constant 256 : index
        %get3A_1258 = tpu.vector_load %arg9[%get3A_1256, %get3A_1257] {strides = array<i32>} : memref<64x768xf32, #tpu.memory_space<vmem>>, vector<1x16xf32>,
        %get3A_1259 = vector.shape_cast %get3A_1258 : vector<1x16xf32> to vector<16xf32>
        %sub3A_1260 = arith.subf %get3A_1259, %mul3A_878 : vector<16xf32>
        %mul3A_1261 = arith.mulf %sub3A_1260, %mul3A_1255 : vector<16xf32>
        %get3A_1262 = arith.constant 256 : index
        %get3A_1263 = tpu.vector_load %arg12[%get3A_1262] {strides = array<i32>} : memref<768xf32, #tpu.memory_space<vmem>>, vector<16xf32>,
        %get3A_1264 = vector.shape_cast %get3A_1263 : vector<16xf32> to vector<16xf32>
        %add3A_1265 = arith.addf %mul3A_1261, %get3A_1264 : vector<16xf32>
        %swap3A_1266 = arith.index_cast %scan3A_33 : i32 to index
        %swap3A_1267 = arith.constant 256 : index
        %swap3A_1268 = tpu.vector_load %arg9[%swap3A_1266, %swap3A_1267] {strides = array<i32>} : memref<64x768xf32, #tpu.memory_space<vmem>>, vector<1x16xf32>,
        %swap3A_1269 = vector.shape_cast %swap3A_1268 : vector<1x16xf32> to vector<16xf32>
        %swap3A_1270 = vector.shape_cast %add3A_1265 : vector<16xf32> to vector<1x16xf32>
        tpu.vector_store %arg9[%swap3A_1266, %swap3A_1267], %swap3A_1270 {strides = array<i32>} : memref<64x768xf32, #tpu.memory_space<vmem>>, vector<1x16xf32>,
        %get3A_1271 = arith.constant 272 : index
        %get3A_1272 = tpu.vector_load %arg11[%get3A_1271] {strides = array<i32>} : memref<768xf32, #tpu.memory_space<vmem>>, vector<16xf32>,
        %get3A_1273 = vector.shape_cast %get3A_1272 : vector<16xf32> to vector<16xf32>
        %mul3A_1274 = arith.mulf %get3A_1273, %mul3A_947 : vector<16xf32>
        %get3A_1275 = arith.index_cast %scan3A_33 : i32 to index
        %get3A_1276 = arith.constant 272 : index
        %get3A_1277 = tpu.vector_load %arg9[%get3A_1275, %get3A_1276] {strides = array<i32>} : memref<64x768xf32, #tpu.memory_space<vmem>>, vector<1x16xf32>,
        %get3A_1278 = vector.shape_cast %get3A_1277 : vector<1x16xf32> to vector<16xf32>
        %sub3A_1279 = arith.subf %get3A_1278, %mul3A_878 : vector<16xf32>
        %mul3A_1280 = arith.mulf %sub3A_1279, %mul3A_1274 : vector<16xf32>
        %get3A_1281 = arith.constant 272 : index
        %get3A_1282 = tpu.vector_load %arg12[%get3A_1281] {strides = array<i32>} : memref<768xf32, #tpu.memory_space<vmem>>, vector<16xf32>,
        %get3A_1283 = vector.shape_cast %get3A_1282 : vector<16xf32> to vector<16xf32>
        %add3A_1284 = arith.addf %mul3A_1280, %get3A_1283 : vector<16xf32>
        %swap3A_1285 = arith.index_cast %scan3A_33 : i32 to index
        %swap3A_1286 = arith.constant 272 : index
        %swap3A_1287 = tpu.vector_load %arg9[%swap3A_1285, %swap3A_1286] {strides = array<i32>} : memref<64x768xf32, #tpu.memory_space<vmem>>, vector<1x16xf32>,
        %swap3A_1288 = vector.shape_cast %swap3A_1287 : vector<1x16xf32> to vector<16xf32>
        %swap3A_1289 = vector.shape_cast %add3A_1284 : vector<16xf32> to vector<1x16xf32>
        tpu.vector_store %arg9[%swap3A_1285, %swap3A_1286], %swap3A_1289 {strides = array<i32>} : memref<64x768xf32, #tpu.memory_space<vmem>>, vector<1x16xf32>,
        %get3A_1290 = arith.constant 288 : index
        %get3A_1291 = tpu.vector_load %arg11[%get3A_1290] {strides = array<i32>} : memref<768xf32, #tpu.memory_space<vmem>>, vector<16xf32>,
        %get3A_1292 = vector.shape_cast %get3A_1291 : vector<16xf32> to vector<16xf32>
        %mul3A_1293 = arith.mulf %get3A_1292, %mul3A_947 : vector<16xf32>
        %get3A_1294 = arith.index_cast %scan3A_33 : i32 to index
        %get3A_1295 = arith.constant 288 : index
        %get3A_1296 = tpu.vector_load %arg9[%get3A_1294, %get3A_1295] {strides = array<i32>} : memref<64x768xf32, #tpu.memory_space<vmem>>, vector<1x16xf32>,
        %get3A_1297 = vector.shape_cast %get3A_1296 : vector<1x16xf32> to vector<16xf32>
        %sub3A_1298 = arith.subf %get3A_1297, %mul3A_878 : vector<16xf32>
        %mul3A_1299 = arith.mulf %sub3A_1298, %mul3A_1293 : vector<16xf32>
        %get3A_1300 = arith.constant 288 : index
        %get3A_1301 = tpu.vector_load %arg12[%get3A_1300] {strides = array<i32>} : memref<768xf32, #tpu.memory_space<vmem>>, vector<16xf32>,
        %get3A_1302 = vector.shape_cast %get3A_1301 : vector<16xf32> to vector<16xf32>
        %add3A_1303 = arith.addf %mul3A_1299, %get3A_1302 : vector<16xf32>
        %swap3A_1304 = arith.index_cast %scan3A_33 : i32 to index
        %swap3A_1305 = arith.constant 288 : index
        %swap3A_1306 = tpu.vector_load %arg9[%swap3A_1304, %swap3A_1305] {strides = array<i32>} : memref<64x768xf32, #tpu.memory_space<vmem>>, vector<1x16xf32>,
        %swap3A_1307 = vector.shape_cast %swap3A_1306 : vector<1x16xf32> to vector<16xf32>
        %swap3A_1308 = vector.shape_cast %add3A_1303 : vector<16xf32> to vector<1x16xf32>
        tpu.vector_store %arg9[%swap3A_1304, %swap3A_1305], %swap3A_1308 {strides = array<i32>} : memref<64x768xf32, #tpu.memory_space<vmem>>, vector<1x16xf32>,
        %get3A_1309 = arith.constant 304 : index
        %get3A_1310 = tpu.vector_load %arg11[%get3A_1309] {strides = array<i32>} : memref<768xf32, #tpu.memory_space<vmem>>, vector<16xf32>,
        %get3A_1311 = vector.shape_cast %get3A_1310 : vector<16xf32> to vector<16xf32>
        %mul3A_1312 = arith.mulf %get3A_1311, %mul3A_947 : vector<16xf32>
        %get3A_1313 = arith.index_cast %scan3A_33 : i32 to index
        %get3A_1314 = arith.constant 304 : index
        %get3A_1315 = tpu.vector_load %arg9[%get3A_1313, %get3A_1314] {strides = array<i32>} : memref<64x768xf32, #tpu.memory_space<vmem>>, vector<1x16xf32>,
        %get3A_1316 = vector.shape_cast %get3A_1315 : vector<1x16xf32> to vector<16xf32>
        %sub3A_1317 = arith.subf %get3A_1316, %mul3A_878 : vector<16xf32>
        %mul3A_1318 = arith.mulf %sub3A_1317, %mul3A_1312 : vector<16xf32>
        %get3A_1319 = arith.constant 304 : index
        %get3A_1320 = tpu.vector_load %arg12[%get3A_1319] {strides = array<i32>} : memref<768xf32, #tpu.memory_space<vmem>>, vector<16xf32>,
        %get3A_1321 = vector.shape_cast %get3A_1320 : vector<16xf32> to vector<16xf32>
        %add3A_1322 = arith.addf %mul3A_1318, %get3A_1321 : vector<16xf32>
        %swap3A_1323 = arith.index_cast %scan3A_33 : i32 to index
        %swap3A_1324 = arith.constant 304 : index
        %swap3A_1325 = tpu.vector_load %arg9[%swap3A_1323, %swap3A_1324] {strides = array<i32>} : memref<64x768xf32, #tpu.memory_space<vmem>>, vector<1x16xf32>,
        %swap3A_1326 = vector.shape_cast %swap3A_1325 : vector<1x16xf32> to vector<16xf32>
        %swap3A_1327 = vector.shape_cast %add3A_1322 : vector<16xf32> to vector<1x16xf32>
        tpu.vector_store %arg9[%swap3A_1323, %swap3A_1324], %swap3A_1327 {strides = array<i32>} : memref<64x768xf32, #tpu.memory_space<vmem>>, vector<1x16xf32>,
        %get3A_1328 = arith.constant 320 : index
        %get3A_1329 = tpu.vector_load %arg11[%get3A_1328] {strides = array<i32>} : memref<768xf32, #tpu.memory_space<vmem>>, vector<16xf32>,
        %get3A_1330 = vector.shape_cast %get3A_1329 : vector<16xf32> to vector<16xf32>
        %mul3A_1331 = arith.mulf %get3A_1330, %mul3A_947 : vector<16xf32>
        %get3A_1332 = arith.index_cast %scan3A_33 : i32 to index
        %get3A_1333 = arith.constant 320 : index
        %get3A_1334 = tpu.vector_load %arg9[%get3A_1332, %get3A_1333] {strides = array<i32>} : memref<64x768xf32, #tpu.memory_space<vmem>>, vector<1x16xf32>,
        %get3A_1335 = vector.shape_cast %get3A_1334 : vector<1x16xf32> to vector<16xf32>
        %sub3A_1336 = arith.subf %get3A_1335, %mul3A_878 : vector<16xf32>
        %mul3A_1337 = arith.mulf %sub3A_1336, %mul3A_1331 : vector<16xf32>
        %get3A_1338 = arith.constant 320 : index
        %get3A_1339 = tpu.vector_load %arg12[%get3A_1338] {strides = array<i32>} : memref<768xf32, #tpu.memory_space<vmem>>, vector<16xf32>,
        %get3A_1340 = vector.shape_cast %get3A_1339 : vector<16xf32> to vector<16xf32>
        %add3A_1341 = arith.addf %mul3A_1337, %get3A_1340 : vector<16xf32>
        %swap3A_1342 = arith.index_cast %scan3A_33 : i32 to index
        %swap3A_1343 = arith.constant 320 : index
        %swap3A_1344 = tpu.vector_load %arg9[%swap3A_1342, %swap3A_1343] {strides = array<i32>} : memref<64x768xf32, #tpu.memory_space<vmem>>, vector<1x16xf32>,
        %swap3A_1345 = vector.shape_cast %swap3A_1344 : vector<1x16xf32> to vector<16xf32>
        %swap3A_1346 = vector.shape_cast %add3A_1341 : vector<16xf32> to vector<1x16xf32>
        tpu.vector_store %arg9[%swap3A_1342, %swap3A_1343], %swap3A_1346 {strides = array<i32>} : memref<64x768xf32, #tpu.memory_space<vmem>>, vector<1x16xf32>,
        %get3A_1347 = arith.constant 336 : index
        %get3A_1348 = tpu.vector_load %arg11[%get3A_1347] {strides = array<i32>} : memref<768xf32, #tpu.memory_space<vmem>>, vector<16xf32>,
        %get3A_1349 = vector.shape_cast %get3A_1348 : vector<16xf32> to vector<16xf32>
        %mul3A_1350 = arith.mulf %get3A_1349, %mul3A_947 : vector<16xf32>
        %get3A_1351 = arith.index_cast %scan3A_33 : i32 to index
        %get3A_1352 = arith.constant 336 : index
        %get3A_1353 = tpu.vector_load %arg9[%get3A_1351, %get3A_1352] {strides = array<i32>} : memref<64x768xf32, #tpu.memory_space<vmem>>, vector<1x16xf32>,
        %get3A_1354 = vector.shape_cast %get3A_1353 : vector<1x16xf32> to vector<16xf32>
        %sub3A_1355 = arith.subf %get3A_1354, %mul3A_878 : vector<16xf32>
        %mul3A_1356 = arith.mulf %sub3A_1355, %mul3A_1350 : vector<16xf32>
        %get3A_1357 = arith.constant 336 : index
        %get3A_1358 = tpu.vector_load %arg12[%get3A_1357] {strides = array<i32>} : memref<768xf32, #tpu.memory_space<vmem>>, vector<16xf32>,
        %get3A_1359 = vector.shape_cast %get3A_1358 : vector<16xf32> to vector<16xf32>
        %add3A_1360 = arith.addf %mul3A_1356, %get3A_1359 : vector<16xf32>
        %swap3A_1361 = arith.index_cast %scan3A_33 : i32 to index
        %swap3A_1362 = arith.constant 336 : index
        %swap3A_1363 = tpu.vector_load %arg9[%swap3A_1361, %swap3A_1362] {strides = array<i32>} : memref<64x768xf32, #tpu.memory_space<vmem>>, vector<1x16xf32>,
        %swap3A_1364 = vector.shape_cast %swap3A_1363 : vector<1x16xf32> to vector<16xf32>
        %swap3A_1365 = vector.shape_cast %add3A_1360 : vector<16xf32> to vector<1x16xf32>
        tpu.vector_store %arg9[%swap3A_1361, %swap3A_1362], %swap3A_1365 {strides = array<i32>} : memref<64x768xf32, #tpu.memory_space<vmem>>, vector<1x16xf32>,
        %get3A_1366 = arith.constant 352 : index
        %get3A_1367 = tpu.vector_load %arg11[%get3A_1366] {strides = array<i32>} : memref<768xf32, #tpu.memory_space<vmem>>, vector<16xf32>,
        %get3A_1368 = vector.shape_cast %get3A_1367 : vector<16xf32> to vector<16xf32>
        %mul3A_1369 = arith.mulf %get3A_1368, %mul3A_947 : vector<16xf32>
        %get3A_1370 = arith.index_cast %scan3A_33 : i32 to index
        %get3A_1371 = arith.constant 352 : index
        %get3A_1372 = tpu.vector_load %arg9[%get3A_1370, %get3A_1371] {strides = array<i32>} : memref<64x768xf32, #tpu.memory_space<vmem>>, vector<1x16xf32>,
        %get3A_1373 = vector.shape_cast %get3A_1372 : vector<1x16xf32> to vector<16xf32>
        %sub3A_1374 = arith.subf %get3A_1373, %mul3A_878 : vector<16xf32>
        %mul3A_1375 = arith.mulf %sub3A_1374, %mul3A_1369 : vector<16xf32>
        %get3A_1376 = arith.constant 352 : index
        %get3A_1377 = tpu.vector_load %arg12[%get3A_1376] {strides = array<i32>} : memref<768xf32, #tpu.memory_space<vmem>>, vector<16xf32>,
        %get3A_1378 = vector.shape_cast %get3A_1377 : vector<16xf32> to vector<16xf32>
        %add3A_1379 = arith.addf %mul3A_1375, %get3A_1378 : vector<16xf32>
        %swap3A_1380 = arith.index_cast %scan3A_33 : i32 to index
        %swap3A_1381 = arith.constant 352 : index
        %swap3A_1382 = tpu.vector_load %arg9[%swap3A_1380, %swap3A_1381] {strides = array<i32>} : memref<64x768xf32, #tpu.memory_space<vmem>>, vector<1x16xf32>,
        %swap3A_1383 = vector.shape_cast %swap3A_1382 : vector<1x16xf32> to vector<16xf32>
        %swap3A_1384 = vector.shape_cast %add3A_1379 : vector<16xf32> to vector<1x16xf32>
        tpu.vector_store %arg9[%swap3A_1380, %swap3A_1381], %swap3A_1384 {strides = array<i32>} : memref<64x768xf32, #tpu.memory_space<vmem>>, vector<1x16xf32>,
        %get3A_1385 = arith.constant 368 : index
        %get3A_1386 = tpu.vector_load %arg11[%get3A_1385] {strides = array<i32>} : memref<768xf32, #tpu.memory_space<vmem>>, vector<16xf32>,
        %get3A_1387 = vector.shape_cast %get3A_1386 : vector<16xf32> to vector<16xf32>
        %mul3A_1388 = arith.mulf %get3A_1387, %mul3A_947 : vector<16xf32>
        %get3A_1389 = arith.index_cast %scan3A_33 : i32 to index
        %get3A_1390 = arith.constant 368 : index
        %get3A_1391 = tpu.vector_load %arg9[%get3A_1389, %get3A_1390] {strides = array<i32>} : memref<64x768xf32, #tpu.memory_space<vmem>>, vector<1x16xf32>,
        %get3A_1392 = vector.shape_cast %get3A_1391 : vector<1x16xf32> to vector<16xf32>
        %sub3A_1393 = arith.subf %get3A_1392, %mul3A_878 : vector<16xf32>
        %mul3A_1394 = arith.mulf %sub3A_1393, %mul3A_1388 : vector<16xf32>
        %get3A_1395 = arith.constant 368 : index
        %get3A_1396 = tpu.vector_load %arg12[%get3A_1395] {strides = array<i32>} : memref<768xf32, #tpu.memory_space<vmem>>, vector<16xf32>,
        %get3A_1397 = vector.shape_cast %get3A_1396 : vector<16xf32> to vector<16xf32>
        %add3A_1398 = arith.addf %mul3A_1394, %get3A_1397 : vector<16xf32>
        %swap3A_1399 = arith.index_cast %scan3A_33 : i32 to index
        %swap3A_1400 = arith.constant 368 : index
        %swap3A_1401 = tpu.vector_load %arg9[%swap3A_1399, %swap3A_1400] {strides = array<i32>} : memref<64x768xf32, #tpu.memory_space<vmem>>, vector<1x16xf32>,
        %swap3A_1402 = vector.shape_cast %swap3A_1401 : vector<1x16xf32> to vector<16xf32>
        %swap3A_1403 = vector.shape_cast %add3A_1398 : vector<16xf32> to vector<1x16xf32>
        tpu.vector_store %arg9[%swap3A_1399, %swap3A_1400], %swap3A_1403 {strides = array<i32>} : memref<64x768xf32, #tpu.memory_space<vmem>>, vector<1x16xf32>,
        %get3A_1404 = arith.constant 384 : index
        %get3A_1405 = tpu.vector_load %arg11[%get3A_1404] {strides = array<i32>} : memref<768xf32, #tpu.memory_space<vmem>>, vector<16xf32>,
        %get3A_1406 = vector.shape_cast %get3A_1405 : vector<16xf32> to vector<16xf32>
        %mul3A_1407 = arith.mulf %get3A_1406, %mul3A_947 : vector<16xf32>
        %get3A_1408 = arith.index_cast %scan3A_33 : i32 to index
        %get3A_1409 = arith.constant 384 : index
        %get3A_1410 = tpu.vector_load %arg9[%get3A_1408, %get3A_1409] {strides = array<i32>} : memref<64x768xf32, #tpu.memory_space<vmem>>, vector<1x16xf32>,
        %get3A_1411 = vector.shape_cast %get3A_1410 : vector<1x16xf32> to vector<16xf32>
        %sub3A_1412 = arith.subf %get3A_1411, %mul3A_878 : vector<16xf32>
        %mul3A_1413 = arith.mulf %sub3A_1412, %mul3A_1407 : vector<16xf32>
        %get3A_1414 = arith.constant 384 : index
        %get3A_1415 = tpu.vector_load %arg12[%get3A_1414] {strides = array<i32>} : memref<768xf32, #tpu.memory_space<vmem>>, vector<16xf32>,
        %get3A_1416 = vector.shape_cast %get3A_1415 : vector<16xf32> to vector<16xf32>
        %add3A_1417 = arith.addf %mul3A_1413, %get3A_1416 : vector<16xf32>
        %swap3A_1418 = arith.index_cast %scan3A_33 : i32 to index
        %swap3A_1419 = arith.constant 384 : index
        %swap3A_1420 = tpu.vector_load %arg9[%swap3A_1418, %swap3A_1419] {strides = array<i32>} : memref<64x768xf32, #tpu.memory_space<vmem>>, vector<1x16xf32>,
        %swap3A_1421 = vector.shape_cast %swap3A_1420 : vector<1x16xf32> to vector<16xf32>
        %swap3A_1422 = vector.shape_cast %add3A_1417 : vector<16xf32> to vector<1x16xf32>
        tpu.vector_store %arg9[%swap3A_1418, %swap3A_1419], %swap3A_1422 {strides = array<i32>} : memref<64x768xf32, #tpu.memory_space<vmem>>, vector<1x16xf32>,
        %get3A_1423 = arith.constant 400 : index
        %get3A_1424 = tpu.vector_load %arg11[%get3A_1423] {strides = array<i32>} : memref<768xf32, #tpu.memory_space<vmem>>, vector<16xf32>,
        %get3A_1425 = vector.shape_cast %get3A_1424 : vector<16xf32> to vector<16xf32>
        %mul3A_1426 = arith.mulf %get3A_1425, %mul3A_947 : vector<16xf32>
        %get3A_1427 = arith.index_cast %scan3A_33 : i32 to index
        %get3A_1428 = arith.constant 400 : index
        %get3A_1429 = tpu.vector_load %arg9[%get3A_1427, %get3A_1428] {strides = array<i32>} : memref<64x768xf32, #tpu.memory_space<vmem>>, vector<1x16xf32>,
        %get3A_1430 = vector.shape_cast %get3A_1429 : vector<1x16xf32> to vector<16xf32>
        %sub3A_1431 = arith.subf %get3A_1430, %mul3A_878 : vector<16xf32>
        %mul3A_1432 = arith.mulf %sub3A_1431, %mul3A_1426 : vector<16xf32>
        %get3A_1433 = arith.constant 400 : index
        %get3A_1434 = tpu.vector_load %arg12[%get3A_1433] {strides = array<i32>} : memref<768xf32, #tpu.memory_space<vmem>>, vector<16xf32>,
        %get3A_1435 = vector.shape_cast %get3A_1434 : vector<16xf32> to vector<16xf32>
        %add3A_1436 = arith.addf %mul3A_1432, %get3A_1435 : vector<16xf32>
        %swap3A_1437 = arith.index_cast %scan3A_33 : i32 to index
        %swap3A_1438 = arith.constant 400 : index
        %swap3A_1439 = tpu.vector_load %arg9[%swap3A_1437, %swap3A_1438] {strides = array<i32>} : memref<64x768xf32, #tpu.memory_space<vmem>>, vector<1x16xf32>,
        %swap3A_1440 = vector.shape_cast %swap3A_1439 : vector<1x16xf32> to vector<16xf32>
        %swap3A_1441 = vector.shape_cast %add3A_1436 : vector<16xf32> to vector<1x16xf32>
        tpu.vector_store %arg9[%swap3A_1437, %swap3A_1438], %swap3A_1441 {strides = array<i32>} : memref<64x768xf32, #tpu.memory_space<vmem>>, vector<1x16xf32>,
        %get3A_1442 = arith.constant 416 : index
        %get3A_1443 = tpu.vector_load %arg11[%get3A_1442] {strides = array<i32>} : memref<768xf32, #tpu.memory_space<vmem>>, vector<16xf32>,
        %get3A_1444 = vector.shape_cast %get3A_1443 : vector<16xf32> to vector<16xf32>
        %mul3A_1445 = arith.mulf %get3A_1444, %mul3A_947 : vector<16xf32>
        %get3A_1446 = arith.index_cast %scan3A_33 : i32 to index
        %get3A_1447 = arith.constant 416 : index
        %get3A_1448 = tpu.vector_load %arg9[%get3A_1446, %get3A_1447] {strides = array<i32>} : memref<64x768xf32, #tpu.memory_space<vmem>>, vector<1x16xf32>,
        %get3A_1449 = vector.shape_cast %get3A_1448 : vector<1x16xf32> to vector<16xf32>
        %sub3A_1450 = arith.subf %get3A_1449, %mul3A_878 : vector<16xf32>
        %mul3A_1451 = arith.mulf %sub3A_1450, %mul3A_1445 : vector<16xf32>
        %get3A_1452 = arith.constant 416 : index
        %get3A_1453 = tpu.vector_load %arg12[%get3A_1452] {strides = array<i32>} : memref<768xf32, #tpu.memory_space<vmem>>, vector<16xf32>,
        %get3A_1454 = vector.shape_cast %get3A_1453 : vector<16xf32> to vector<16xf32>
        %add3A_1455 = arith.addf %mul3A_1451, %get3A_1454 : vector<16xf32>
        %swap3A_1456 = arith.index_cast %scan3A_33 : i32 to index
        %swap3A_1457 = arith.constant 416 : index
        %swap3A_1458 = tpu.vector_load %arg9[%swap3A_1456, %swap3A_1457] {strides = array<i32>} : memref<64x768xf32, #tpu.memory_space<vmem>>, vector<1x16xf32>,
        %swap3A_1459 = vector.shape_cast %swap3A_1458 : vector<1x16xf32> to vector<16xf32>
        %swap3A_1460 = vector.shape_cast %add3A_1455 : vector<16xf32> to vector<1x16xf32>
        tpu.vector_store %arg9[%swap3A_1456, %swap3A_1457], %swap3A_1460 {strides = array<i32>} : memref<64x768xf32, #tpu.memory_space<vmem>>, vector<1x16xf32>,
        %get3A_1461 = arith.constant 432 : index
        %get3A_1462 = tpu.vector_load %arg11[%get3A_1461] {strides = array<i32>} : memref<768xf32, #tpu.memory_space<vmem>>, vector<16xf32>,
        %get3A_1463 = vector.shape_cast %get3A_1462 : vector<16xf32> to vector<16xf32>
        %mul3A_1464 = arith.mulf %get3A_1463, %mul3A_947 : vector<16xf32>
        %get3A_1465 = arith.index_cast %scan3A_33 : i32 to index
        %get3A_1466 = arith.constant 432 : index
        %get3A_1467 = tpu.vector_load %arg9[%get3A_1465, %get3A_1466] {strides = array<i32>} : memref<64x768xf32, #tpu.memory_space<vmem>>, vector<1x16xf32>,
        %get3A_1468 = vector.shape_cast %get3A_1467 : vector<1x16xf32> to vector<16xf32>
        %sub3A_1469 = arith.subf %get3A_1468, %mul3A_878 : vector<16xf32>
        %mul3A_1470 = arith.mulf %sub3A_1469, %mul3A_1464 : vector<16xf32>
        %get3A_1471 = arith.constant 432 : index
        %get3A_1472 = tpu.vector_load %arg12[%get3A_1471] {strides = array<i32>} : memref<768xf32, #tpu.memory_space<vmem>>, vector<16xf32>,
        %get3A_1473 = vector.shape_cast %get3A_1472 : vector<16xf32> to vector<16xf32>
        %add3A_1474 = arith.addf %mul3A_1470, %get3A_1473 : vector<16xf32>
        %swap3A_1475 = arith.index_cast %scan3A_33 : i32 to index
        %swap3A_1476 = arith.constant 432 : index
        %swap3A_1477 = tpu.vector_load %arg9[%swap3A_1475, %swap3A_1476] {strides = array<i32>} : memref<64x768xf32, #tpu.memory_space<vmem>>, vector<1x16xf32>,
        %swap3A_1478 = vector.shape_cast %swap3A_1477 : vector<1x16xf32> to vector<16xf32>
        %swap3A_1479 = vector.shape_cast %add3A_1474 : vector<16xf32> to vector<1x16xf32>
        tpu.vector_store %arg9[%swap3A_1475, %swap3A_1476], %swap3A_1479 {strides = array<i32>} : memref<64x768xf32, #tpu.memory_space<vmem>>, vector<1x16xf32>,
        %get3A_1480 = arith.constant 448 : index
        %get3A_1481 = tpu.vector_load %arg11[%get3A_1480] {strides = array<i32>} : memref<768xf32, #tpu.memory_space<vmem>>, vector<16xf32>,
        %get3A_1482 = vector.shape_cast %get3A_1481 : vector<16xf32> to vector<16xf32>
        %mul3A_1483 = arith.mulf %get3A_1482, %mul3A_947 : vector<16xf32>
        %get3A_1484 = arith.index_cast %scan3A_33 : i32 to index
        %get3A_1485 = arith.constant 448 : index
        %get3A_1486 = tpu.vector_load %arg9[%get3A_1484, %get3A_1485] {strides = array<i32>} : memref<64x768xf32, #tpu.memory_space<vmem>>, vector<1x16xf32>,
        %get3A_1487 = vector.shape_cast %get3A_1486 : vector<1x16xf32> to vector<16xf32>
        %sub3A_1488 = arith.subf %get3A_1487, %mul3A_878 : vector<16xf32>
        %mul3A_1489 = arith.mulf %sub3A_1488, %mul3A_1483 : vector<16xf32>
        %get3A_1490 = arith.constant 448 : index
        %get3A_1491 = tpu.vector_load %arg12[%get3A_1490] {strides = array<i32>} : memref<768xf32, #tpu.memory_space<vmem>>, vector<16xf32>,
        %get3A_1492 = vector.shape_cast %get3A_1491 : vector<16xf32> to vector<16xf32>
        %add3A_1493 = arith.addf %mul3A_1489, %get3A_1492 : vector<16xf32>
        %swap3A_1494 = arith.index_cast %scan3A_33 : i32 to index
        %swap3A_1495 = arith.constant 448 : index
        %swap3A_1496 = tpu.vector_load %arg9[%swap3A_1494, %swap3A_1495] {strides = array<i32>} : memref<64x768xf32, #tpu.memory_space<vmem>>, vector<1x16xf32>,
        %swap3A_1497 = vector.shape_cast %swap3A_1496 : vector<1x16xf32> to vector<16xf32>
        %swap3A_1498 = vector.shape_cast %add3A_1493 : vector<16xf32> to vector<1x16xf32>
        tpu.vector_store %arg9[%swap3A_1494, %swap3A_1495], %swap3A_1498 {strides = array<i32>} : memref<64x768xf32, #tpu.memory_space<vmem>>, vector<1x16xf32>,
        %get3A_1499 = arith.constant 464 : index
        %get3A_1500 = tpu.vector_load %arg11[%get3A_1499] {strides = array<i32>} : memref<768xf32, #tpu.memory_space<vmem>>, vector<16xf32>,
        %get3A_1501 = vector.shape_cast %get3A_1500 : vector<16xf32> to vector<16xf32>
        %mul3A_1502 = arith.mulf %get3A_1501, %mul3A_947 : vector<16xf32>
        %get3A_1503 = arith.index_cast %scan3A_33 : i32 to index
        %get3A_1504 = arith.constant 464 : index
        %get3A_1505 = tpu.vector_load %arg9[%get3A_1503, %get3A_1504] {strides = array<i32>} : memref<64x768xf32, #tpu.memory_space<vmem>>, vector<1x16xf32>,
        %get3A_1506 = vector.shape_cast %get3A_1505 : vector<1x16xf32> to vector<16xf32>
        %sub3A_1507 = arith.subf %get3A_1506, %mul3A_878 : vector<16xf32>
        %mul3A_1508 = arith.mulf %sub3A_1507, %mul3A_1502 : vector<16xf32>
        %get3A_1509 = arith.constant 464 : index
        %get3A_1510 = tpu.vector_load %arg12[%get3A_1509] {strides = array<i32>} : memref<768xf32, #tpu.memory_space<vmem>>, vector<16xf32>,
        %get3A_1511 = vector.shape_cast %get3A_1510 : vector<16xf32> to vector<16xf32>
        %add3A_1512 = arith.addf %mul3A_1508, %get3A_1511 : vector<16xf32>
        %swap3A_1513 = arith.index_cast %scan3A_33 : i32 to index
        %swap3A_1514 = arith.constant 464 : index
        %swap3A_1515 = tpu.vector_load %arg9[%swap3A_1513, %swap3A_1514] {strides = array<i32>} : memref<64x768xf32, #tpu.memory_space<vmem>>, vector<1x16xf32>,
        %swap3A_1516 = vector.shape_cast %swap3A_1515 : vector<1x16xf32> to vector<16xf32>
        %swap3A_1517 = vector.shape_cast %add3A_1512 : vector<16xf32> to vector<1x16xf32>
        tpu.vector_store %arg9[%swap3A_1513, %swap3A_1514], %swap3A_1517 {strides = array<i32>} : memref<64x768xf32, #tpu.memory_space<vmem>>, vector<1x16xf32>,
        %get3A_1518 = arith.constant 480 : index
        %get3A_1519 = tpu.vector_load %arg11[%get3A_1518] {strides = array<i32>} : memref<768xf32, #tpu.memory_space<vmem>>, vector<16xf32>,
        %get3A_1520 = vector.shape_cast %get3A_1519 : vector<16xf32> to vector<16xf32>
        %mul3A_1521 = arith.mulf %get3A_1520, %mul3A_947 : vector<16xf32>
        %get3A_1522 = arith.index_cast %scan3A_33 : i32 to index
        %get3A_1523 = arith.constant 480 : index
        %get3A_1524 = tpu.vector_load %arg9[%get3A_1522, %get3A_1523] {strides = array<i32>} : memref<64x768xf32, #tpu.memory_space<vmem>>, vector<1x16xf32>,
        %get3A_1525 = vector.shape_cast %get3A_1524 : vector<1x16xf32> to vector<16xf32>
        %sub3A_1526 = arith.subf %get3A_1525, %mul3A_878 : vector<16xf32>
        %mul3A_1527 = arith.mulf %sub3A_1526, %mul3A_1521 : vector<16xf32>
        %get3A_1528 = arith.constant 480 : index
        %get3A_1529 = tpu.vector_load %arg12[%get3A_1528] {strides = array<i32>} : memref<768xf32, #tpu.memory_space<vmem>>, vector<16xf32>,
        %get3A_1530 = vector.shape_cast %get3A_1529 : vector<16xf32> to vector<16xf32>
        %add3A_1531 = arith.addf %mul3A_1527, %get3A_1530 : vector<16xf32>
        %swap3A_1532 = arith.index_cast %scan3A_33 : i32 to index
        %swap3A_1533 = arith.constant 480 : index
        %swap3A_1534 = tpu.vector_load %arg9[%swap3A_1532, %swap3A_1533] {strides = array<i32>} : memref<64x768xf32, #tpu.memory_space<vmem>>, vector<1x16xf32>,
        %swap3A_1535 = vector.shape_cast %swap3A_1534 : vector<1x16xf32> to vector<16xf32>
        %swap3A_1536 = vector.shape_cast %add3A_1531 : vector<16xf32> to vector<1x16xf32>
        tpu.vector_store %arg9[%swap3A_1532, %swap3A_1533], %swap3A_1536 {strides = array<i32>} : memref<64x768xf32, #tpu.memory_space<vmem>>, vector<1x16xf32>,
        %get3A_1537 = arith.constant 496 : index
        %get3A_1538 = tpu.vector_load %arg11[%get3A_1537] {strides = array<i32>} : memref<768xf32, #tpu.memory_space<vmem>>, vector<16xf32>,
        %get3A_1539 = vector.shape_cast %get3A_1538 : vector<16xf32> to vector<16xf32>
        %mul3A_1540 = arith.mulf %get3A_1539, %mul3A_947 : vector<16xf32>
        %get3A_1541 = arith.index_cast %scan3A_33 : i32 to index
        %get3A_1542 = arith.constant 496 : index
        %get3A_1543 = tpu.vector_load %arg9[%get3A_1541, %get3A_1542] {strides = array<i32>} : memref<64x768xf32, #tpu.memory_space<vmem>>, vector<1x16xf32>,
        %get3A_1544 = vector.shape_cast %get3A_1543 : vector<1x16xf32> to vector<16xf32>
        %sub3A_1545 = arith.subf %get3A_1544, %mul3A_878 : vector<16xf32>
        %mul3A_1546 = arith.mulf %sub3A_1545, %mul3A_1540 : vector<16xf32>
        %get3A_1547 = arith.constant 496 : index
        %get3A_1548 = tpu.vector_load %arg12[%get3A_1547] {strides = array<i32>} : memref<768xf32, #tpu.memory_space<vmem>>, vector<16xf32>,
        %get3A_1549 = vector.shape_cast %get3A_1548 : vector<16xf32> to vector<16xf32>
        %add3A_1550 = arith.addf %mul3A_1546, %get3A_1549 : vector<16xf32>
        %swap3A_1551 = arith.index_cast %scan3A_33 : i32 to index
        %swap3A_1552 = arith.constant 496 : index
        %swap3A_1553 = tpu.vector_load %arg9[%swap3A_1551, %swap3A_1552] {strides = array<i32>} : memref<64x768xf32, #tpu.memory_space<vmem>>, vector<1x16xf32>,
        %swap3A_1554 = vector.shape_cast %swap3A_1553 : vector<1x16xf32> to vector<16xf32>
        %swap3A_1555 = vector.shape_cast %add3A_1550 : vector<16xf32> to vector<1x16xf32>
        tpu.vector_store %arg9[%swap3A_1551, %swap3A_1552], %swap3A_1555 {strides = array<i32>} : memref<64x768xf32, #tpu.memory_space<vmem>>, vector<1x16xf32>,
        %get3A_1556 = arith.constant 512 : index
        %get3A_1557 = tpu.vector_load %arg11[%get3A_1556] {strides = array<i32>} : memref<768xf32, #tpu.memory_space<vmem>>, vector<16xf32>,
        %get3A_1558 = vector.shape_cast %get3A_1557 : vector<16xf32> to vector<16xf32>
        %mul3A_1559 = arith.mulf %get3A_1558, %mul3A_947 : vector<16xf32>
        %get3A_1560 = arith.index_cast %scan3A_33 : i32 to index
        %get3A_1561 = arith.constant 512 : index
        %get3A_1562 = tpu.vector_load %arg9[%get3A_1560, %get3A_1561] {strides = array<i32>} : memref<64x768xf32, #tpu.memory_space<vmem>>, vector<1x16xf32>,
        %get3A_1563 = vector.shape_cast %get3A_1562 : vector<1x16xf32> to vector<16xf32>
        %sub3A_1564 = arith.subf %get3A_1563, %mul3A_878 : vector<16xf32>
        %mul3A_1565 = arith.mulf %sub3A_1564, %mul3A_1559 : vector<16xf32>
        %get3A_1566 = arith.constant 512 : index
        %get3A_1567 = tpu.vector_load %arg12[%get3A_1566] {strides = array<i32>} : memref<768xf32, #tpu.memory_space<vmem>>, vector<16xf32>,
        %get3A_1568 = vector.shape_cast %get3A_1567 : vector<16xf32> to vector<16xf32>
        %add3A_1569 = arith.addf %mul3A_1565, %get3A_1568 : vector<16xf32>
        %swap3A_1570 = arith.index_cast %scan3A_33 : i32 to index
        %swap3A_1571 = arith.constant 512 : index
        %swap3A_1572 = tpu.vector_load %arg9[%swap3A_1570, %swap3A_1571] {strides = array<i32>} : memref<64x768xf32, #tpu.memory_space<vmem>>, vector<1x16xf32>,
        %swap3A_1573 = vector.shape_cast %swap3A_1572 : vector<1x16xf32> to vector<16xf32>
        %swap3A_1574 = vector.shape_cast %add3A_1569 : vector<16xf32> to vector<1x16xf32>
        tpu.vector_store %arg9[%swap3A_1570, %swap3A_1571], %swap3A_1574 {strides = array<i32>} : memref<64x768xf32, #tpu.memory_space<vmem>>, vector<1x16xf32>,
        %get3A_1575 = arith.constant 528 : index
        %get3A_1576 = tpu.vector_load %arg11[%get3A_1575] {strides = array<i32>} : memref<768xf32, #tpu.memory_space<vmem>>, vector<16xf32>,
        %get3A_1577 = vector.shape_cast %get3A_1576 : vector<16xf32> to vector<16xf32>
        %mul3A_1578 = arith.mulf %get3A_1577, %mul3A_947 : vector<16xf32>
        %get3A_1579 = arith.index_cast %scan3A_33 : i32 to index
        %get3A_1580 = arith.constant 528 : index
        %get3A_1581 = tpu.vector_load %arg9[%get3A_1579, %get3A_1580] {strides = array<i32>} : memref<64x768xf32, #tpu.memory_space<vmem>>, vector<1x16xf32>,
        %get3A_1582 = vector.shape_cast %get3A_1581 : vector<1x16xf32> to vector<16xf32>
        %sub3A_1583 = arith.subf %get3A_1582, %mul3A_878 : vector<16xf32>
        %mul3A_1584 = arith.mulf %sub3A_1583, %mul3A_1578 : vector<16xf32>
        %get3A_1585 = arith.constant 528 : index
        %get3A_1586 = tpu.vector_load %arg12[%get3A_1585] {strides = array<i32>} : memref<768xf32, #tpu.memory_space<vmem>>, vector<16xf32>,
        %get3A_1587 = vector.shape_cast %get3A_1586 : vector<16xf32> to vector<16xf32>
        %add3A_1588 = arith.addf %mul3A_1584, %get3A_1587 : vector<16xf32>
        %swap3A_1589 = arith.index_cast %scan3A_33 : i32 to index
        %swap3A_1590 = arith.constant 528 : index
        %swap3A_1591 = tpu.vector_load %arg9[%swap3A_1589, %swap3A_1590] {strides = array<i32>} : memref<64x768xf32, #tpu.memory_space<vmem>>, vector<1x16xf32>,
        %swap3A_1592 = vector.shape_cast %swap3A_1591 : vector<1x16xf32> to vector<16xf32>
        %swap3A_1593 = vector.shape_cast %add3A_1588 : vector<16xf32> to vector<1x16xf32>
        tpu.vector_store %arg9[%swap3A_1589, %swap3A_1590], %swap3A_1593 {strides = array<i32>} : memref<64x768xf32, #tpu.memory_space<vmem>>, vector<1x16xf32>,
        %get3A_1594 = arith.constant 544 : index
        %get3A_1595 = tpu.vector_load %arg11[%get3A_1594] {strides = array<i32>} : memref<768xf32, #tpu.memory_space<vmem>>, vector<16xf32>,
        %get3A_1596 = vector.shape_cast %get3A_1595 : vector<16xf32> to vector<16xf32>
        %mul3A_1597 = arith.mulf %get3A_1596, %mul3A_947 : vector<16xf32>
        %get3A_1598 = arith.index_cast %scan3A_33 : i32 to index
        %get3A_1599 = arith.constant 544 : index
        %get3A_1600 = tpu.vector_load %arg9[%get3A_1598, %get3A_1599] {strides = array<i32>} : memref<64x768xf32, #tpu.memory_space<vmem>>, vector<1x16xf32>,
        %get3A_1601 = vector.shape_cast %get3A_1600 : vector<1x16xf32> to vector<16xf32>
        %sub3A_1602 = arith.subf %get3A_1601, %mul3A_878 : vector<16xf32>
        %mul3A_1603 = arith.mulf %sub3A_1602, %mul3A_1597 : vector<16xf32>
        %get3A_1604 = arith.constant 544 : index
        %get3A_1605 = tpu.vector_load %arg12[%get3A_1604] {strides = array<i32>} : memref<768xf32, #tpu.memory_space<vmem>>, vector<16xf32>,
        %get3A_1606 = vector.shape_cast %get3A_1605 : vector<16xf32> to vector<16xf32>
        %add3A_1607 = arith.addf %mul3A_1603, %get3A_1606 : vector<16xf32>
        %swap3A_1608 = arith.index_cast %scan3A_33 : i32 to index
        %swap3A_1609 = arith.constant 544 : index
        %swap3A_1610 = tpu.vector_load %arg9[%swap3A_1608, %swap3A_1609] {strides = array<i32>} : memref<64x768xf32, #tpu.memory_space<vmem>>, vector<1x16xf32>,
        %swap3A_1611 = vector.shape_cast %swap3A_1610 : vector<1x16xf32> to vector<16xf32>
        %swap3A_1612 = vector.shape_cast %add3A_1607 : vector<16xf32> to vector<1x16xf32>
        tpu.vector_store %arg9[%swap3A_1608, %swap3A_1609], %swap3A_1612 {strides = array<i32>} : memref<64x768xf32, #tpu.memory_space<vmem>>, vector<1x16xf32>,
        %get3A_1613 = arith.constant 560 : index
        %get3A_1614 = tpu.vector_load %arg11[%get3A_1613] {strides = array<i32>} : memref<768xf32, #tpu.memory_space<vmem>>, vector<16xf32>,
        %get3A_1615 = vector.shape_cast %get3A_1614 : vector<16xf32> to vector<16xf32>
        %mul3A_1616 = arith.mulf %get3A_1615, %mul3A_947 : vector<16xf32>
        %get3A_1617 = arith.index_cast %scan3A_33 : i32 to index
        %get3A_1618 = arith.constant 560 : index
        %get3A_1619 = tpu.vector_load %arg9[%get3A_1617, %get3A_1618] {strides = array<i32>} : memref<64x768xf32, #tpu.memory_space<vmem>>, vector<1x16xf32>,
        %get3A_1620 = vector.shape_cast %get3A_1619 : vector<1x16xf32> to vector<16xf32>
        %sub3A_1621 = arith.subf %get3A_1620, %mul3A_878 : vector<16xf32>
        %mul3A_1622 = arith.mulf %sub3A_1621, %mul3A_1616 : vector<16xf32>
        %get3A_1623 = arith.constant 560 : index
        %get3A_1624 = tpu.vector_load %arg12[%get3A_1623] {strides = array<i32>} : memref<768xf32, #tpu.memory_space<vmem>>, vector<16xf32>,
        %get3A_1625 = vector.shape_cast %get3A_1624 : vector<16xf32> to vector<16xf32>
        %add3A_1626 = arith.addf %mul3A_1622, %get3A_1625 : vector<16xf32>
        %swap3A_1627 = arith.index_cast %scan3A_33 : i32 to index
        %swap3A_1628 = arith.constant 560 : index
        %swap3A_1629 = tpu.vector_load %arg9[%swap3A_1627, %swap3A_1628] {strides = array<i32>} : memref<64x768xf32, #tpu.memory_space<vmem>>, vector<1x16xf32>,
        %swap3A_1630 = vector.shape_cast %swap3A_1629 : vector<1x16xf32> to vector<16xf32>
        %swap3A_1631 = vector.shape_cast %add3A_1626 : vector<16xf32> to vector<1x16xf32>
        tpu.vector_store %arg9[%swap3A_1627, %swap3A_1628], %swap3A_1631 {strides = array<i32>} : memref<64x768xf32, #tpu.memory_space<vmem>>, vector<1x16xf32>,
        %get3A_1632 = arith.constant 576 : index
        %get3A_1633 = tpu.vector_load %arg11[%get3A_1632] {strides = array<i32>} : memref<768xf32, #tpu.memory_space<vmem>>, vector<16xf32>,
        %get3A_1634 = vector.shape_cast %get3A_1633 : vector<16xf32> to vector<16xf32>
        %mul3A_1635 = arith.mulf %get3A_1634, %mul3A_947 : vector<16xf32>
        %get3A_1636 = arith.index_cast %scan3A_33 : i32 to index
        %get3A_1637 = arith.constant 576 : index
        %get3A_1638 = tpu.vector_load %arg9[%get3A_1636, %get3A_1637] {strides = array<i32>} : memref<64x768xf32, #tpu.memory_space<vmem>>, vector<1x16xf32>,
        %get3A_1639 = vector.shape_cast %get3A_1638 : vector<1x16xf32> to vector<16xf32>
        %sub3A_1640 = arith.subf %get3A_1639, %mul3A_878 : vector<16xf32>
        %mul3A_1641 = arith.mulf %sub3A_1640, %mul3A_1635 : vector<16xf32>
        %get3A_1642 = arith.constant 576 : index
        %get3A_1643 = tpu.vector_load %arg12[%get3A_1642] {strides = array<i32>} : memref<768xf32, #tpu.memory_space<vmem>>, vector<16xf32>,
        %get3A_1644 = vector.shape_cast %get3A_1643 : vector<16xf32> to vector<16xf32>
        %add3A_1645 = arith.addf %mul3A_1641, %get3A_1644 : vector<16xf32>
        %swap3A_1646 = arith.index_cast %scan3A_33 : i32 to index
        %swap3A_1647 = arith.constant 576 : index
        %swap3A_1648 = tpu.vector_load %arg9[%swap3A_1646, %swap3A_1647] {strides = array<i32>} : memref<64x768xf32, #tpu.memory_space<vmem>>, vector<1x16xf32>,
        %swap3A_1649 = vector.shape_cast %swap3A_1648 : vector<1x16xf32> to vector<16xf32>
        %swap3A_1650 = vector.shape_cast %add3A_1645 : vector<16xf32> to vector<1x16xf32>
        tpu.vector_store %arg9[%swap3A_1646, %swap3A_1647], %swap3A_1650 {strides = array<i32>} : memref<64x768xf32, #tpu.memory_space<vmem>>, vector<1x16xf32>,
        %get3A_1651 = arith.constant 592 : index
        %get3A_1652 = tpu.vector_load %arg11[%get3A_1651] {strides = array<i32>} : memref<768xf32, #tpu.memory_space<vmem>>, vector<16xf32>,
        %get3A_1653 = vector.shape_cast %get3A_1652 : vector<16xf32> to vector<16xf32>
        %mul3A_1654 = arith.mulf %get3A_1653, %mul3A_947 : vector<16xf32>
        %get3A_1655 = arith.index_cast %scan3A_33 : i32 to index
        %get3A_1656 = arith.constant 592 : index
        %get3A_1657 = tpu.vector_load %arg9[%get3A_1655, %get3A_1656] {strides = array<i32>} : memref<64x768xf32, #tpu.memory_space<vmem>>, vector<1x16xf32>,
        %get3A_1658 = vector.shape_cast %get3A_1657 : vector<1x16xf32> to vector<16xf32>
        %sub3A_1659 = arith.subf %get3A_1658, %mul3A_878 : vector<16xf32>
        %mul3A_1660 = arith.mulf %sub3A_1659, %mul3A_1654 : vector<16xf32>
        %get3A_1661 = arith.constant 592 : index
        %get3A_1662 = tpu.vector_load %arg12[%get3A_1661] {strides = array<i32>} : memref<768xf32, #tpu.memory_space<vmem>>, vector<16xf32>,
        %get3A_1663 = vector.shape_cast %get3A_1662 : vector<16xf32> to vector<16xf32>
        %add3A_1664 = arith.addf %mul3A_1660, %get3A_1663 : vector<16xf32>
        %swap3A_1665 = arith.index_cast %scan3A_33 : i32 to index
        %swap3A_1666 = arith.constant 592 : index
        %swap3A_1667 = tpu.vector_load %arg9[%swap3A_1665, %swap3A_1666] {strides = array<i32>} : memref<64x768xf32, #tpu.memory_space<vmem>>, vector<1x16xf32>,
        %swap3A_1668 = vector.shape_cast %swap3A_1667 : vector<1x16xf32> to vector<16xf32>
        %swap3A_1669 = vector.shape_cast %add3A_1664 : vector<16xf32> to vector<1x16xf32>
        tpu.vector_store %arg9[%swap3A_1665, %swap3A_1666], %swap3A_1669 {strides = array<i32>} : memref<64x768xf32, #tpu.memory_space<vmem>>, vector<1x16xf32>,
        %get3A_1670 = arith.constant 608 : index
        %get3A_1671 = tpu.vector_load %arg11[%get3A_1670] {strides = array<i32>} : memref<768xf32, #tpu.memory_space<vmem>>, vector<16xf32>,
        %get3A_1672 = vector.shape_cast %get3A_1671 : vector<16xf32> to vector<16xf32>
        %mul3A_1673 = arith.mulf %get3A_1672, %mul3A_947 : vector<16xf32>
        %get3A_1674 = arith.index_cast %scan3A_33 : i32 to index
        %get3A_1675 = arith.constant 608 : index
        %get3A_1676 = tpu.vector_load %arg9[%get3A_1674, %get3A_1675] {strides = array<i32>} : memref<64x768xf32, #tpu.memory_space<vmem>>, vector<1x16xf32>,
        %get3A_1677 = vector.shape_cast %get3A_1676 : vector<1x16xf32> to vector<16xf32>
        %sub3A_1678 = arith.subf %get3A_1677, %mul3A_878 : vector<16xf32>
        %mul3A_1679 = arith.mulf %sub3A_1678, %mul3A_1673 : vector<16xf32>
        %get3A_1680 = arith.constant 608 : index
        %get3A_1681 = tpu.vector_load %arg12[%get3A_1680] {strides = array<i32>} : memref<768xf32, #tpu.memory_space<vmem>>, vector<16xf32>,
        %get3A_1682 = vector.shape_cast %get3A_1681 : vector<16xf32> to vector<16xf32>
        %add3A_1683 = arith.addf %mul3A_1679, %get3A_1682 : vector<16xf32>
        %swap3A_1684 = arith.index_cast %scan3A_33 : i32 to index
        %swap3A_1685 = arith.constant 608 : index
        %swap3A_1686 = tpu.vector_load %arg9[%swap3A_1684, %swap3A_1685] {strides = array<i32>} : memref<64x768xf32, #tpu.memory_space<vmem>>, vector<1x16xf32>,
        %swap3A_1687 = vector.shape_cast %swap3A_1686 : vector<1x16xf32> to vector<16xf32>
        %swap3A_1688 = vector.shape_cast %add3A_1683 : vector<16xf32> to vector<1x16xf32>
        tpu.vector_store %arg9[%swap3A_1684, %swap3A_1685], %swap3A_1688 {strides = array<i32>} : memref<64x768xf32, #tpu.memory_space<vmem>>, vector<1x16xf32>,
        %get3A_1689 = arith.constant 624 : index
        %get3A_1690 = tpu.vector_load %arg11[%get3A_1689] {strides = array<i32>} : memref<768xf32, #tpu.memory_space<vmem>>, vector<16xf32>,
        %get3A_1691 = vector.shape_cast %get3A_1690 : vector<16xf32> to vector<16xf32>
        %mul3A_1692 = arith.mulf %get3A_1691, %mul3A_947 : vector<16xf32>
        %get3A_1693 = arith.index_cast %scan3A_33 : i32 to index
        %get3A_1694 = arith.constant 624 : index
        %get3A_1695 = tpu.vector_load %arg9[%get3A_1693, %get3A_1694] {strides = array<i32>} : memref<64x768xf32, #tpu.memory_space<vmem>>, vector<1x16xf32>,
        %get3A_1696 = vector.shape_cast %get3A_1695 : vector<1x16xf32> to vector<16xf32>
        %sub3A_1697 = arith.subf %get3A_1696, %mul3A_878 : vector<16xf32>
        %mul3A_1698 = arith.mulf %sub3A_1697, %mul3A_1692 : vector<16xf32>
        %get3A_1699 = arith.constant 624 : index
        %get3A_1700 = tpu.vector_load %arg12[%get3A_1699] {strides = array<i32>} : memref<768xf32, #tpu.memory_space<vmem>>, vector<16xf32>,
        %get3A_1701 = vector.shape_cast %get3A_1700 : vector<16xf32> to vector<16xf32>
        %add3A_1702 = arith.addf %mul3A_1698, %get3A_1701 : vector<16xf32>
        %swap3A_1703 = arith.index_cast %scan3A_33 : i32 to index
        %swap3A_1704 = arith.constant 624 : index
        %swap3A_1705 = tpu.vector_load %arg9[%swap3A_1703, %swap3A_1704] {strides = array<i32>} : memref<64x768xf32, #tpu.memory_space<vmem>>, vector<1x16xf32>,
        %swap3A_1706 = vector.shape_cast %swap3A_1705 : vector<1x16xf32> to vector<16xf32>
        %swap3A_1707 = vector.shape_cast %add3A_1702 : vector<16xf32> to vector<1x16xf32>
        tpu.vector_store %arg9[%swap3A_1703, %swap3A_1704], %swap3A_1707 {strides = array<i32>} : memref<64x768xf32, #tpu.memory_space<vmem>>, vector<1x16xf32>,
        %get3A_1708 = arith.constant 640 : index
        %get3A_1709 = tpu.vector_load %arg11[%get3A_1708] {strides = array<i32>} : memref<768xf32, #tpu.memory_space<vmem>>, vector<16xf32>,
        %get3A_1710 = vector.shape_cast %get3A_1709 : vector<16xf32> to vector<16xf32>
        %mul3A_1711 = arith.mulf %get3A_1710, %mul3A_947 : vector<16xf32>
        %get3A_1712 = arith.index_cast %scan3A_33 : i32 to index
        %get3A_1713 = arith.constant 640 : index
        %get3A_1714 = tpu.vector_load %arg9[%get3A_1712, %get3A_1713] {strides = array<i32>} : memref<64x768xf32, #tpu.memory_space<vmem>>, vector<1x16xf32>,
        %get3A_1715 = vector.shape_cast %get3A_1714 : vector<1x16xf32> to vector<16xf32>
        %sub3A_1716 = arith.subf %get3A_1715, %mul3A_878 : vector<16xf32>
        %mul3A_1717 = arith.mulf %sub3A_1716, %mul3A_1711 : vector<16xf32>
        %get3A_1718 = arith.constant 640 : index
        %get3A_1719 = tpu.vector_load %arg12[%get3A_1718] {strides = array<i32>} : memref<768xf32, #tpu.memory_space<vmem>>, vector<16xf32>,
        %get3A_1720 = vector.shape_cast %get3A_1719 : vector<16xf32> to vector<16xf32>
        %add3A_1721 = arith.addf %mul3A_1717, %get3A_1720 : vector<16xf32>
        %swap3A_1722 = arith.index_cast %scan3A_33 : i32 to index
        %swap3A_1723 = arith.constant 640 : index
        %swap3A_1724 = tpu.vector_load %arg9[%swap3A_1722, %swap3A_1723] {strides = array<i32>} : memref<64x768xf32, #tpu.memory_space<vmem>>, vector<1x16xf32>,
        %swap3A_1725 = vector.shape_cast %swap3A_1724 : vector<1x16xf32> to vector<16xf32>
        %swap3A_1726 = vector.shape_cast %add3A_1721 : vector<16xf32> to vector<1x16xf32>
        tpu.vector_store %arg9[%swap3A_1722, %swap3A_1723], %swap3A_1726 {strides = array<i32>} : memref<64x768xf32, #tpu.memory_space<vmem>>, vector<1x16xf32>,
        %get3A_1727 = arith.constant 656 : index
        %get3A_1728 = tpu.vector_load %arg11[%get3A_1727] {strides = array<i32>} : memref<768xf32, #tpu.memory_space<vmem>>, vector<16xf32>,
        %get3A_1729 = vector.shape_cast %get3A_1728 : vector<16xf32> to vector<16xf32>
        %mul3A_1730 = arith.mulf %get3A_1729, %mul3A_947 : vector<16xf32>
        %get3A_1731 = arith.index_cast %scan3A_33 : i32 to index
        %get3A_1732 = arith.constant 656 : index
        %get3A_1733 = tpu.vector_load %arg9[%get3A_1731, %get3A_1732] {strides = array<i32>} : memref<64x768xf32, #tpu.memory_space<vmem>>, vector<1x16xf32>,
        %get3A_1734 = vector.shape_cast %get3A_1733 : vector<1x16xf32> to vector<16xf32>
        %sub3A_1735 = arith.subf %get3A_1734, %mul3A_878 : vector<16xf32>
        %mul3A_1736 = arith.mulf %sub3A_1735, %mul3A_1730 : vector<16xf32>
        %get3A_1737 = arith.constant 656 : index
        %get3A_1738 = tpu.vector_load %arg12[%get3A_1737] {strides = array<i32>} : memref<768xf32, #tpu.memory_space<vmem>>, vector<16xf32>,
        %get3A_1739 = vector.shape_cast %get3A_1738 : vector<16xf32> to vector<16xf32>
        %add3A_1740 = arith.addf %mul3A_1736, %get3A_1739 : vector<16xf32>
        %swap3A_1741 = arith.index_cast %scan3A_33 : i32 to index
        %swap3A_1742 = arith.constant 656 : index
        %swap3A_1743 = tpu.vector_load %arg9[%swap3A_1741, %swap3A_1742] {strides = array<i32>} : memref<64x768xf32, #tpu.memory_space<vmem>>, vector<1x16xf32>,
        %swap3A_1744 = vector.shape_cast %swap3A_1743 : vector<1x16xf32> to vector<16xf32>
        %swap3A_1745 = vector.shape_cast %add3A_1740 : vector<16xf32> to vector<1x16xf32>
        tpu.vector_store %arg9[%swap3A_1741, %swap3A_1742], %swap3A_1745 {strides = array<i32>} : memref<64x768xf32, #tpu.memory_space<vmem>>, vector<1x16xf32>,
        %get3A_1746 = arith.constant 672 : index
        %get3A_1747 = tpu.vector_load %arg11[%get3A_1746] {strides = array<i32>} : memref<768xf32, #tpu.memory_space<vmem>>, vector<16xf32>,
        %get3A_1748 = vector.shape_cast %get3A_1747 : vector<16xf32> to vector<16xf32>
        %mul3A_1749 = arith.mulf %get3A_1748, %mul3A_947 : vector<16xf32>
        %get3A_1750 = arith.index_cast %scan3A_33 : i32 to index
        %get3A_1751 = arith.constant 672 : index
        %get3A_1752 = tpu.vector_load %arg9[%get3A_1750, %get3A_1751] {strides = array<i32>} : memref<64x768xf32, #tpu.memory_space<vmem>>, vector<1x16xf32>,
        %get3A_1753 = vector.shape_cast %get3A_1752 : vector<1x16xf32> to vector<16xf32>
        %sub3A_1754 = arith.subf %get3A_1753, %mul3A_878 : vector<16xf32>
        %mul3A_1755 = arith.mulf %sub3A_1754, %mul3A_1749 : vector<16xf32>
        %get3A_1756 = arith.constant 672 : index
        %get3A_1757 = tpu.vector_load %arg12[%get3A_1756] {strides = array<i32>} : memref<768xf32, #tpu.memory_space<vmem>>, vector<16xf32>,
        %get3A_1758 = vector.shape_cast %get3A_1757 : vector<16xf32> to vector<16xf32>
        %add3A_1759 = arith.addf %mul3A_1755, %get3A_1758 : vector<16xf32>
        %swap3A_1760 = arith.index_cast %scan3A_33 : i32 to index
        %swap3A_1761 = arith.constant 672 : index
        %swap3A_1762 = tpu.vector_load %arg9[%swap3A_1760, %swap3A_1761] {strides = array<i32>} : memref<64x768xf32, #tpu.memory_space<vmem>>, vector<1x16xf32>,
        %swap3A_1763 = vector.shape_cast %swap3A_1762 : vector<1x16xf32> to vector<16xf32>
        %swap3A_1764 = vector.shape_cast %add3A_1759 : vector<16xf32> to vector<1x16xf32>
        tpu.vector_store %arg9[%swap3A_1760, %swap3A_1761], %swap3A_1764 {strides = array<i32>} : memref<64x768xf32, #tpu.memory_space<vmem>>, vector<1x16xf32>,
        %get3A_1765 = arith.constant 688 : index
        %get3A_1766 = tpu.vector_load %arg11[%get3A_1765] {strides = array<i32>} : memref<768xf32, #tpu.memory_space<vmem>>, vector<16xf32>,
        %get3A_1767 = vector.shape_cast %get3A_1766 : vector<16xf32> to vector<16xf32>
        %mul3A_1768 = arith.mulf %get3A_1767, %mul3A_947 : vector<16xf32>
        %get3A_1769 = arith.index_cast %scan3A_33 : i32 to index
        %get3A_1770 = arith.constant 688 : index
        %get3A_1771 = tpu.vector_load %arg9[%get3A_1769, %get3A_1770] {strides = array<i32>} : memref<64x768xf32, #tpu.memory_space<vmem>>, vector<1x16xf32>,
        %get3A_1772 = vector.shape_cast %get3A_1771 : vector<1x16xf32> to vector<16xf32>
        %sub3A_1773 = arith.subf %get3A_1772, %mul3A_878 : vector<16xf32>
        %mul3A_1774 = arith.mulf %sub3A_1773, %mul3A_1768 : vector<16xf32>
        %get3A_1775 = arith.constant 688 : index
        %get3A_1776 = tpu.vector_load %arg12[%get3A_1775] {strides = array<i32>} : memref<768xf32, #tpu.memory_space<vmem>>, vector<16xf32>,
        %get3A_1777 = vector.shape_cast %get3A_1776 : vector<16xf32> to vector<16xf32>
        %add3A_1778 = arith.addf %mul3A_1774, %get3A_1777 : vector<16xf32>
        %swap3A_1779 = arith.index_cast %scan3A_33 : i32 to index
        %swap3A_1780 = arith.constant 688 : index
        %swap3A_1781 = tpu.vector_load %arg9[%swap3A_1779, %swap3A_1780] {strides = array<i32>} : memref<64x768xf32, #tpu.memory_space<vmem>>, vector<1x16xf32>,
        %swap3A_1782 = vector.shape_cast %swap3A_1781 : vector<1x16xf32> to vector<16xf32>
        %swap3A_1783 = vector.shape_cast %add3A_1778 : vector<16xf32> to vector<1x16xf32>
        tpu.vector_store %arg9[%swap3A_1779, %swap3A_1780], %swap3A_1783 {strides = array<i32>} : memref<64x768xf32, #tpu.memory_space<vmem>>, vector<1x16xf32>,
        %get3A_1784 = arith.constant 704 : index
        %get3A_1785 = tpu.vector_load %arg11[%get3A_1784] {strides = array<i32>} : memref<768xf32, #tpu.memory_space<vmem>>, vector<16xf32>,
        %get3A_1786 = vector.shape_cast %get3A_1785 : vector<16xf32> to vector<16xf32>
        %mul3A_1787 = arith.mulf %get3A_1786, %mul3A_947 : vector<16xf32>
        %get3A_1788 = arith.index_cast %scan3A_33 : i32 to index
        %get3A_1789 = arith.constant 704 : index
        %get3A_1790 = tpu.vector_load %arg9[%get3A_1788, %get3A_1789] {strides = array<i32>} : memref<64x768xf32, #tpu.memory_space<vmem>>, vector<1x16xf32>,
        %get3A_1791 = vector.shape_cast %get3A_1790 : vector<1x16xf32> to vector<16xf32>
        %sub3A_1792 = arith.subf %get3A_1791, %mul3A_878 : vector<16xf32>
        %mul3A_1793 = arith.mulf %sub3A_1792, %mul3A_1787 : vector<16xf32>
        %get3A_1794 = arith.constant 704 : index
        %get3A_1795 = tpu.vector_load %arg12[%get3A_1794] {strides = array<i32>} : memref<768xf32, #tpu.memory_space<vmem>>, vector<16xf32>,
        %get3A_1796 = vector.shape_cast %get3A_1795 : vector<16xf32> to vector<16xf32>
        %add3A_1797 = arith.addf %mul3A_1793, %get3A_1796 : vector<16xf32>
        %swap3A_1798 = arith.index_cast %scan3A_33 : i32 to index
        %swap3A_1799 = arith.constant 704 : index
        %swap3A_1800 = tpu.vector_load %arg9[%swap3A_1798, %swap3A_1799] {strides = array<i32>} : memref<64x768xf32, #tpu.memory_space<vmem>>, vector<1x16xf32>,
        %swap3A_1801 = vector.shape_cast %swap3A_1800 : vector<1x16xf32> to vector<16xf32>
        %swap3A_1802 = vector.shape_cast %add3A_1797 : vector<16xf32> to vector<1x16xf32>
        tpu.vector_store %arg9[%swap3A_1798, %swap3A_1799], %swap3A_1802 {strides = array<i32>} : memref<64x768xf32, #tpu.memory_space<vmem>>, vector<1x16xf32>,
        %get3A_1803 = arith.constant 720 : index
        %get3A_1804 = tpu.vector_load %arg11[%get3A_1803] {strides = array<i32>} : memref<768xf32, #tpu.memory_space<vmem>>, vector<16xf32>,
        %get3A_1805 = vector.shape_cast %get3A_1804 : vector<16xf32> to vector<16xf32>
        %mul3A_1806 = arith.mulf %get3A_1805, %mul3A_947 : vector<16xf32>
        %get3A_1807 = arith.index_cast %scan3A_33 : i32 to index
        %get3A_1808 = arith.constant 720 : index
        %get3A_1809 = tpu.vector_load %arg9[%get3A_1807, %get3A_1808] {strides = array<i32>} : memref<64x768xf32, #tpu.memory_space<vmem>>, vector<1x16xf32>,
        %get3A_1810 = vector.shape_cast %get3A_1809 : vector<1x16xf32> to vector<16xf32>
        %sub3A_1811 = arith.subf %get3A_1810, %mul3A_878 : vector<16xf32>
        %mul3A_1812 = arith.mulf %sub3A_1811, %mul3A_1806 : vector<16xf32>
        %get3A_1813 = arith.constant 720 : index
        %get3A_1814 = tpu.vector_load %arg12[%get3A_1813] {strides = array<i32>} : memref<768xf32, #tpu.memory_space<vmem>>, vector<16xf32>,
        %get3A_1815 = vector.shape_cast %get3A_1814 : vector<16xf32> to vector<16xf32>
        %add3A_1816 = arith.addf %mul3A_1812, %get3A_1815 : vector<16xf32>
        %swap3A_1817 = arith.index_cast %scan3A_33 : i32 to index
        %swap3A_1818 = arith.constant 720 : index
        %swap3A_1819 = tpu.vector_load %arg9[%swap3A_1817, %swap3A_1818] {strides = array<i32>} : memref<64x768xf32, #tpu.memory_space<vmem>>, vector<1x16xf32>,
        %swap3A_1820 = vector.shape_cast %swap3A_1819 : vector<1x16xf32> to vector<16xf32>
        %swap3A_1821 = vector.shape_cast %add3A_1816 : vector<16xf32> to vector<1x16xf32>
        tpu.vector_store %arg9[%swap3A_1817, %swap3A_1818], %swap3A_1821 {strides = array<i32>} : memref<64x768xf32, #tpu.memory_space<vmem>>, vector<1x16xf32>,
        %get3A_1822 = arith.constant 736 : index
        %get3A_1823 = tpu.vector_load %arg11[%get3A_1822] {strides = array<i32>} : memref<768xf32, #tpu.memory_space<vmem>>, vector<16xf32>,
        %get3A_1824 = vector.shape_cast %get3A_1823 : vector<16xf32> to vector<16xf32>
        %mul3A_1825 = arith.mulf %get3A_1824, %mul3A_947 : vector<16xf32>
        %get3A_1826 = arith.index_cast %scan3A_33 : i32 to index
        %get3A_1827 = arith.constant 736 : index
        %get3A_1828 = tpu.vector_load %arg9[%get3A_1826, %get3A_1827] {strides = array<i32>} : memref<64x768xf32, #tpu.memory_space<vmem>>, vector<1x16xf32>,
        %get3A_1829 = vector.shape_cast %get3A_1828 : vector<1x16xf32> to vector<16xf32>
        %sub3A_1830 = arith.subf %get3A_1829, %mul3A_878 : vector<16xf32>
        %mul3A_1831 = arith.mulf %sub3A_1830, %mul3A_1825 : vector<16xf32>
        %get3A_1832 = arith.constant 736 : index
        %get3A_1833 = tpu.vector_load %arg12[%get3A_1832] {strides = array<i32>} : memref<768xf32, #tpu.memory_space<vmem>>, vector<16xf32>,
        %get3A_1834 = vector.shape_cast %get3A_1833 : vector<16xf32> to vector<16xf32>
        %add3A_1835 = arith.addf %mul3A_1831, %get3A_1834 : vector<16xf32>
        %swap3A_1836 = arith.index_cast %scan3A_33 : i32 to index
        %swap3A_1837 = arith.constant 736 : index
        %swap3A_1838 = tpu.vector_load %arg9[%swap3A_1836, %swap3A_1837] {strides = array<i32>} : memref<64x768xf32, #tpu.memory_space<vmem>>, vector<1x16xf32>,
        %swap3A_1839 = vector.shape_cast %swap3A_1838 : vector<1x16xf32> to vector<16xf32>
        %swap3A_1840 = vector.shape_cast %add3A_1835 : vector<16xf32> to vector<1x16xf32>
        tpu.vector_store %arg9[%swap3A_1836, %swap3A_1837], %swap3A_1840 {strides = array<i32>} : memref<64x768xf32, #tpu.memory_space<vmem>>, vector<1x16xf32>,
        %get3A_1841 = arith.constant 752 : index
        %get3A_1842 = tpu.vector_load %arg11[%get3A_1841] {strides = array<i32>} : memref<768xf32, #tpu.memory_space<vmem>>, vector<16xf32>,
        %get3A_1843 = vector.shape_cast %get3A_1842 : vector<16xf32> to vector<16xf32>
        %mul3A_1844 = arith.mulf %get3A_1843, %mul3A_947 : vector<16xf32>
        %get3A_1845 = arith.index_cast %scan3A_33 : i32 to index
        %get3A_1846 = arith.constant 752 : index
        %get3A_1847 = tpu.vector_load %arg9[%get3A_1845, %get3A_1846] {strides = array<i32>} : memref<64x768xf32, #tpu.memory_space<vmem>>, vector<1x16xf32>,
        %get3A_1848 = vector.shape_cast %get3A_1847 : vector<1x16xf32> to vector<16xf32>
        %sub3A_1849 = arith.subf %get3A_1848, %mul3A_878 : vector<16xf32>
        %mul3A_1850 = arith.mulf %sub3A_1849, %mul3A_1844 : vector<16xf32>
        %get3A_1851 = arith.constant 752 : index
        %get3A_1852 = tpu.vector_load %arg12[%get3A_1851] {strides = array<i32>} : memref<768xf32, #tpu.memory_space<vmem>>, vector<16xf32>,
        %get3A_1853 = vector.shape_cast %get3A_1852 : vector<16xf32> to vector<16xf32>
        %add3A_1854 = arith.addf %mul3A_1850, %get3A_1853 : vector<16xf32>
        %swap3A_1855 = arith.index_cast %scan3A_33 : i32 to index
        %swap3A_1856 = arith.constant 752 : index
        %swap3A_1857 = tpu.vector_load %arg9[%swap3A_1855, %swap3A_1856] {strides = array<i32>} : memref<64x768xf32, #tpu.memory_space<vmem>>, vector<1x16xf32>,
        %swap3A_1858 = vector.shape_cast %swap3A_1857 : vector<1x16xf32> to vector<16xf32>
        %swap3A_1859 = vector.shape_cast %add3A_1854 : vector<16xf32> to vector<1x16xf32>
        tpu.vector_store %arg9[%swap3A_1855, %swap3A_1856], %swap3A_1859 {strides = array<i32>} : memref<64x768xf32, #tpu.memory_space<vmem>>, vector<1x16xf32>,
      }
      %scan3A_32 = arith.constant 64 : i32
      "tpu.region"() ({
        %run_scoped3A = tpu.sem_alloc : memref<!tpu.dma_semaphore, #tpu.memory_space<semaphore_mem>>
        %dma_start3A_33 = arith.constant 0 : i32
        %dma_start3A_34 = tpu.memref_slice %arg7[%add3A_11, %dma_start3A_33] : memref<32768x768xf32, #tpu.memory_space<hbm>> -> memref<64x768xf32, #tpu.memory_space<hbm>>
        %dma_start3A_35 = arith.constant 0 : i32
        %dma_start3A_36 = tpu.memref_slice %arg7[%add3A_11, %dma_start3A_35] : memref<32768x768xf32, #tpu.memory_space<hbm>> -> memref<64x768xf32, #tpu.memory_space<hbm>>
        tpu.enqueue_dma source(%arg9 : memref<64x768xf32, #tpu.memory_space<vmem>>) target(%dma_start3A_36 : memref<64x768xf32, #tpu.memory_space<hbm>>) target_semaphore(%run_scoped3A : memref<!tpu.dma_semaphore, #tpu.memory_space<semaphore_mem>>)
        %dma_wait3A_37 = arith.constant 0 : i32
        %dma_wait3A_38 = tpu.memref_slice %arg7[%add3A_11, %dma_wait3A_37] : memref<32768x768xf32, #tpu.memory_space<hbm>> -> memref<64x768xf32, #tpu.memory_space<hbm>>
        %dma_wait3A_39 = arith.constant 0 : i32
        %dma_wait3A_40 = tpu.memref_slice %arg7[%add3A_11, %dma_wait3A_39] : memref<32768x768xf32, #tpu.memory_space<hbm>> -> memref<64x768xf32, #tpu.memory_space<hbm>>
        tpu.wait_dma2 semaphore(%run_scoped3A : memref<!tpu.dma_semaphore, #tpu.memory_space<semaphore_mem>>) src(%arg9 : memref<64x768xf32, #tpu.memory_space<vmem>>) dst(%dma_wait3A_40 : memref<64x768xf32, #tpu.memory_space<hbm>>)
        tpu.yield
      }) : () -> ()
    }
    %scan3A_7 = arith.constant 16 : i32
    return
  }
}

</mosaic_0001>

<sc_bundles>
// kernel: kernel.3.cloned.1.call-start
scs
__scs_entry_jumppad:
0x0: {  	(pc) =	sbr.rel $0x88, $3  }
0x1: {  	(tag) =	ssettag $0x0;
	lr =	simm.s32 $0x1  }
0x2: {  	[smem:$0x3F9C] =	sst lr;
	_ =	strace $0xD0000000  }
0x3: {  	_ = 	snop  }
0x4: {  	_ = 	snop  }
0x5: {  	_ = 	snop  }
0x6: {  	_ = 	snop  }
0x7: {  	_ = 	snop  }
__scs_overlays_trampoline_lowered:
0x8: {  	[smem:$0x3FAB] =	sst s0  }
0x9: {  	[smem:$0x3FAC] =	sst s1  }
0xa: {  	[smem:$0x3FAD] =	sst s2  }
0xb: {  	[smem:$0x3FAE] =	sst s3  }
0xc: {  	[smem:$0x3FAF] =	sst s4  }
0xd: {  	[smem:$0x3FB0] =	sst s5  }
0xe: {  	[smem:$0x3FB1] =	sst s6  }
0xf: {  	[smem:$0x3FB2] =	sst s7  }
0x10: {  	[smem:$0x3FB3] =	sst s8  }
0x11: {  	[smem:$0x3FB4] =	sst s9;
	s0 =	simm.s32 @!p0 $0x0  }
0x12: {  	s1 =	sld [smem:$0x3F9A];
	s0 =	simm.s32 @p0 $0x1  }
0x13: {  	[smem:$0x3FB5] =	sst s0;
	s0 =	simm.s32 @!p1 $0x0  }
0x14: {  	s2 =	sld [smem:$0x3F99];
	s0 =	simm.s32 @p1 $0x1  }
0x15: {  	[smem:$0x3FB6] =	sst s0;
	s0 =	simm.s32 @!p2 $0x0  }
0x16: {  	s3 =	sld [smem:$0x3FDB];
	s0 =	simm.s32 @p2 $0x1  }
0x17: {  	s4 =	simm.s32 $0x1BF5;
	[smem:$0x3FB8] =	sst s0  }
0x18: {  	s0 =	sld [smem:$0x3F9B];
	_ =	swait.ge [sflag:s4], $0x0  }
0x19: {  	s7 =	sld [smem:$0x3F9C]  }
0x1a: {  	s8 =	sadd.s32 $0xFFFFE003, lr  }
0x1b: {  	s9 =	sadd.s32 $0xFFFFFEF7, lr;
	s5 =	simm.s32 $0xFFFFFFFF;
	p2 =	slt.u32 s8, $0xFFFFF086  }
0x1c: {  	p1 =	slt.u32 s9, $0xF7A;
	s5 =	simm.s32 @!p2 $0x0  }
0x1d: {  	s5 =	simm.s32 @p1 $0x1;
	p0 =	seq.s32 s7, s2  }
0x1e: {  	s7 =	smul.u32 @!p0 $0xF7A, s2;
	p2 =	seq.s32 @!p0 s5, $0x0  }
0x1f: {  	s9 =	smul.u32 $0xF7A, s1;
	s8 =	simm.s32 @!p0 $0x1BF5;
	p2 =	por !p2, p0  }
0x20: {  	[sflag:s8] =	ssyncset.s32 @!p0 $0xFFFFF086;
	s6 =	sadd.s32 @!p0 s3, s7;
	s7 =	simm.s32 @!p0 $0x108  }
0x21: {  	s3 =	sadd.s32 s3, s9;
	s6 =	sadd.s32 @!p0 $0x88, s6;
	s7 =	simm.s32 @p2 $0x1082  }
0x22: {  	[simem:s7], [sflag:s8] =	dma.local @!p0 [hbm:s6], $0xF7A  }
0x23: {  	s9 =	sor.u32 $0xD0000000, s2;
	s6 =	simm.s32 $0x108;
	_ =	swait.ge @!p0 [sflag:s8], $0x0  }
0x24: {  	s3 =	sadd.s32 $0x88, s3;
	s6 =	simm.s32 @!p1 $0x1082;
	[sflag:s4] =	ssyncset.s32 $0xFFFFF086  }
0x25: {  	[simem:s6], [sflag:s4] =	dma.local [hbm:s3], $0xF7A  }
0x26: {  	[smem:$0x3F9C] =	sst s1;
	(tag) =	ssettag s2;
	_ =	strace s9  }
0x27: {  	s1 =	sld [smem:$0x3FAC]  }
0x28: {  	s2 =	sld [smem:$0x3FAD]  }
0x29: {  	s4 =	sld [smem:$0x3FAF]  }
0x2a: {  	p0 =	seq.s32 s5, $0x0;
	s5 =	sld [smem:$0x3FB0]  }
0x2b: {  	s6 =	sld [smem:$0x3FB1]  }
0x2c: {  	s7 =	sld [smem:$0x3FB2]  }
0x2d: {  	s3 =	simm.s32 $0x108;
	s8 =	sld [smem:$0x3FB3]  }
0x2e: {  	s3 =	simm.s32 @!p0 $0x1082;
	s9 =	sld [smem:$0x3FB4]  }
0x2f: {  	lr =	sadd.s32 s0, s3;
	s0 =	sld [smem:$0x3FAB]  }
0x30: {  	s3 =	sld [smem:$0x3FAE]  }
0x31: {  	[smem:$0x3FB7] =	sst s10  }
0x32: {  	s10 =	sld [smem:$0x3FB5];
	_ =	sdelay $0x3  }
0x33: {  	p0 =	seq.s32 s10, $0x1;
	s10 =	sld [smem:$0x3FB7];
	_ =	sdelay $0x3  }
0x34: {  	[smem:$0x3FB7] =	sst s10  }
0x35: {  	s10 =	sld [smem:$0x3FB6];
	_ =	sdelay $0x3  }
0x36: {  	p1 =	seq.s32 s10, $0x1;
	s10 =	sld [smem:$0x3FB7];
	_ =	sdelay $0x3  }
0x37: {  	[smem:$0x3FB7] =	sst s10  }
0x38: {  	s10 =	sld [smem:$0x3FB8]  }
0x39: {  	_ = 	snop;
	(pc) =	sbr.ind lr, $3  }
0x3a: {  	_ = 	snop  }
0x3b: {  	_ = 	snop  }
0x3c: {  	p2 =	seq.s32 s10, $0x1;
	s10 =	sld [smem:$0x3FB7]  }
0x3d: {  	_ =	shalt  }
0x3e: {  	_ =	shalt  }
0x3f: {  	_ =	shalt  }
0x40: {  	_ =	shalt  }
0x41: {  	_ =	shalt  }
0x42: {  	_ =	shalt  }
0x43: {  	_ =	shalt  }
0x44: {  	_ =	shalt  }
0x45: {  	_ =	shalt  }
0x46: {  	_ =	shalt  }
0x47: {  	_ =	shalt  }
0x48: {  	_ =	shalt  }
0x49: {  	_ =	shalt  }
0x4a: {  	_ =	shalt  }
0x4b: {  	_ =	shalt  }
0x4c: {  	_ =	shalt  }
0x4d: {  	_ =	shalt  }
0x4e: {  	_ =	shalt  }
0x4f: {  	_ =	shalt  }
0x50: {  	_ =	shalt  }
0x51: {  	_ =	shalt  }
0x52: {  	_ =	shalt  }
0x53: {  	_ =	shalt  }
0x54: {  	_ =	shalt  }
0x55: {  	_ =	shalt  }
0x56: {  	_ =	shalt  }
0x57: {  	_ =	shalt  }
0x58: {  	_ =	shalt  }
0x59: {  	_ =	shalt  }
0x5a: {  	_ =	shalt  }
0x5b: {  	_ =	shalt  }
0x5c: {  	_ =	shalt  }
0x5d: {  	_ =	shalt  }
0x5e: {  	_ =	shalt  }
0x5f: {  	_ =	shalt  }
0x60: {  	_ =	shalt  }
0x61: {  	_ =	shalt  }
0x62: {  	_ =	shalt  }
0x63: {  	_ =	shalt  }
0x64: {  	_ =	shalt  }
0x65: {  	_ =	shalt  }
0x66: {  	_ =	shalt  }
0x67: {  	_ =	shalt  }
0x68: {  	_ =	shalt  }
0x69: {  	_ =	shalt  }
0x6a: {  	_ =	shalt  }
0x6b: {  	_ =	shalt  }
0x6c: {  	_ =	shalt  }
0x6d: {  	_ =	shalt  }
0x6e: {  	_ =	shalt  }
0x6f: {  	_ =	shalt  }
0x70: {  	_ =	shalt  }
0x71: {  	_ =	shalt  }
0x72: {  	_ =	shalt  }
0x73: {  	_ =	shalt  }
0x74: {  	_ =	shalt  }
0x75: {  	_ =	shalt  }
0x76: {  	_ =	shalt  }
0x77: {  	_ =	shalt  }
0x78: {  	_ =	shalt  }
0x79: {  	_ =	shalt  }
0x7a: {  	_ =	shalt  }
0x7b: {  	_ =	shalt  }
0x7c: {  	_ =	shalt  }
0x7d: {  	_ =	shalt  }
0x7e: {  	_ =	shalt  }
0x7f: {  	_ =	shalt  }
0x80: {  	_ =	shalt  }
0x81: {  	_ =	shalt  }
0x82: {  	_ =	shalt  }
0x83: {  	_ =	shalt  }
0x84: {  	_ =	shalt  }
0x85: {  	_ =	shalt  }
0x86: {  	_ =	shalt  }
0x87: {  	_ =	shalt  }
.Lfunc_end0:
.L_simem_size_0:
called_computation_lowered:
.L_overlay_start_0:
0x88: {  	s2 =	sld [smem:$0x3FD9]  }
0x89: {  	s3 =	sld [smem:$0x3FFE];
	_ =	sdelay $0x1  }
0x8a: {  	s1 =	srdreg.scid  }
0x8b: {  	s0 =	sand.u32 $0x1, s1  }
0x8c: {  	s17 =	sshll.u32 s0, $0xA;
	s2 =	sadd.s32 s3, s2  }
0x8d: {  	s2 =	sadd.s32 s2, s17  }
0x8e: {  	[smem:$0x3FC3] =	sst s2  }
0x8f: {  	_ = 	snop  }
0x90: {  	s2 =	sld [smem:$0x3FC8]  }
0x91: {  	s18 =	sld [smem:$0x3FC7]  }
0x92: {  	s4 =	sld [smem:$0x3FC6]  }
0x93: {  	s5 =	sld [smem:$0x3FC5]  }
0x94: {  	s6 =	sld [smem:$0x3FD0];
	(tm) =	ssettm $0x1  }
0x95: {  	s7 =	sld [smem:$0x3FFB];
	_ =	sdelay $0x3  }
0x96: {  	_ =	strace s7  }
0x97: {  	s7 =	sld [smem:$0x3FFC];
	_ =	sdelay $0x3  }
0x98: {  	_ =	strace s7  }
0x99: {  	s7 =	sld [smem:$0x3FFD];
	_ =	sdelay $0x3  }
0x9a: {  	_ =	strace s7  }
0x9b: {  	_ =	strace $0x8FFFFFFF  }
0x9c: {  	s19 =	sld [smem:$0x3FDB];
	_ =	sdelay $0x1  }
0x9d: {  	s8 =	simm.s32 $_scs_section_size  }
0x9e: {  	s9 =	simm.s32 $_size__tile_overlayer_lowered;
	s10 =	simm.s32 $_tile_overlayer_lowered  }
0x9f: {  	s22 =	simm.s32 $0x1BFF;
	s21 =	sshll.u32 s10, $0x1;
	s7 =	sadd.s32 s8, s19  }
0xa0: {  	s11 =	simm.s32 $0x0;
	s20 =	sshll.u32 s9, $0x1;
	s9 =	sadd.s32 s21, s7  }
0xa1: {  	[timem:s11], [sflag:s22] =	dma.local [hbm:s9], s20  }
0xa2: {  	_ =	swait.ge [sflag:s22], s20  }
0xa3: {  	s8 =	ssub.s32 $0x0, s20;
	[sflag:s22] =	ssyncset.done $0x0  }
0xa4: {  	[sflag:s22] =	ssyncadd.s32 s8;
	_ =	sdelay $0x1  }
0xa5: {  	s23 =	simm.s32 $0x1B8B  }
0xa6: {  	_ =	swait.ge [sflag:s23], $0x1  }
0xa7: {  	[sflag:s23] =	ssyncset.done $0x0  }
0xa8: {  	s25 =	simm.s32 $0x1B8E;
	s24 =	sld [smem:$0x3FFE];
	[sflag:s23] =	ssyncadd.s32 $0xFFFFFFFF  }
0xa9: {  	s26 =	simm.s32 $execute0_lowered;
	[smem:$0x3FD2] =	sst s25  }
0xaa: {  	s9 =	sshll.u32 s26, $0x1;
	_ =	strace $0x80000046;
	[dreg:$0x1] =	wrdreg $0xFFFFFFFF  }
0xab: {  	s28 =	simm.s32 $_size_execute0_lowered;
	s7 =	sadd.s32 s7, s9;
	[dreg:$0x0] =	wrdreg $0x0  }
0xac: {  	s9 =	sshll.u32 s28, $0x1;
	[dreg:$0x2] =	wrdreg s7  }
0xad: {  	[dreg:$0x3] =	wrdreg s9  }
0xae: {  	[dreg:$0x4] =	wrdreg $0xC0  }
0xaf: {  	_ =	task [dreg:s11], $0x5FFFF  }
0xb0: {  	[dreg:$0x1] =	wrdreg $0xFFFFFFFF  }
0xb1: {  	[dreg:$0x0] =	wrdreg $0x60  }
0xb2: {  	[dreg:$0x2] =	wrdreg s2  }
0xb3: {  	[dreg:$0x3] =	wrdreg s24  }
0xb4: {  	[dreg:$0x4] =	wrdreg s18  }
0xb5: {  	[dreg:$0x5] =	wrdreg s4  }
0xb6: {  	[dreg:$0x6] =	wrdreg s5  }
0xb7: {  	[dreg:$0x7] =	wrdreg s6  }
0xb8: {  	[dreg:$0x8] =	wrdreg $0x9  }
0xb9: {  	_ =	task.clear_ibuf [dreg:s11], $0x9FFFF;
	_ =	strace $0x90000046  }
0xba: {  	s29 =	simm.s32 $0x9;
	_ =	strace $0x80000048  }
0xbb: {  	_ =	swait.ge [sflag:s29], $0x1  }
0xbc: {  	[sflag:s29] =	ssyncadd.s32 $0xFFFFFFFF  }
0xbd: {  	_ =	strace $0x90000048  }
0xbe: {  	_ =	sfence  }
0xbf: {  	s30 =	sld [smem:$0x0];
	_ =	sdelay $0x2  }
0xc0: {  	s31 =	sshll.u32 s1, $0xD;
	s1 =	sshrl.u32 s1, $0x2  }
0xc1: {  	s3 =	sand.u32 $0x4000, s31;
	s1 =	sadd.s32 s1, s30  }
0xc2: {  	s0 =	sor.u32 s3, s0;
	s1 =	sshll.u32 s1, $0x11  }
0xc3: {  	s0 =	sor.u32 s1, s0  }
0xc4: {  	s0 =	sadd.s32 $0x8F2B, s0  }
0xc5: {  	[sflag:s0] =	ssyncadd.remote.s32 $0x1  }
0xc6: {  	_ =	sfence.sel $0xFFFF  }
0xc7: {  	[dreg:$0x0] =	wrdreg $0xFFFFFFFF;
	(pc) =	sbr.abs _section_cstart, $3  }
0xc8: {  	[dreg:$0x1] =	wrdreg $0xFFFFFFFF  }
0xc9: {  	_ =	task.clear_ibuf [dreg:s11], $0x2FFFF;
	_ =	strace $0x9FFFFFFF  }
0xca: {  	(tm) =	ssettm $0x7FFFFFFF  }
0xcb: {  	_ =	shalt  }
tec
execute0_lowered:
.L_overlay_start_1:
0x0: {  	(tag) =	ssettag $0x1  }
0x1: {  	s1 =	rddreg [dreg:$0x0]  }
0x2: {  	s0 =	rddreg [dreg:$0x1];
	s6 =	simm.s32 $0x0;
	v0 =	vimm.s32 $0xEFCDAB89;
	v1 =	vimm.s32 $0x67452301  }
0x3: {  	s2 =	srdreg.scid;
	s5 =	stileid.u32;
	v3 =	vimm.s32 $0xDCFE98BA;
	s14 =	simm.s32 $0x2;
	v0 =	vunpack.c.l.s4.s8 v0;
	v1 =	vunpack.c.l.s4.s8 v1  }
0x4: {  	v2 =	vlaneseq.u32;
	v4 =	vimm.s32 $0x54761032;
	v5 =	vimm.s32 $0xBA98FEDC;
	s16 =	simm.s32 $0x80;
	s25 =	simm.s32 $0x4880;
	s28 =	simm.s32 $0x5880  }
0x5: {  	s29 =	simm.s32 $0x6080;
	s30 =	simm.s32 $0x6880;
	s31 =	simm.s32 $0x7080;
	v3 =	vunpack.c.l.s4.s8 v3;
	v0 =	vunpack.c.0.s8.s32 v0;
	v1 =	vunpack.c.0.s8.s32 v1  }
0x6: {  	v6 =	vimm.s32 $0x32107654;
	s7 =	simm.s32 $0x8080;
	s13 =	simm.s32 $0x9880;
	s15 =	simm.s32 $0xA080;
	v4 =	vunpack.c.l.s4.s8 v4;
	v5 =	vunpack.c.l.s4.s8 v5  }
0x7: {  	s12 =	simm.s32 $0xA880;
	s17 =	simm.s32 $0x1;
	s18 =	simm.s32 $0xC080;
	v7 =	vcombine.low v1, v0;
	v0 =	vunpack.c.0.s8.s32 v3;
	v1 =	vunpack.c.l.s4.s8 v6  }
0x8: {  	s20 =	simm.s32 $0x0;
	[smem:$0x7FF] =	sst s6;
	s2 =	sand.u32 $0x1, s2;
	v3 =	vunpack.c.0.s8.s32 v4;
	v4 =	vunpack.c.0.s8.s32 v5;
	v5 =	vimm.s32 $0xFEDCBA98  }
0x9: {  	s5 =	sshll.u32 s5, $0x8;
	s8 =	sadd.s32 $0x400, s0;
	s10 =	sadd.s32 $0x100, s1;
	v6 =	vimm.s32 $0x76543210;
	v5 =	vunpack.c.l.s4.s8 v5;
	v1 =	vunpack.c.0.s8.s32 v1  }
0xa: {  	vm0 =	vmmov $0xffff;
	s11 =	sadd.s32 $0x200, s1;
	s3 =	ssub.s32 $0x2, s2;
	s2 =	sshll.u32 s2, $0x7;
	v8 =	vcombine.low v3, v0;
	v3 =	vunpack.c.l.s4.s8 v6  }
0xb: {  	_ =	strace $0x80000047;
	s4 =	sshrl.u32 s3, $0x1;
	s9 =	sor.u32 s2, s5;
	v0 =	vand.u32 $0x7, v2;
	v6 =	vcombine.low v1, v4;
	v4 =	vunpack.c.0.s8.s32 v5  }
0xc: {  	s2 =	simm.s32 $0xB080;
	s5 =	simm.s32 $0xB880;
	s26 =	ssub.s32 s3, s4;
	v1 =	vshrl.u32 v2, $0x3;
	v9 =	vunpack.c.0.s8.s32 v3;
	v2 =	vor.u32 $0x8, v2  }
0xd: {  	s3 =	simm.s32 $0x8880;
	s4 =	simm.s32 $0x9080;
	s0 =	smax.u32 s26, $0x1;
	v3 =	vand.u32 $0xF, v7;
	v1 =	vmul.u32 $0x8, v1;
	v7 =	vand.u32 $0xF, v4  }
0xe: {  	s26 =	simm.s32 $0x5080;
	[dreg:$0x7] =	wrdreg s0;
	s0 =	simm.s32 $0x7880;
	v4 =	vand.u32 $0xF, v8;
	v5 =	vand.u32 $0xF, v6;
	v6 =	vcombine.low v7, v9  }
.LBB2_1:
0xf: {  	[dreg:$0x8] =	wrdreg s20  }
0x10: {  	s19 =	rddreg [dreg:$0x3];
	s22 =	simm.s32 $0x18080  }
0x11: {  	[tilespmem:s22], [sflag:$0x2] =	stream.linear.gather [hbm4b:s19+s6], $0x300, $0x38;
	[tilespmem:$0x18680] =	vst v63  }
0x12: {  	_ =	swait.ge [sflag:s14], $0x300  }
0x13: {  	[sflag:s14] =	ssyncset.done $0x0  }
0x14: {  	[sflag:s14] =	ssyncadd.s32 $0xFFFFFD00  }
0x15: {  	s24 =	simm.s32 $0x18380;
	s23 =	rddreg [dreg:$0x4]  }
0x16: {  	[tilespmem:s24], [sflag:$0x2] =	stream.linear.gather [hbm4b:s23+s6], $0x300, $0x38;
	[tilespmem:$0x18680] =	vst v63  }
0x17: {  	_ =	swait.ge [sflag:s14], $0x300  }
0x18: {  	[sflag:s14] =	ssyncset.done $0x0  }
0x19: {  	s19 =	simm.s32 $0x0;
	[sflag:s14] =	ssyncadd.s32 $0xFFFFFD00  }
.LBB2_2:
0x1a: {  	s22 =	sshll.u32 s19, $0x3  }
0x1b: {  	s20 =	sadd.s32 s9, s22  }
0x1c: {  	s21 =	simm.s32 $0x0;
	s23 =	sadd.s32 s8, s20  }
0x1d: {  	[tilespmem:s21], [sflag:$0x2] =	stream.linear.gather [hbm4b:s23+s21], $0x40, $0x38;
	[tilespmem:$0x18680] =	vst v63  }
0x1e: {  	_ =	swait.ge [sflag:s14], $0x40  }
0x1f: {  	[sflag:s14] =	ssyncset.done $0x0  }
0x20: {  	[sflag:s14] =	ssyncadd.s32 $0xFFFFFFC0  }
0x21: {  	v7 =	vld [tilespmem:$0x0];
	_ =	sdelay $0x4  }
0x22: {  	v8 =	vshrl.u32 v7, $0x3  }
0x23: {  	v8 =	vmul.u32 $0x30, v8  }
0x24: {  	v7 =	vand.u32 $0x7, v7  }
0x25: {  	v7 =	vor.u32 v7, v8  }
0x26: {  	v8 =	vperm.xlane v7, v0;
	_ =	sdelay $0x1  }
0x27: {  	v8 =	vadd.s32 v1, v8;
	_ =	sdelay $0x3  }
0x28: {  	v7 =	vperm.xlane v7, v2  }
0x29: {  	[tilespmem:s16], [sflag:$0x1] =	stream.indirect_vreg.gather [hbm4b:s1+s21], $0x80, v8, vm0, $0xb8;
	[tilespmem:$0x18680] =	vst v63  }
0x2a: {  	s24 =	simm.s32 $0x880;
	v7 =	vadd.s32 v1, v7  }
0x2b: {  	[tilespmem:s24], [sflag:$0x1] =	stream.indirect_vreg.gather [hbm4b:s10+s21], $0x80, v8, vm0, $0xb8;
	[tilespmem:$0x18680] =	vst v63  }
0x2c: {  	s24 =	simm.s32 $0x1080  }
0x2d: {  	[tilespmem:s24], [sflag:$0x1] =	stream.indirect_vreg.gather [hbm4b:s11+s21], $0x80, v8, vm0, $0xb8;
	[tilespmem:$0x18680] =	vst v63  }
0x2e: {  	s24 =	simm.s32 $0x1880  }
0x2f: {  	[tilespmem:s24], [sflag:$0x1] =	stream.indirect_vreg.gather [hbm4b:s1+s21], $0x80, v7, vm0, $0xb8;
	[tilespmem:$0x18680] =	vst v63  }
0x30: {  	s24 =	simm.s32 $0x2080  }
0x31: {  	[tilespmem:s24], [sflag:$0x1] =	stream.indirect_vreg.gather [hbm4b:s10+s21], $0x80, v7, vm0, $0xb8;
	[tilespmem:$0x18680] =	vst v63  }
0x32: {  	s24 =	simm.s32 $0x2880  }
0x33: {  	[tilespmem:s24], [sflag:$0x1] =	stream.indirect_vreg.gather [hbm4b:s11+s21], $0x80, v7, vm0, $0xb8;
	[tilespmem:$0x18680] =	vst v63  }
0x34: {  	v7 =	vld [tilespmem:$0x10];
	_ =	sdelay $0x4  }
0x35: {  	v8 =	vshrl.u32 v7, $0x3  }
0x36: {  	v8 =	vmul.u32 $0x30, v8  }
0x37: {  	v7 =	vand.u32 $0x7, v7  }
0x38: {  	v7 =	vor.u32 v7, v8  }
0x39: {  	v8 =	vperm.xlane v7, v0;
	_ =	sdelay $0x1  }
0x3a: {  	v8 =	vadd.s32 v1, v8;
	_ =	sdelay $0x3  }
0x3b: {  	s24 =	simm.s32 $0x3080;
	v7 =	vperm.xlane v7, v2  }
0x3c: {  	[tilespmem:s24], [sflag:$0x1] =	stream.indirect_vreg.gather [hbm4b:s1+s21], $0x80, v8, vm0, $0xb8;
	[tilespmem:$0x18680] =	vst v63  }
0x3d: {  	v7 =	vadd.s32 v1, v7;
	s24 =	simm.s32 $0x3880  }
0x3e: {  	[tilespmem:s24], [sflag:$0x1] =	stream.indirect_vreg.gather [hbm4b:s10+s21], $0x80, v8, vm0, $0xb8;
	[tilespmem:$0x18680] =	vst v63  }
0x3f: {  	s24 =	simm.s32 $0x4080  }
0x40: {  	[tilespmem:s24], [sflag:$0x1] =	stream.indirect_vreg.gather [hbm4b:s11+s21], $0x80, v8, vm0, $0xb8;
	[tilespmem:$0x18680] =	vst v63  }
0x41: {  	_ = 	snop  }
0x42: {  	[tilespmem:s25], [sflag:$0x1] =	stream.indirect_vreg.gather [hbm4b:s1+s21], $0x80, v7, vm0, $0xb8;
	[tilespmem:$0x18680] =	vst v63  }
0x43: {  	_ = 	snop  }
0x44: {  	[tilespmem:s26], [sflag:$0x1] =	stream.indirect_vreg.gather [hbm4b:s10+s21], $0x80, v7, vm0, $0xb8;
	[tilespmem:$0x18680] =	vst v63  }
0x45: {  	_ = 	snop  }
0x46: {  	[tilespmem:s28], [sflag:$0x1] =	stream.indirect_vreg.gather [hbm4b:s11+s21], $0x80, v7, vm0, $0xb8;
	[tilespmem:$0x18680] =	vst v63  }
0x47: {  	v7 =	vld [tilespmem:$0x20];
	_ =	sdelay $0x4  }
0x48: {  	v8 =	vshrl.u32 v7, $0x3  }
0x49: {  	v8 =	vmul.u32 $0x30, v8  }
0x4a: {  	v7 =	vand.u32 $0x7, v7  }
0x4b: {  	v7 =	vor.u32 v7, v8  }
0x4c: {  	v8 =	vperm.xlane v7, v0;
	_ =	sdelay $0x1  }
0x4d: {  	v8 =	vadd.s32 v1, v8;
	_ =	sdelay $0x3  }
0x4e: {  	v7 =	vperm.xlane v7, v2  }
0x4f: {  	[tilespmem:s29], [sflag:$0x1] =	stream.indirect_vreg.gather [hbm4b:s1+s21], $0x80, v8, vm0, $0xb8;
	[tilespmem:$0x18680] =	vst v63  }
0x50: {  	v7 =	vadd.s32 v1, v7  }
0x51: {  	[tilespmem:s30], [sflag:$0x1] =	stream.indirect_vreg.gather [hbm4b:s10+s21], $0x80, v8, vm0, $0xb8;
	[tilespmem:$0x18680] =	vst v63  }
0x52: {  	_ = 	snop  }
0x53: {  	[tilespmem:s31], [sflag:$0x1] =	stream.indirect_vreg.gather [hbm4b:s11+s21], $0x80, v8, vm0, $0xb8;
	[tilespmem:$0x18680] =	vst v63  }
0x54: {  	_ = 	snop  }
0x55: {  	[tilespmem:s0], [sflag:$0x1] =	stream.indirect_vreg.gather [hbm4b:s1+s21], $0x80, v7, vm0, $0xb8;
	[tilespmem:$0x18680] =	vst v63  }
0x56: {  	_ = 	snop  }
0x57: {  	[tilespmem:s7], [sflag:$0x1] =	stream.indirect_vreg.gather [hbm4b:s10+s21], $0x80, v7, vm0, $0xb8;
	[tilespmem:$0x18680] =	vst v63  }
0x58: {  	_ = 	snop  }
0x59: {  	[tilespmem:s3], [sflag:$0x1] =	stream.indirect_vreg.gather [hbm4b:s11+s21], $0x80, v7, vm0, $0xb8;
	[tilespmem:$0x18680] =	vst v63  }
0x5a: {  	v7 =	vld [tilespmem:$0x30];
	_ =	sdelay $0x4  }
0x5b: {  	v8 =	vshrl.u32 v7, $0x3  }
0x5c: {  	v8 =	vmul.u32 $0x30, v8  }
0x5d: {  	v7 =	vand.u32 $0x7, v7  }
0x5e: {  	v7 =	vor.u32 v7, v8  }
0x5f: {  	v8 =	vperm.xlane v7, v0;
	_ =	sdelay $0x1  }
0x60: {  	v8 =	vadd.s32 v1, v8;
	_ =	sdelay $0x3  }
0x61: {  	v7 =	vperm.xlane v7, v2  }
0x62: {  	[tilespmem:s4], [sflag:$0x1] =	stream.indirect_vreg.gather [hbm4b:s1+s21], $0x80, v8, vm0, $0xb8;
	[tilespmem:$0x18680] =	vst v63  }
0x63: {  	v7 =	vadd.s32 v1, v7  }
0x64: {  	[tilespmem:s13], [sflag:$0x1] =	stream.indirect_vreg.gather [hbm4b:s10+s21], $0x80, v8, vm0, $0xb8;
	[tilespmem:$0x18680] =	vst v63  }
0x65: {  	_ = 	snop  }
0x66: {  	[tilespmem:s15], [sflag:$0x1] =	stream.indirect_vreg.gather [hbm4b:s11+s21], $0x80, v8, vm0, $0xb8;
	[tilespmem:$0x18680] =	vst v63  }
0x67: {  	_ = 	snop  }
0x68: {  	[tilespmem:s12], [sflag:$0x1] =	stream.indirect_vreg.gather [hbm4b:s1+s21], $0x80, v7, vm0, $0xb8;
	[tilespmem:$0x18680] =	vst v63  }
0x69: {  	_ = 	snop  }
0x6a: {  	[tilespmem:s2], [sflag:$0x1] =	stream.indirect_vreg.gather [hbm4b:s10+s21], $0x80, v7, vm0, $0xb8;
	[tilespmem:$0x18680] =	vst v63  }
0x6b: {  	_ = 	snop  }
0x6c: {  	[tilespmem:s5], [sflag:$0x1] =	stream.indirect_vreg.gather [hbm4b:s11+s21], $0x80, v7, vm0, $0xb8;
	[tilespmem:$0x18680] =	vst v63  }
0x6d: {  	_ =	swait.ge [sflag:s17], $0xC000  }
0x6e: {  	s22 =	sand.u32 $0x38, s22;
	[sflag:s17] =	ssyncset.done $0x0  }
0x6f: {  	s22 =	smul.u32 $0x300, s22;
	[sflag:s17] =	ssyncadd.s32 $0xFFFF4000  }
0x70: {  	s24 =	rddreg [dreg:$0x2]  }
0x71: {  	s22 =	sadd.s32 s24, s22  }
0x72: {  	[tilespmem:s18], [sflag:$0x2] =	stream.linear.gather [hbm4b:s22+s21], $0xC000, $0x38;
	[tilespmem:$0x18680] =	vst v63  }
0x73: {  	_ =	swait.ge [sflag:s14], $0xC000  }
0x74: {  	[sflag:s14] =	ssyncset.done $0x0  }
0x75: {  	s22 =	simm.s32 $0x0;
	[sflag:s14] =	ssyncadd.s32 $0xFFFF4000  }
.LBB2_3:
0x76: {  	s23 =	sshrl.u32 s22, $0x3  }
0x77: {  	s23 =	smul.u32 $0x1800, s23  }
0x78: {  	s24 =	sand.u32 $0x380, s21  }
0x79: {  	s23 =	sor.u32 s24, s23  }
0x7a: {  	v7 =	vld [tilespmem:s23+$0x80]  }
0x7b: {  	v8 =	vld [tilespmem:s23+$0xC080]  }
0x7c: {  	v9 =	vld [tilespmem:s23+$0x90]  }
0x7d: {  	v10 =	vld [tilespmem:s23+$0xC090]  }
0x7e: {  	v11 =	vld [tilespmem:s23+$0xA0]  }
0x7f: {  	v12 =	vld [tilespmem:s23+$0xC0A0]  }
0x80: {  	v13 =	vld [tilespmem:s23+$0xB0]  }
0x81: {  	v14 =	vld [tilespmem:s23+$0xC0B0]  }
0x82: {  	v15 =	vld [tilespmem:s23+$0xC0]  }
0x83: {  	v16 =	vld [tilespmem:s23+$0xC0C0];
	v8 =	vadd.f32 v8, v7  }
0x84: {  	v47 =	vld [tilespmem:s23+$0xD0];
	v7 =	vadd.f32 v10, v9  }
0x85: {  	v19 =	vld [tilespmem:s23+$0xC0D0];
	v46 =	vadd.f32 $0.0e+00, v8  }
0x86: {  	v50 =	vld [tilespmem:s23+$0xE0];
	v9 =	vadd.f32 v12, v11;
	v17 =	vmul.f32 v8, v8;
	v18 =	vmul.f32 v7, v7  }
0x87: {  	v20 =	vld [tilespmem:s23+$0xC0E0];
	v48 =	vadd.f32 v7, v46  }
0x88: {  	v53 =	vld [tilespmem:s23+$0xF0];
	v10 =	vadd.f32 v14, v13;
	v49 =	vmul.f32 v9, v9;
	v17 =	vadd.f32 v18, v17  }
0x89: {  	v54 =	vld [tilespmem:s23+$0xC0F0];
	v51 =	vadd.f32 v9, v48  }
0x8a: {  	v56 =	vld [tilespmem:s23+$0x480];
	v11 =	vadd.f32 v16, v15;
	v52 =	vmul.f32 v10, v10;
	v17 =	vadd.f32 v49, v17  }
0x8b: {  	v21 =	vld [tilespmem:s23+$0xC480];
	v14 =	vadd.f32 v10, v51  }
0x8c: {  	v58 =	vld [tilespmem:s23+$0x490];
	v12 =	vadd.f32 v19, v47;
	v55 =	vmul.f32 v11, v11;
	v17 =	vadd.f32 v52, v17  }
0x8d: {  	v23 =	vld [tilespmem:s23+$0xC490];
	v14 =	vadd.f32 v11, v14  }
0x8e: {  	v24 =	vld [tilespmem:s23+$0x4A0];
	v13 =	vadd.f32 v20, v50;
	v57 =	vmul.f32 v12, v12;
	v17 =	vadd.f32 v55, v17  }
0x8f: {  	v61 =	vld [tilespmem:s23+$0xC4A0];
	v22 =	vadd.f32 v12, v14  }
0x90: {  	v63 =	vld [tilespmem:s23+$0x4B0];
	v59 =	vmul.f32 v13, v13;
	v17 =	vadd.f32 v57, v17;
	v14 =	vadd.f32 v54, v53  }
0x91: {  	v25 =	vld [tilespmem:s23+$0xC4B0];
	v60 =	vadd.f32 v13, v22  }
0x92: {  	v32 =	vld [tilespmem:s23+$0x4C0];
	v15 =	vadd.f32 v21, v56;
	v17 =	vadd.f32 v59, v17;
	v62 =	vmul.f32 v14, v14  }
0x93: {  	v33 =	vld [tilespmem:s23+$0xC4C0];
	v30 =	vadd.f32 v14, v60  }
0x94: {  	v34 =	vld [tilespmem:s23+$0x4D0];
	v16 =	vadd.f32 v23, v58;
	v31 =	vmul.f32 v15, v15;
	v17 =	vadd.f32 v62, v17  }
0x95: {  	v35 =	vld [tilespmem:s23+$0xC4D0];
	v21 =	vadd.f32 v15, v30  }
0x96: {  	v36 =	vld [tilespmem:s23+$0x4E0];
	v26 =	vmul.f32 v16, v16;
	v18 =	vadd.f32 v31, v17;
	v17 =	vadd.f32 v61, v24  }
0x97: {  	v28 =	vld [tilespmem:s23+$0xC4E0];
	v21 =	vadd.f32 v16, v21  }
0x98: {  	v38 =	vld [tilespmem:s23+$0x4F0];
	v26 =	vadd.f32 v26, v18;
	v27 =	vmul.f32 v17, v17;
	v18 =	vadd.f32 v25, v63  }
0x99: {  	v29 =	vld [tilespmem:s23+$0xC4F0];
	v21 =	vadd.f32 v17, v21  }
0x9a: {  	v40 =	vld [tilespmem:s23+$0x880];
	v19 =	vadd.f32 v33, v32;
	v26 =	vadd.f32 v27, v26;
	v37 =	vmul.f32 v18, v18  }
0x9b: {  	v43 =	vld [tilespmem:s23+$0x890];
	v21 =	vadd.f32 v18, v21  }
0x9c: {  	v20 =	vadd.f32 v35, v34;
	v32 =	vld [tilespmem:s23+$0xC8A0];
	v39 =	vmul.f32 v19, v19;
	v26 =	vadd.f32 v37, v26  }
0x9d: {  	v30 =	vld [tilespmem:s23+$0xC880];
	v41 =	vadd.f32 v19, v21  }
0x9e: {  	v33 =	vld [tilespmem:s23+$0xC8B0];
	v42 =	vmul.f32 v20, v20;
	v26 =	vadd.f32 v39, v26;
	v21 =	vadd.f32 v28, v36  }
0x9f: {  	v31 =	vld [tilespmem:s23+$0xC890];
	v44 =	vadd.f32 v20, v41  }
0xa0: {  	v50 =	vld [tilespmem:s23+$0x8C0];
	v22 =	vadd.f32 v29, v38;
	v26 =	vadd.f32 v42, v26;
	v45 =	vmul.f32 v21, v21  }
0xa1: {  	v46 =	vld [tilespmem:s23+$0x8A0];
	v28 =	vadd.f32 v21, v44  }
0xa2: {  	v34 =	vld [tilespmem:s23+$0xC8C0];
	v47 =	vmul.f32 v22, v22;
	v23 =	vadd.f32 v30, v40;
	v26 =	vadd.f32 v45, v26  }
0xa3: {  	v48 =	vld [tilespmem:s23+$0x8B0];
	v28 =	vadd.f32 v22, v28  }
0xa4: {  	v52 =	vld [tilespmem:s23+$0x8D0];
	v24 =	vadd.f32 v31, v43;
	v49 =	vmul.f32 v23, v23;
	v26 =	vadd.f32 v47, v26  }
0xa5: {  	v55 =	vld [tilespmem:s23+$0xC8E0];
	v28 =	vadd.f32 v23, v28  }
0xa6: {  	v54 =	vld [tilespmem:s23+$0x8E0];
	v25 =	vadd.f32 v32, v46;
	v51 =	vmul.f32 v24, v24;
	v26 =	vadd.f32 v49, v26  }
0xa7: {  	v53 =	vld [tilespmem:s23+$0xC8D0];
	v28 =	vadd.f32 v24, v28  }
0xa8: {  	v56 =	vld [tilespmem:s23+$0x8F0];
	v35 =	vmul.f32 v25, v25;
	v27 =	vadd.f32 v51, v26;
	v26 =	vadd.f32 v33, v48  }
0xa9: {  	v59 =	vld [tilespmem:s23+$0xC80];
	v28 =	vadd.f32 v25, v28  }
0xaa: {  	v38 =	vld [tilespmem:s23+$0xCC80];
	v35 =	vadd.f32 v35, v27;
	v36 =	vmul.f32 v26, v26;
	v27 =	vadd.f32 v34, v50  }
0xab: {  	v29 =	vadd.f32 v55, v54;
	v37 =	vld [tilespmem:s23+$0xC8F0];
	v57 =	vadd.f32 v26, v28  }
0xac: {  	v55 =	vld [tilespmem:s23+$0xCF0];
	v35 =	vadd.f32 v36, v35;
	v58 =	vmul.f32 v27, v27;
	v28 =	vadd.f32 v53, v52  }
0xad: {  	v61 =	vld [tilespmem:s23+$0xC90];
	v34 =	vadd.f32 v27, v57  }
0xae: {  	v63 =	vld [tilespmem:s23+$0xCA0];
	v35 =	vadd.f32 v58, v35;
	v60 =	vmul.f32 v28, v28  }
0xaf: {  	v39 =	vld [tilespmem:s23+$0xCC90];
	v34 =	vadd.f32 v28, v34  }
0xb0: {  	v62 =	vmul.f32 v29, v29;
	v46 =	vld [tilespmem:s23+$0xCB0];
	v30 =	vadd.f32 v37, v56;
	v35 =	vadd.f32 v60, v35  }
0xb1: {  	v40 =	vld [tilespmem:s23+$0xCCA0];
	v34 =	vadd.f32 v29, v34  }
0xb2: {  	v31 =	vadd.f32 v38, v59;
	v43 =	vld [tilespmem:s23+$0xCCD0];
	v45 =	vmul.f32 v30, v30;
	v35 =	vadd.f32 v62, v35  }
0xb3: {  	v41 =	vld [tilespmem:s23+$0xCCB0];
	v34 =	vadd.f32 v30, v34  }
0xb4: {  	v42 =	vld [tilespmem:s23+$0xCCC0];
	v32 =	vadd.f32 v39, v61;
	v47 =	vmul.f32 v31, v31;
	v35 =	vadd.f32 v45, v35  }
0xb5: {  	v48 =	vld [tilespmem:s23+$0xCC0];
	v34 =	vadd.f32 v31, v34  }
0xb6: {  	v56 =	vld [tilespmem:s23+$0xCCF0];
	v49 =	vmul.f32 v32, v32;
	v33 =	vadd.f32 v40, v63;
	v35 =	vadd.f32 v47, v35  }
0xb7: {  	v50 =	vld [tilespmem:s23+$0xCD0];
	v51 =	vadd.f32 v32, v34  }
0xb8: {  	v54 =	vld [tilespmem:s23+$0xCCE0];
	v52 =	vmul.f32 v33, v33;
	v35 =	vadd.f32 v49, v35;
	v34 =	vadd.f32 v41, v46  }
0xb9: {  	v53 =	vld [tilespmem:s23+$0xCE0];
	v40 =	vadd.f32 v33, v51  }
0xba: {  	v59 =	vld [tilespmem:s23+$0x1090];
	v36 =	vadd.f32 v52, v35;
	v44 =	vmul.f32 v34, v34;
	v35 =	vadd.f32 v42, v48  }
0xbb: {  	v61 =	vld [tilespmem:s23+$0x10A0];
	v38 =	vadd.f32 v56, v55;
	v40 =	vadd.f32 v34, v40  }
0xbc: {  	v56 =	vld [tilespmem:s23+$0x10C0];
	v44 =	vadd.f32 v44, v36;
	v45 =	vmul.f32 v35, v35;
	v36 =	vadd.f32 v43, v50  }
0xbd: {  	v57 =	vld [tilespmem:s23+$0x1080];
	v40 =	vadd.f32 v35, v40  }
0xbe: {  	v37 =	vadd.f32 v54, v53;
	v46 =	vld [tilespmem:s23+$0xD080];
	v44 =	vadd.f32 v45, v44;
	v58 =	vmul.f32 v36, v36  }
0xbf: {  	v63 =	vld [tilespmem:s23+$0x10B0];
	v40 =	vadd.f32 v36, v40  }
0xc0: {  	v60 =	vmul.f32 v37, v37;
	v47 =	vld [tilespmem:s23+$0xD090];
	v44 =	vadd.f32 v58, v44  }
0xc1: {  	v48 =	vld [tilespmem:s23+$0xD0A0];
	v40 =	vadd.f32 v37, v40  }
0xc2: {  	v62 =	vmul.f32 v38, v38;
	v49 =	vld [tilespmem:s23+$0xD0B0];
	v44 =	vadd.f32 v60, v44  }
0xc3: {  	v51 =	vld [tilespmem:s23+$0xD0D0];
	v39 =	vadd.f32 v46, v57;
	v54 =	vadd.f32 v38, v40  }
0xc4: {  	v50 =	vld [tilespmem:s23+$0xD0C0];
	v44 =	vadd.f32 v62, v44  }
0xc5: {  	v55 =	vmul.f32 v39, v39;
	v58 =	vld [tilespmem:s23+$0x10D0];
	v40 =	vadd.f32 v47, v59;
	v46 =	vadd.f32 v39, v54  }
0xc6: {  	v52 =	vld [tilespmem:s23+$0xD0E0];
	v41 =	vadd.f32 v48, v61  }
0xc7: {  	v60 =	vld [tilespmem:s23+$0x10E0];
	v44 =	vadd.f32 v55, v44;
	v57 =	vmul.f32 v40, v40;
	v46 =	vadd.f32 v40, v46  }
0xc8: {  	v53 =	vld [tilespmem:s23+$0xD480];
	v42 =	vadd.f32 v49, v63  }
0xc9: {  	v63 =	vld [tilespmem:s23+$0xD0F0];
	v59 =	vmul.f32 v41, v41;
	v44 =	vadd.f32 v57, v44;
	v46 =	vadd.f32 v41, v46  }
0xca: {  	v43 =	vadd.f32 v50, v56;
	v62 =	vld [tilespmem:s23+$0x10F0];
	v48 =	vadd.f32 v51, v58  }
0xcb: {  	v61 =	vmul.f32 v42, v42;
	v58 =	vld [tilespmem:s23+$0x1480];
	v44 =	vadd.f32 v59, v44;
	v46 =	vadd.f32 v42, v46  }
0xcc: {  	v54 =	vld [tilespmem:s23+$0xD490];
	v49 =	vadd.f32 v52, v60  }
0xcd: {  	v60 =	vld [tilespmem:s23+$0x1490];
	v57 =	vmul.f32 v43, v43;
	v44 =	vadd.f32 v61, v44;
	v46 =	vadd.f32 v43, v46  }
0xce: {  	v50 =	vld [tilespmem:s23+$0x14A0]  }
0xcf: {  	v56 =	vld [tilespmem:s23+$0xD4B0];
	v59 =	vmul.f32 v48, v48;
	v44 =	vadd.f32 v57, v44;
	v46 =	vadd.f32 v48, v46  }
0xd0: {  	v55 =	vld [tilespmem:s23+$0xD4A0];
	v47 =	vadd.f32 v63, v62;
	v51 =	vadd.f32 v53, v58  }
0xd1: {  	v53 =	vld [tilespmem:s23+$0x14B0];
	v61 =	vmul.f32 v49, v49;
	v44 =	vadd.f32 v59, v44;
	v46 =	vadd.f32 v49, v46  }
0xd2: {  	v52 =	vadd.f32 v54, v60;
	v60 =	vld [tilespmem:s23+$0x14C0]  }
0xd3: {  	v62 =	vmul.f32 v47, v47;
	v57 =	vld [tilespmem:s23+$0xD4C0];
	v44 =	vadd.f32 v61, v44;
	v46 =	vadd.f32 v47, v46;
	_ =	sdelay $0x1  }
0xd4: {  	v63 =	vmul.f32 v51, v51;
	v44 =	vadd.f32 v62, v44;
	v46 =	vadd.f32 v51, v46  }
0xd5: {  	v58 =	vld [tilespmem:s23+$0xD4D0];
	v50 =	vadd.f32 v55, v50  }
0xd6: {  	v55 =	vld [tilespmem:s23+$0x14D0];
	v61 =	vmul.f32 v52, v52;
	v44 =	vadd.f32 v63, v44;
	v46 =	vadd.f32 v52, v46  }
0xd7: {  	v53 =	vadd.f32 v56, v53;
	v56 =	vld [tilespmem:s23+$0x14E0];
	v54 =	vadd.f32 v57, v60  }
0xd8: {  	v60 =	vld [tilespmem:s23+$0xD4E0];
	v62 =	vmul.f32 v50, v50;
	v44 =	vadd.f32 v61, v44;
	v46 =	vadd.f32 v50, v46  }
0xd9: {  	v59 =	vld [tilespmem:s23+$0x14F0]  }
0xda: {  	v63 =	vmul.f32 v53, v53;
	v44 =	vadd.f32 v62, v44;
	v62 =	vld [tilespmem:s23+$0xD4F0];
	v46 =	vadd.f32 v53, v46  }
0xdb: {  	v55 =	vadd.f32 v58, v55  }
0xdc: {  	v61 =	vmul.f32 v54, v54;
	v44 =	vadd.f32 v63, v44;
	v46 =	vadd.f32 v54, v46  }
0xdd: {  	v56 =	vadd.f32 v60, v56  }
0xde: {  	v63 =	vmul.f32 v55, v55;
	v44 =	vadd.f32 v61, v44;
	v46 =	vadd.f32 v55, v46  }
0xdf: {  	v57 =	vadd.f32 v62, v59  }
0xe0: {  	[tilespmem:s23+$0x80] =	vst v8;
	v58 =	vmul.f32 v56, v56;
	v44 =	vadd.f32 v63, v44;
	v8 =	vadd.f32 v56, v46;
	_ =	sdelay $0x1  }
0xe1: {  	[tilespmem:s23+$0x90] =	vst v7;
	v59 =	vmul.f32 v57, v57;
	v7 =	vadd.f32 v58, v44;
	v8 =	vadd.f32 v57, v8  }
0xe2: {  	[tilespmem:s23+$0xA0] =	vst v9  }
0xe3: {  	[tilespmem:s23+$0xB0] =	vst v10;
	v7 =	vadd.f32 v59, v7;
	v60 =	vperm.xlane v8, v3  }
0xe4: {  	[tilespmem:s23+$0xC0] =	vst v11  }
0xe5: {  	[tilespmem:s23+$0xD0] =	vst v12;
	v61 =	vperm.xlane v7, v3;
	v8 =	vadd.f32 v60, v8  }
0xe6: {  	[tilespmem:s23+$0xE0] =	vst v13  }
0xe7: {  	[tilespmem:s23+$0x480] =	vst v15;
	v7 =	vadd.f32 v61, v7;
	v62 =	vperm.xlane v8, v4  }
0xe8: {  	[tilespmem:s23+$0x490] =	vst v16  }
0xe9: {  	[tilespmem:s23+$0x4C0] =	vst v19;
	v63 =	vperm.xlane v7, v4;
	v8 =	vadd.f32 v62, v8  }
0xea: {  	[tilespmem:s23+$0x4D0] =	vst v20  }
0xeb: {  	[tilespmem:s23+$0xF0] =	vst v14;
	v7 =	vadd.f32 v63, v7;
	v12 =	vperm.xlane v8, v5  }
0xec: {  	[tilespmem:s23+$0x4F0] =	vst v22  }
0xed: {  	[tilespmem:s23+$0x8E0] =	vst v29;
	v13 =	vperm.xlane v7, v5;
	v8 =	vadd.f32 v12, v8  }
0xee: {  	[tilespmem:s23+$0x4A0] =	vst v17  }
0xef: {  	[tilespmem:s23+$0x4B0] =	vst v18;
	v7 =	vadd.f32 v13, v7;
	v14 =	vperm.xlane v8, v6  }
0xf0: {  	[tilespmem:s23+$0x8A0] =	vst v25  }
0xf1: {  	[tilespmem:s23+$0x880] =	vst v23;
	v15 =	vperm.xlane v7, v6;
	v8 =	vadd.f32 v14, v8  }
0xf2: {  	[tilespmem:s23+$0x890] =	vst v24  }
0xf3: {  	[tilespmem:s23+$0xC80] =	vst v31;
	v9 =	vadd.f32 v15, v7;
	v7 =	vmul.f32 $1.302083370e-03, v8  }
0xf4: {  	[tilespmem:s23+$0x4E0] =	vst v21  }
0xf5: {  	[tilespmem:s23+$0x8F0] =	vst v30;
	v8 =	vmul.f32 $1.302083370e-03, v9;
	v16 =	vmul.f32 v7, v7  }
0xf6: {  	[tilespmem:s23+$0xC90] =	vst v32  }
0xf7: {  	[tilespmem:s23+$0xCF0] =	vst v38;
	v8 =	vsub.f32 v8, v16  }
0xf8: {  	[tilespmem:s23+$0x8B0] =	vst v26  }
0xf9: {  	[tilespmem:s23+$0xCA0] =	vst v33;
	v8 =	vadd.f32 $9.999999960e-13, v8  }
0xfa: {  	[tilespmem:s23+$0x8C0] =	vst v27  }
0xfb: {  	[tilespmem:s23+$0x8D0] =	vst v28;
	v17 =	vshra.s32 v8, $0x1;
	v8 =	vmul.f32 $5.000000000e-01, v8  }
0xfc: {  	[tilespmem:s23+$0xCE0] =	vst v37;
	v9 =	vsub.s32 $0x5F3759DF, v17  }
0xfd: {  	[tilespmem:s23+$0xCB0] =	vst v34;
	v18 =	vmul.f32 v9, v8  }
0xfe: {  	[tilespmem:s23+$0xCC0] =	vst v35  }
0xff: {  	[tilespmem:s23+$0xCD0] =	vst v36;
	v10 =	vmul.f32 v9, v18  }
0x100: {  	[tilespmem:s23+$0x1080] =	vst v39  }
0x101: {  	[tilespmem:s23+$0x10B0] =	vst v42;
	v10 =	vsub.f32 $1.500000000e+00, v10  }
0x102: {  	[tilespmem:s23+$0x10A0] =	vst v41  }
0x103: {  	[tilespmem:s23+$0x10C0] =	vst v43;
	v9 =	vmul.f32 v9, v10  }
0x104: {  	[tilespmem:s23+$0x1090] =	vst v40  }
0x105: {  	[tilespmem:s23+$0x10D0] =	vst v48;
	v10 =	vmul.f32 v9, v8  }
0x106: {  	[tilespmem:s23+$0x10E0] =	vst v49  }
0x107: {  	[tilespmem:s23+$0x10F0] =	vst v47;
	v10 =	vmul.f32 v10, v9  }
0x108: {  	[tilespmem:s23+$0x1480] =	vst v51  }
0x109: {  	[tilespmem:s23+$0x14A0] =	vst v50;
	v10 =	vsub.f32 $1.500000000e+00, v10  }
0x10a: {  	[tilespmem:s23+$0x1490] =	vst v52  }
0x10b: {  	[tilespmem:s23+$0x14B0] =	vst v53;
	v9 =	vmul.f32 v10, v9  }
0x10c: {  	[tilespmem:s23+$0x14D0] =	vst v55  }
0x10d: {  	[tilespmem:s23+$0x14C0] =	vst v54;
	v8 =	vmul.f32 v9, v8  }
0x10e: {  	[tilespmem:s23+$0x14E0] =	vst v56  }
0x10f: {  	v20 =	vld [tilespmem:s23+$0x80];
	[tilespmem:s23+$0x14F0] =	vst v57;
	v8 =	vmul.f32 v8, v9  }
0x110: {  	v19 =	vld [tilespmem:$0x18080]  }
0x111: {  	v8 =	vsub.f32 $1.500000000e+00, v8;
	_ =	sdelay $0x1  }
0x112: {  	v8 =	vmul.f32 v8, v9  }
0x113: {  	v21 =	vld [tilespmem:$0x18380]  }
0x114: {  	v11 =	vsub.f32 v20, v7;
	v10 =	vmul.f32 v8, v19;
	_ =	sdelay $0x1  }
0x115: {  	v10 =	vmul.f32 v10, v11;
	_ =	sdelay $0x1  }
0x116: {  	v9 =	vadd.f32 v10, v21;
	_ =	sdelay $0x1  }
0x117: {  	v22 =	vld [tilespmem:s23+$0x90];
	[tilespmem:s23+$0x80] =	vst v9  }
0x118: {  	v9 =	vld [tilespmem:$0x18090];
	_ =	sdelay $0x3  }
0x119: {  	v23 =	vld [tilespmem:$0x18390]  }
0x11a: {  	v10 =	vsub.f32 v22, v7;
	v9 =	vmul.f32 v8, v9;
	_ =	sdelay $0x1  }
0x11b: {  	v9 =	vmul.f32 v9, v10;
	_ =	sdelay $0x1  }
0x11c: {  	v9 =	vadd.f32 v9, v23;
	_ =	sdelay $0x1  }
0x11d: {  	v24 =	vld [tilespmem:s23+$0xA0];
	[tilespmem:s23+$0x90] =	vst v9  }
0x11e: {  	v9 =	vld [tilespmem:$0x180A0];
	_ =	sdelay $0x3  }
0x11f: {  	v25 =	vld [tilespmem:$0x183A0]  }
0x120: {  	v10 =	vsub.f32 v24, v7;
	v9 =	vmul.f32 v8, v9;
	_ =	sdelay $0x1  }
0x121: {  	v9 =	vmul.f32 v9, v10;
	_ =	sdelay $0x1  }
0x122: {  	v9 =	vadd.f32 v9, v25;
	_ =	sdelay $0x1  }
0x123: {  	v26 =	vld [tilespmem:s23+$0xB0];
	[tilespmem:s23+$0xA0] =	vst v9  }
0x124: {  	v9 =	vld [tilespmem:$0x180B0];
	_ =	sdelay $0x3  }
0x125: {  	v27 =	vld [tilespmem:$0x183B0]  }
0x126: {  	v10 =	vsub.f32 v26, v7;
	v9 =	vmul.f32 v8, v9;
	_ =	sdelay $0x1  }
0x127: {  	v9 =	vmul.f32 v9, v10;
	_ =	sdelay $0x1  }
0x128: {  	v9 =	vadd.f32 v9, v27;
	_ =	sdelay $0x1  }
0x129: {  	v28 =	vld [tilespmem:s23+$0xC0];
	[tilespmem:s23+$0xB0] =	vst v9  }
0x12a: {  	v9 =	vld [tilespmem:$0x180C0];
	_ =	sdelay $0x3  }
0x12b: {  	v29 =	vld [tilespmem:$0x183C0]  }
0x12c: {  	v10 =	vsub.f32 v28, v7;
	v9 =	vmul.f32 v8, v9;
	_ =	sdelay $0x1  }
0x12d: {  	v9 =	vmul.f32 v9, v10;
	_ =	sdelay $0x1  }
0x12e: {  	v9 =	vadd.f32 v9, v29;
	_ =	sdelay $0x1  }
0x12f: {  	v30 =	vld [tilespmem:s23+$0xD0];
	[tilespmem:s23+$0xC0] =	vst v9  }
0x130: {  	v9 =	vld [tilespmem:$0x180D0];
	_ =	sdelay $0x3  }
0x131: {  	v31 =	vld [tilespmem:$0x183D0]  }
0x132: {  	v10 =	vsub.f32 v30, v7;
	v9 =	vmul.f32 v9, v8;
	_ =	sdelay $0x1  }
0x133: {  	v9 =	vmul.f32 v10, v9;
	_ =	sdelay $0x1  }
0x134: {  	v9 =	vadd.f32 v9, v31;
	_ =	sdelay $0x1  }
0x135: {  	v32 =	vld [tilespmem:s23+$0xE0];
	[tilespmem:s23+$0xD0] =	vst v9  }
0x136: {  	v9 =	vld [tilespmem:$0x180E0];
	_ =	sdelay $0x3  }
0x137: {  	v33 =	vld [tilespmem:$0x183E0]  }
0x138: {  	v10 =	vsub.f32 v32, v7;
	v9 =	vmul.f32 v9, v8;
	_ =	sdelay $0x1  }
0x139: {  	v9 =	vmul.f32 v10, v9;
	_ =	sdelay $0x1  }
0x13a: {  	v9 =	vadd.f32 v9, v33;
	_ =	sdelay $0x1  }
0x13b: {  	v34 =	vld [tilespmem:s23+$0xF0];
	[tilespmem:s23+$0xE0] =	vst v9  }
0x13c: {  	v9 =	vld [tilespmem:$0x180F0];
	_ =	sdelay $0x3  }
0x13d: {  	v35 =	vld [tilespmem:$0x183F0]  }
0x13e: {  	v10 =	vsub.f32 v34, v7;
	v9 =	vmul.f32 v9, v8;
	_ =	sdelay $0x1  }
0x13f: {  	v9 =	vmul.f32 v10, v9;
	_ =	sdelay $0x1  }
0x140: {  	v9 =	vadd.f32 v9, v35;
	_ =	sdelay $0x1  }
0x141: {  	v36 =	vld [tilespmem:s23+$0x480];
	[tilespmem:s23+$0xF0] =	vst v9  }
0x142: {  	v9 =	vld [tilespmem:$0x18100];
	_ =	sdelay $0x3  }
0x143: {  	v37 =	vld [tilespmem:$0x18400]  }
0x144: {  	v10 =	vsub.f32 v36, v7;
	v9 =	vmul.f32 v9, v8;
	_ =	sdelay $0x1  }
0x145: {  	v9 =	vmul.f32 v10, v9;
	_ =	sdelay $0x1  }
0x146: {  	v9 =	vadd.f32 v9, v37;
	_ =	sdelay $0x1  }
0x147: {  	v38 =	vld [tilespmem:s23+$0x490];
	[tilespmem:s23+$0x480] =	vst v9  }
0x148: {  	v9 =	vld [tilespmem:$0x18110];
	_ =	sdelay $0x3  }
0x149: {  	v39 =	vld [tilespmem:$0x18410]  }
0x14a: {  	v10 =	vsub.f32 v38, v7;
	v9 =	vmul.f32 v9, v8;
	_ =	sdelay $0x1  }
0x14b: {  	v9 =	vmul.f32 v10, v9;
	_ =	sdelay $0x1  }
0x14c: {  	v9 =	vadd.f32 v9, v39;
	_ =	sdelay $0x1  }
0x14d: {  	v40 =	vld [tilespmem:s23+$0x4A0];
	[tilespmem:s23+$0x490] =	vst v9  }
0x14e: {  	v9 =	vld [tilespmem:$0x18120];
	_ =	sdelay $0x3  }
0x14f: {  	v41 =	vld [tilespmem:$0x18420]  }
0x150: {  	v10 =	vsub.f32 v40, v7;
	v9 =	vmul.f32 v9, v8;
	_ =	sdelay $0x1  }
0x151: {  	v9 =	vmul.f32 v10, v9;
	_ =	sdelay $0x1  }
0x152: {  	v9 =	vadd.f32 v9, v41;
	_ =	sdelay $0x1  }
0x153: {  	v42 =	vld [tilespmem:s23+$0x4B0];
	[tilespmem:s23+$0x4A0] =	vst v9  }
0x154: {  	v9 =	vld [tilespmem:$0x18130];
	_ =	sdelay $0x3  }
0x155: {  	v43 =	vld [tilespmem:$0x18430]  }
0x156: {  	v10 =	vsub.f32 v42, v7;
	v9 =	vmul.f32 v9, v8;
	_ =	sdelay $0x1  }
0x157: {  	v9 =	vmul.f32 v10, v9;
	_ =	sdelay $0x1  }
0x158: {  	v9 =	vadd.f32 v9, v43;
	_ =	sdelay $0x1  }
0x159: {  	v44 =	vld [tilespmem:s23+$0x4C0];
	[tilespmem:s23+$0x4B0] =	vst v9  }
0x15a: {  	v9 =	vld [tilespmem:$0x18140];
	_ =	sdelay $0x3  }
0x15b: {  	v45 =	vld [tilespmem:$0x18440]  }
0x15c: {  	v10 =	vsub.f32 v44, v7;
	v9 =	vmul.f32 v9, v8;
	_ =	sdelay $0x1  }
0x15d: {  	v9 =	vmul.f32 v10, v9;
	_ =	sdelay $0x1  }
0x15e: {  	v9 =	vadd.f32 v9, v45;
	_ =	sdelay $0x1  }
0x15f: {  	v46 =	vld [tilespmem:s23+$0x4D0];
	[tilespmem:s23+$0x4C0] =	vst v9  }
0x160: {  	v9 =	vld [tilespmem:$0x18150];
	_ =	sdelay $0x3  }
0x161: {  	v47 =	vld [tilespmem:$0x18450]  }
0x162: {  	v10 =	vsub.f32 v46, v7;
	v9 =	vmul.f32 v9, v8;
	_ =	sdelay $0x1  }
0x163: {  	v9 =	vmul.f32 v10, v9;
	_ =	sdelay $0x1  }
0x164: {  	v9 =	vadd.f32 v9, v47;
	_ =	sdelay $0x1  }
0x165: {  	v48 =	vld [tilespmem:s23+$0x4E0];
	[tilespmem:s23+$0x4D0] =	vst v9  }
0x166: {  	v9 =	vld [tilespmem:$0x18160];
	_ =	sdelay $0x3  }
0x167: {  	v49 =	vld [tilespmem:$0x18460]  }
0x168: {  	v10 =	vsub.f32 v48, v7;
	v9 =	vmul.f32 v9, v8;
	_ =	sdelay $0x1  }
0x169: {  	v9 =	vmul.f32 v10, v9;
	_ =	sdelay $0x1  }
0x16a: {  	v9 =	vadd.f32 v9, v49;
	_ =	sdelay $0x1  }
0x16b: {  	v50 =	vld [tilespmem:s23+$0x4F0];
	[tilespmem:s23+$0x4E0] =	vst v9  }
0x16c: {  	v9 =	vld [tilespmem:$0x18170];
	_ =	sdelay $0x3  }
0x16d: {  	v51 =	vld [tilespmem:$0x18470]  }
0x16e: {  	v10 =	vsub.f32 v50, v7;
	v9 =	vmul.f32 v9, v8;
	_ =	sdelay $0x1  }
0x16f: {  	v9 =	vmul.f32 v10, v9;
	_ =	sdelay $0x1  }
0x170: {  	v9 =	vadd.f32 v9, v51;
	_ =	sdelay $0x1  }
0x171: {  	v52 =	vld [tilespmem:s23+$0x880];
	[tilespmem:s23+$0x4F0] =	vst v9  }
0x172: {  	v9 =	vld [tilespmem:$0x18180];
	_ =	sdelay $0x3  }
0x173: {  	v53 =	vld [tilespmem:$0x18480]  }
0x174: {  	v10 =	vsub.f32 v52, v7;
	v9 =	vmul.f32 v9, v8;
	_ =	sdelay $0x1  }
0x175: {  	v9 =	vmul.f32 v10, v9;
	_ =	sdelay $0x1  }
0x176: {  	v9 =	vadd.f32 v9, v53;
	_ =	sdelay $0x1  }
0x177: {  	v54 =	vld [tilespmem:s23+$0x890];
	[tilespmem:s23+$0x880] =	vst v9  }
0x178: {  	v9 =	vld [tilespmem:$0x18190];
	_ =	sdelay $0x3  }
0x179: {  	v55 =	vld [tilespmem:$0x18490]  }
0x17a: {  	v10 =	vsub.f32 v54, v7;
	v9 =	vmul.f32 v9, v8;
	_ =	sdelay $0x1  }
0x17b: {  	v9 =	vmul.f32 v10, v9;
	_ =	sdelay $0x1  }
0x17c: {  	v9 =	vadd.f32 v9, v55;
	_ =	sdelay $0x1  }
0x17d: {  	v56 =	vld [tilespmem:s23+$0x8A0];
	[tilespmem:s23+$0x890] =	vst v9  }
0x17e: {  	v9 =	vld [tilespmem:$0x181A0];
	_ =	sdelay $0x3  }
0x17f: {  	v57 =	vld [tilespmem:$0x184A0]  }
0x180: {  	v10 =	vsub.f32 v56, v7;
	v9 =	vmul.f32 v9, v8;
	_ =	sdelay $0x1  }
0x181: {  	v9 =	vmul.f32 v10, v9;
	_ =	sdelay $0x1  }
0x182: {  	v9 =	vadd.f32 v9, v57;
	_ =	sdelay $0x1  }
0x183: {  	v58 =	vld [tilespmem:s23+$0x8B0];
	[tilespmem:s23+$0x8A0] =	vst v9  }
0x184: {  	v9 =	vld [tilespmem:$0x181B0];
	_ =	sdelay $0x3  }
0x185: {  	v59 =	vld [tilespmem:$0x184B0]  }
0x186: {  	v10 =	vsub.f32 v58, v7;
	v9 =	vmul.f32 v9, v8;
	_ =	sdelay $0x1  }
0x187: {  	v9 =	vmul.f32 v10, v9;
	_ =	sdelay $0x1  }
0x188: {  	v9 =	vadd.f32 v9, v59;
	_ =	sdelay $0x1  }
0x189: {  	v60 =	vld [tilespmem:s23+$0x8C0];
	[tilespmem:s23+$0x8B0] =	vst v9  }
0x18a: {  	v9 =	vld [tilespmem:$0x181C0];
	_ =	sdelay $0x3  }
0x18b: {  	v61 =	vld [tilespmem:$0x184C0]  }
0x18c: {  	v10 =	vsub.f32 v60, v7;
	v9 =	vmul.f32 v9, v8;
	_ =	sdelay $0x1  }
0x18d: {  	v9 =	vmul.f32 v10, v9;
	_ =	sdelay $0x1  }
0x18e: {  	v9 =	vadd.f32 v9, v61;
	_ =	sdelay $0x1  }
0x18f: {  	v62 =	vld [tilespmem:s23+$0x8D0];
	[tilespmem:s23+$0x8C0] =	vst v9  }
0x190: {  	v9 =	vld [tilespmem:$0x181D0];
	_ =	sdelay $0x3  }
0x191: {  	v63 =	vld [tilespmem:$0x184D0]  }
0x192: {  	v10 =	vsub.f32 v62, v7;
	v9 =	vmul.f32 v9, v8;
	_ =	sdelay $0x1  }
0x193: {  	v9 =	vmul.f32 v10, v9;
	_ =	sdelay $0x1  }
0x194: {  	v9 =	vadd.f32 v9, v63;
	_ =	sdelay $0x1  }
0x195: {  	v12 =	vld [tilespmem:s23+$0x8E0];
	[tilespmem:s23+$0x8D0] =	vst v9  }
0x196: {  	v9 =	vld [tilespmem:$0x181E0];
	_ =	sdelay $0x3  }
0x197: {  	v13 =	vld [tilespmem:$0x184E0]  }
0x198: {  	v10 =	vsub.f32 v12, v7;
	v9 =	vmul.f32 v9, v8;
	_ =	sdelay $0x1  }
0x199: {  	v9 =	vmul.f32 v10, v9;
	_ =	sdelay $0x1  }
0x19a: {  	v9 =	vadd.f32 v9, v13;
	_ =	sdelay $0x1  }
0x19b: {  	v14 =	vld [tilespmem:s23+$0x8F0];
	[tilespmem:s23+$0x8E0] =	vst v9  }
0x19c: {  	v9 =	vld [tilespmem:$0x181F0];
	_ =	sdelay $0x3  }
0x19d: {  	v15 =	vld [tilespmem:$0x184F0]  }
0x19e: {  	v10 =	vsub.f32 v14, v7;
	v9 =	vmul.f32 v9, v8;
	_ =	sdelay $0x1  }
0x19f: {  	v9 =	vmul.f32 v10, v9;
	_ =	sdelay $0x1  }
0x1a0: {  	v9 =	vadd.f32 v9, v15;
	_ =	sdelay $0x1  }
0x1a1: {  	v16 =	vld [tilespmem:s23+$0xC80];
	[tilespmem:s23+$0x8F0] =	vst v9  }
0x1a2: {  	v9 =	vld [tilespmem:$0x18200];
	_ =	sdelay $0x3  }
0x1a3: {  	v17 =	vld [tilespmem:$0x18500]  }
0x1a4: {  	v10 =	vsub.f32 v16, v7;
	v9 =	vmul.f32 v9, v8;
	_ =	sdelay $0x1  }
0x1a5: {  	v9 =	vmul.f32 v10, v9;
	_ =	sdelay $0x1  }
0x1a6: {  	v9 =	vadd.f32 v9, v17;
	_ =	sdelay $0x1  }
0x1a7: {  	v18 =	vld [tilespmem:s23+$0xC90];
	[tilespmem:s23+$0xC80] =	vst v9  }
0x1a8: {  	v9 =	vld [tilespmem:$0x18210];
	_ =	sdelay $0x3  }
0x1a9: {  	v19 =	vld [tilespmem:$0x18510]  }
0x1aa: {  	v10 =	vsub.f32 v18, v7;
	v9 =	vmul.f32 v9, v8;
	_ =	sdelay $0x1  }
0x1ab: {  	v9 =	vmul.f32 v10, v9;
	_ =	sdelay $0x1  }
0x1ac: {  	v9 =	vadd.f32 v9, v19;
	_ =	sdelay $0x1  }
0x1ad: {  	v20 =	vld [tilespmem:s23+$0xCA0];
	[tilespmem:s23+$0xC90] =	vst v9  }
0x1ae: {  	v9 =	vld [tilespmem:$0x18220];
	_ =	sdelay $0x3  }
0x1af: {  	v21 =	vld [tilespmem:$0x18520]  }
0x1b0: {  	v10 =	vsub.f32 v20, v7;
	v9 =	vmul.f32 v9, v8;
	_ =	sdelay $0x1  }
0x1b1: {  	v9 =	vmul.f32 v10, v9;
	_ =	sdelay $0x1  }
0x1b2: {  	v9 =	vadd.f32 v9, v21;
	_ =	sdelay $0x1  }
0x1b3: {  	v22 =	vld [tilespmem:s23+$0xCB0];
	[tilespmem:s23+$0xCA0] =	vst v9  }
0x1b4: {  	v9 =	vld [tilespmem:$0x18230];
	_ =	sdelay $0x3  }
0x1b5: {  	v23 =	vld [tilespmem:$0x18530]  }
0x1b6: {  	v10 =	vsub.f32 v22, v7;
	v9 =	vmul.f32 v9, v8;
	_ =	sdelay $0x1  }
0x1b7: {  	v9 =	vmul.f32 v10, v9;
	_ =	sdelay $0x1  }
0x1b8: {  	v9 =	vadd.f32 v9, v23;
	_ =	sdelay $0x1  }
0x1b9: {  	v24 =	vld [tilespmem:s23+$0xCC0];
	[tilespmem:s23+$0xCB0] =	vst v9  }
0x1ba: {  	v9 =	vld [tilespmem:$0x18240];
	_ =	sdelay $0x3  }
0x1bb: {  	v25 =	vld [tilespmem:$0x18540]  }
0x1bc: {  	v10 =	vsub.f32 v24, v7;
	v9 =	vmul.f32 v9, v8;
	_ =	sdelay $0x1  }
0x1bd: {  	v9 =	vmul.f32 v10, v9;
	_ =	sdelay $0x1  }
0x1be: {  	v9 =	vadd.f32 v9, v25;
	_ =	sdelay $0x1  }
0x1bf: {  	v26 =	vld [tilespmem:s23+$0xCD0];
	[tilespmem:s23+$0xCC0] =	vst v9  }
0x1c0: {  	v9 =	vld [tilespmem:$0x18250];
	_ =	sdelay $0x3  }
0x1c1: {  	v27 =	vld [tilespmem:$0x18550]  }
0x1c2: {  	v10 =	vsub.f32 v26, v7;
	v9 =	vmul.f32 v9, v8;
	_ =	sdelay $0x1  }
0x1c3: {  	v9 =	vmul.f32 v10, v9;
	_ =	sdelay $0x1  }
0x1c4: {  	v9 =	vadd.f32 v9, v27;
	_ =	sdelay $0x1  }
0x1c5: {  	v28 =	vld [tilespmem:s23+$0xCE0];
	[tilespmem:s23+$0xCD0] =	vst v9  }
0x1c6: {  	v9 =	vld [tilespmem:$0x18260];
	_ =	sdelay $0x3  }
0x1c7: {  	v29 =	vld [tilespmem:$0x18560]  }
0x1c8: {  	v10 =	vsub.f32 v28, v7;
	v9 =	vmul.f32 v9, v8;
	_ =	sdelay $0x1  }
0x1c9: {  	v9 =	vmul.f32 v10, v9;
	_ =	sdelay $0x1  }
0x1ca: {  	v9 =	vadd.f32 v9, v29;
	_ =	sdelay $0x1  }
0x1cb: {  	v30 =	vld [tilespmem:s23+$0xCF0];
	[tilespmem:s23+$0xCE0] =	vst v9  }
0x1cc: {  	v9 =	vld [tilespmem:$0x18270];
	_ =	sdelay $0x3  }
0x1cd: {  	v31 =	vld [tilespmem:$0x18570]  }
0x1ce: {  	v10 =	vsub.f32 v30, v7;
	v9 =	vmul.f32 v9, v8;
	_ =	sdelay $0x1  }
0x1cf: {  	v9 =	vmul.f32 v10, v9;
	_ =	sdelay $0x1  }
0x1d0: {  	v9 =	vadd.f32 v9, v31;
	_ =	sdelay $0x1  }
0x1d1: {  	v32 =	vld [tilespmem:s23+$0x1080];
	[tilespmem:s23+$0xCF0] =	vst v9  }
0x1d2: {  	v9 =	vld [tilespmem:$0x18280];
	_ =	sdelay $0x3  }
0x1d3: {  	v33 =	vld [tilespmem:$0x18580]  }
0x1d4: {  	v10 =	vsub.f32 v32, v7;
	v9 =	vmul.f32 v9, v8;
	_ =	sdelay $0x1  }
0x1d5: {  	v9 =	vmul.f32 v10, v9;
	_ =	sdelay $0x1  }
0x1d6: {  	v9 =	vadd.f32 v9, v33;
	_ =	sdelay $0x1  }
0x1d7: {  	v34 =	vld [tilespmem:s23+$0x1090];
	[tilespmem:s23+$0x1080] =	vst v9  }
0x1d8: {  	v9 =	vld [tilespmem:$0x18290];
	_ =	sdelay $0x3  }
0x1d9: {  	v35 =	vld [tilespmem:$0x18590]  }
0x1da: {  	v10 =	vsub.f32 v34, v7;
	v9 =	vmul.f32 v9, v8;
	_ =	sdelay $0x1  }
0x1db: {  	v9 =	vmul.f32 v10, v9;
	_ =	sdelay $0x1  }
0x1dc: {  	v9 =	vadd.f32 v9, v35;
	_ =	sdelay $0x1  }
0x1dd: {  	v36 =	vld [tilespmem:s23+$0x10A0];
	[tilespmem:s23+$0x1090] =	vst v9  }
0x1de: {  	v9 =	vld [tilespmem:$0x182A0];
	_ =	sdelay $0x3  }
0x1df: {  	v37 =	vld [tilespmem:$0x185A0]  }
0x1e0: {  	v10 =	vsub.f32 v36, v7;
	v9 =	vmul.f32 v9, v8;
	_ =	sdelay $0x1  }
0x1e1: {  	v9 =	vmul.f32 v10, v9;
	_ =	sdelay $0x1  }
0x1e2: {  	v9 =	vadd.f32 v9, v37;
	_ =	sdelay $0x1  }
0x1e3: {  	v38 =	vld [tilespmem:s23+$0x10B0];
	[tilespmem:s23+$0x10A0] =	vst v9  }
0x1e4: {  	v9 =	vld [tilespmem:$0x182B0];
	_ =	sdelay $0x3  }
0x1e5: {  	v39 =	vld [tilespmem:$0x185B0]  }
0x1e6: {  	v10 =	vsub.f32 v38, v7;
	v9 =	vmul.f32 v9, v8;
	_ =	sdelay $0x1  }
0x1e7: {  	v9 =	vmul.f32 v10, v9;
	_ =	sdelay $0x1  }
0x1e8: {  	v9 =	vadd.f32 v9, v39;
	_ =	sdelay $0x1  }
0x1e9: {  	v40 =	vld [tilespmem:s23+$0x10C0];
	[tilespmem:s23+$0x10B0] =	vst v9  }
0x1ea: {  	v9 =	vld [tilespmem:$0x182C0];
	_ =	sdelay $0x3  }
0x1eb: {  	v41 =	vld [tilespmem:$0x185C0]  }
0x1ec: {  	v10 =	vsub.f32 v40, v7;
	v9 =	vmul.f32 v9, v8;
	_ =	sdelay $0x1  }
0x1ed: {  	v9 =	vmul.f32 v10, v9;
	_ =	sdelay $0x1  }
0x1ee: {  	v9 =	vadd.f32 v9, v41;
	_ =	sdelay $0x1  }
0x1ef: {  	v42 =	vld [tilespmem:s23+$0x10D0];
	[tilespmem:s23+$0x10C0] =	vst v9  }
0x1f0: {  	v9 =	vld [tilespmem:$0x182D0];
	_ =	sdelay $0x3  }
0x1f1: {  	v43 =	vld [tilespmem:$0x185D0]  }
0x1f2: {  	v10 =	vsub.f32 v42, v7;
	v9 =	vmul.f32 v9, v8;
	_ =	sdelay $0x1  }
0x1f3: {  	v9 =	vmul.f32 v10, v9;
	_ =	sdelay $0x1  }
0x1f4: {  	v9 =	vadd.f32 v9, v43;
	_ =	sdelay $0x1  }
0x1f5: {  	v44 =	vld [tilespmem:s23+$0x10E0];
	[tilespmem:s23+$0x10D0] =	vst v9  }
0x1f6: {  	v9 =	vld [tilespmem:$0x182E0];
	_ =	sdelay $0x3  }
0x1f7: {  	v45 =	vld [tilespmem:$0x185E0]  }
0x1f8: {  	v10 =	vsub.f32 v44, v7;
	v9 =	vmul.f32 v9, v8;
	_ =	sdelay $0x1  }
0x1f9: {  	v9 =	vmul.f32 v10, v9;
	_ =	sdelay $0x1  }
0x1fa: {  	v9 =	vadd.f32 v9, v45;
	_ =	sdelay $0x1  }
0x1fb: {  	v46 =	vld [tilespmem:s23+$0x10F0];
	[tilespmem:s23+$0x10E0] =	vst v9  }
0x1fc: {  	v9 =	vld [tilespmem:$0x182F0];
	_ =	sdelay $0x3  }
0x1fd: {  	v47 =	vld [tilespmem:$0x185F0]  }
0x1fe: {  	v10 =	vsub.f32 v46, v7;
	v9 =	vmul.f32 v9, v8;
	_ =	sdelay $0x1  }
0x1ff: {  	v9 =	vmul.f32 v10, v9;
	_ =	sdelay $0x1  }
0x200: {  	v9 =	vadd.f32 v9, v47;
	_ =	sdelay $0x1  }
0x201: {  	v48 =	vld [tilespmem:s23+$0x1480];
	[tilespmem:s23+$0x10F0] =	vst v9  }
0x202: {  	v9 =	vld [tilespmem:$0x18300];
	_ =	sdelay $0x3  }
0x203: {  	v49 =	vld [tilespmem:$0x18600]  }
0x204: {  	v10 =	vsub.f32 v48, v7;
	v9 =	vmul.f32 v9, v8;
	_ =	sdelay $0x1  }
0x205: {  	v9 =	vmul.f32 v10, v9;
	_ =	sdelay $0x1  }
0x206: {  	v9 =	vadd.f32 v9, v49;
	_ =	sdelay $0x1  }
0x207: {  	v50 =	vld [tilespmem:s23+$0x1490];
	[tilespmem:s23+$0x1480] =	vst v9  }
0x208: {  	v9 =	vld [tilespmem:$0x18310];
	_ =	sdelay $0x3  }
0x209: {  	v51 =	vld [tilespmem:$0x18610]  }
0x20a: {  	v10 =	vsub.f32 v50, v7;
	v9 =	vmul.f32 v9, v8;
	_ =	sdelay $0x1  }
0x20b: {  	v9 =	vmul.f32 v10, v9;
	_ =	sdelay $0x1  }
0x20c: {  	v9 =	vadd.f32 v9, v51;
	_ =	sdelay $0x1  }
0x20d: {  	v52 =	vld [tilespmem:s23+$0x14A0];
	[tilespmem:s23+$0x1490] =	vst v9  }
0x20e: {  	v9 =	vld [tilespmem:$0x18320];
	_ =	sdelay $0x3  }
0x20f: {  	v53 =	vld [tilespmem:$0x18620]  }
0x210: {  	v10 =	vsub.f32 v52, v7;
	v9 =	vmul.f32 v9, v8;
	_ =	sdelay $0x1  }
0x211: {  	v9 =	vmul.f32 v10, v9;
	_ =	sdelay $0x1  }
0x212: {  	v9 =	vadd.f32 v9, v53;
	_ =	sdelay $0x1  }
0x213: {  	v54 =	vld [tilespmem:s23+$0x14B0];
	[tilespmem:s23+$0x14A0] =	vst v9  }
0x214: {  	v9 =	vld [tilespmem:$0x18330];
	_ =	sdelay $0x3  }
0x215: {  	v55 =	vld [tilespmem:$0x18630]  }
0x216: {  	v10 =	vsub.f32 v54, v7;
	v9 =	vmul.f32 v9, v8;
	_ =	sdelay $0x1  }
0x217: {  	v9 =	vmul.f32 v10, v9;
	_ =	sdelay $0x1  }
0x218: {  	v9 =	vadd.f32 v9, v55;
	_ =	sdelay $0x1  }
0x219: {  	v56 =	vld [tilespmem:s23+$0x14C0];
	[tilespmem:s23+$0x14B0] =	vst v9  }
0x21a: {  	v9 =	vld [tilespmem:$0x18340];
	_ =	sdelay $0x3  }
0x21b: {  	v57 =	vld [tilespmem:$0x18640]  }
0x21c: {  	v10 =	vsub.f32 v56, v7;
	v9 =	vmul.f32 v9, v8;
	_ =	sdelay $0x1  }
0x21d: {  	v9 =	vmul.f32 v10, v9;
	_ =	sdelay $0x1  }
0x21e: {  	v9 =	vadd.f32 v9, v57;
	_ =	sdelay $0x1  }
0x21f: {  	v58 =	vld [tilespmem:s23+$0x14D0];
	[tilespmem:s23+$0x14C0] =	vst v9  }
0x220: {  	v9 =	vld [tilespmem:$0x18350];
	_ =	sdelay $0x3  }
0x221: {  	v59 =	vld [tilespmem:$0x18650]  }
0x222: {  	v10 =	vsub.f32 v58, v7;
	v9 =	vmul.f32 v9, v8;
	_ =	sdelay $0x1  }
0x223: {  	v9 =	vmul.f32 v10, v9;
	_ =	sdelay $0x1  }
0x224: {  	v9 =	vadd.f32 v9, v59;
	_ =	sdelay $0x1  }
0x225: {  	v60 =	vld [tilespmem:s23+$0x14E0];
	[tilespmem:s23+$0x14D0] =	vst v9  }
0x226: {  	v9 =	vld [tilespmem:$0x18360];
	_ =	sdelay $0x3  }
0x227: {  	v61 =	vld [tilespmem:$0x18660]  }
0x228: {  	v10 =	vsub.f32 v60, v7;
	v9 =	vmul.f32 v9, v8;
	_ =	sdelay $0x1  }
0x229: {  	v9 =	vmul.f32 v10, v9;
	_ =	sdelay $0x1  }
0x22a: {  	v9 =	vadd.f32 v9, v61;
	_ =	sdelay $0x1  }
0x22b: {  	v62 =	vld [tilespmem:s23+$0x14F0];
	[tilespmem:s23+$0x14E0] =	vst v9  }
0x22c: {  	v9 =	vld [tilespmem:$0x18370];
	_ =	sdelay $0x3  }
0x22d: {  	v63 =	vld [tilespmem:$0x18670]  }
0x22e: {  	v7 =	vsub.f32 v62, v7;
	v8 =	vmul.f32 v9, v8  }
0x22f: {  	p0 =	sne.s32 s22, $0x3F  }
.Ltmp0:
0x230: {  	v7 =	vmul.f32 v7, v8;
	(pc) =	sbr.rel @p0 .LBB2_3-.Ltmp0, $3  }
0x231: {  	_ = 	snop  }
0x232: {  	v7 =	vadd.f32 v7, v63;
	_ =	sdelay $0x1  }
0x233: {  	s21 =	sadd.s32 $0x80, s21;
	s22 =	sadd.s32 $0x1, s22;
	[tilespmem:s23+$0x14F0] =	vst v7  }
0x234: {  	s20 =	smul.u32 $0x300, s20;
	s19 =	sadd.s32 $0x1, s19  }
0x235: {  	s21 =	rddreg [dreg:$0x5];
	p0 =	sne.s32 s19, $0x10  }
.Ltmp1:
0x236: {  	s20 =	sadd.s32 s21, s20;
	(pc) =	sbr.rel @p0 .LBB2_2-.Ltmp1, $4  }
0x237: {  	[hbm4b:s20+s6] =	stream.linear.scatter [tilespmem:s16], [sflag:$0x2], $0xC000, $0x38;
	[tilespmem:$0x18680] =	vst v63  }
0x238: {  	_ =	swait.ge [sflag:s14], $0xC000  }
0x239: {  	[sflag:s14] =	ssyncset.done $0x0  }
0x23a: {  	[sflag:s14] =	ssyncadd.s32 $0xFFFF4000  }
0x23b: {  	s20 =	rddreg [dreg:$0x8]  }
0x23c: {  	s19 =	rddreg [dreg:$0x7];
	s20 =	sadd.s32 $0x1, s20  }
0x23d: {  	p0 =	sne.s32 s20, s19  }
.Ltmp2:
0x23e: {  	_ = 	snop;
	(pc) =	sbr.rel @p0 .LBB2_1-.Ltmp2, $1  }
0x23f: {  	_ =	sdelay $0x3  }
0x240: {  	_ =	sfence.sel $0x180000  }
0x241: {  	[bflag:$0x0] =	sbarrier.arrive $0xFFFF  }
0x242: {  	_ =	strace $0x90000047  }
0x243: {  	s0 =	stileid.u32;
	[bflag:$0x2] =	sbarrier.arrive $0xFFFF  }
0x244: {  	p0 =	sne.s32 s0, $0x0;
	s0 =	rddreg [dreg:$0x6]  }
0x245: {  	s0 =	sadd.s32 @!p0 $0x100000, s0  }
0x246: {  	[sflag:s0] =	ssyncadd.tile.s32 @!p0 $0x1;
	_ =	shalt  }
.Lfunc_end2:
_tile_overlayer_lowered:
.L_overlay_start_2:
0x247: {  	(tag) =	ssettag $0x2  }
0x248: {  	s0 =	rddreg [dreg:$0x0];
	s2 =	stileid.u32  }
0x249: {  	s1 =	rddreg [dreg:$0x1];
	p0 =	sne.s32 s2, $0x0  }
0x24a: {  	s3 =	rddreg [dreg:$0x2];
	[bflag:$0x3] =	sbarrier.arrive $0xFFFF;
	s2 =	simm.s32 @!p0 $0x1C02  }
0x24b: {  	[timem:s3], [sflag:s2] =	dma.local @!p0 [hbm:s0], s1  }
0x24c: {  	s0 =	simm.s32 @!p0 $0x2  }
0x24d: {  	_ =	swait.ge @!p0 [sflag:s0], s1  }
0x24e: {  	s1 =	ssub.s32 @!p0 $0x0, s1;
	[sflag:s0] =	ssyncset.done @!p0 $0x0  }
0x24f: {  	[sflag:s0] =	ssyncadd.s32 @!p0 s1  }
0x250: {  	[bflag:$0x3] =	sbarrier.arrive $0xFFFF  }
0x251: {  	_ =	shalt  }

</sc_bundles>
